<compile_context>
chip_gen: v7x
topology: tpu7x:2x2x1
jax: 0.10.2.dev20260603
libtpu: 0.0.44.dev20260713+nightly
codegen_flags: <defaults>
</compile_context>

<pallas_src>
import functools

import jax
import jax.numpy as jnp
from jax import lax
from jax.experimental import pallas as pl
from jax.experimental.pallas import tpu as pltpu
from jax.experimental.pallas import tpu_sc as plsc

_B = 16
_NPG = 1024
_K = 16
_NCLS = 40
_HID = 128
_NTOT = _B * _NPG
_E = _NTOT * _K

_ACOS_C = (-0.0012624911, 0.0066700901, -0.0170881256, 0.0308918810,
           -0.0501743046, 0.0889789874, -0.2145988016, 1.5707963050)
_PI = 3.141592653589793


def _acos(v):
    t = jnp.minimum(jnp.abs(v), 1.0)
    p = jnp.float32(_ACOS_C[0])
    for c in _ACOS_C[1:]:
        p = p * t + jnp.float32(c)
    r = jnp.sqrt(jnp.maximum(1.0 - t, 0.0)) * p
    return jnp.where(v < 0.0, jnp.float32(_PI) - r, r)


def _sigmoid(v):
    return 1.0 / (1.0 + jnp.exp(-v))


def _softplus(v):
    return jnp.maximum(v, 0.0) + jnp.log1p(jnp.exp(-jnp.abs(v)))



def _sel1_body(pos3_ref, posT_ref, xT_ref, wf_ref, bf_ref, ws_ref, bs_ref,
               linT_ref, linb_ref, idx_ref, ea_ref, h_ref, p_ref):
    N = _NPG
    K = _K
    f32 = jnp.float32
    pos = pos3_ref[0]
    posT = posT_ref[0]
    xT = xT_ref[0]
    d0 = pos[:, 0:1] - posT[0:1, :]
    d1 = pos[:, 1:2] - posT[1:2, :]
    d2 = pos[:, 2:3] - posT[2:3, :]
    D = (d0 * d0 + d1 * d1) + d2 * d2

    iota0 = lax.broadcasted_iota(jnp.int32, (N, N), 0)
    kio = lax.broadcasted_iota(jnp.int32, (K, N), 0)
    SCALE = jnp.float32(1 << 19)
    MAXI = jnp.int32(2147483647)
    keys = jnp.bitwise_or(
        lax.shift_left((D * SCALE).astype(jnp.int32), 10), iota0)

    def sel(k, carry):
        keys, idxT = carry
        mk = jnp.min(keys, axis=0, keepdims=True)
        keys = jnp.where(keys == mk, MAXI, keys)
        idxT = jnp.where(kio == k, jnp.bitwise_and(mk, 1023), idxT)
        return (keys, idxT)

    _, idxT = lax.fori_loop(0, K, sel, (keys, jnp.zeros((K, N), jnp.int32)))
    b = pl.program_id(0)
    idx_ref[0] = idxT + b * N

    idx_q = lax.shift_right_logical(idxT, 7)
    idx_r = jnp.bitwise_and(idxT, 127)
    z_kn = jnp.zeros((K, N), f32)

    def grow(rowT):
        acc = z_kn
        for c in range(N // 128):
            xc = jnp.broadcast_to(rowT[:, c * 128:(c + 1) * 128], (K, 128))
            gc = jnp.take_along_axis(xc, idx_r, axis=1)
            acc = jnp.where(idx_q == c, gc, acc)
        return acc

    v0 = grow(posT[0:1, :]) - posT[0:1, :]
    v1 = grow(posT[1:2, :]) - posT[1:2, :]
    v2 = grow(posT[2:3, :]) - posT[2:3, :]
    dist = jnp.sqrt((v0 * v0 + v1 * v1) + v2 * v2)
    ea = (_acos(v0), _acos(v1), _acos(v2), dist)
    gx = (grow(xT[0:1, :]), grow(xT[1:2, :]), grow(xT[2:3, :]))

    hT_new = _layer_compute(xT, gx, ea, wf_ref[...], bf_ref[...],
                            ws_ref[...], bs_ref[...])
    xl = (jnp.dot(linT_ref[...], hT_new, preferred_element_type=f32)
          + linb_ref[...])
    ea_ref[0] = jnp.concatenate([e[None] for e in ea], axis=0)
    h_ref[0] = hT_new
    p_ref[0] = jnp.max(xl, axis=1, keepdims=True)


def _select_layer1(pos3, posT, xT, wfT, bfT, wsT, bsT, linT, linb):
    B, N, K = _B, _NPG, _K
    f32 = jnp.float32
    return pl.pallas_call(
        _sel1_body,
        grid=(B,),
        in_specs=([pl.BlockSpec((1, N, 3), lambda b: (b, 0, 0)),
                   pl.BlockSpec((1, 3, N), lambda b: (b, 0, 0)),
                   pl.BlockSpec((1, 3, N), lambda b: (b, 0, 0))]
                  + [_full_spec(w) for w in
                     (wfT, bfT, wsT, bsT, linT, linb)]),
        out_specs=(_graph_spec((K, N)), _graph_spec((4, K, N)),
                   _graph_spec((3, N)), _graph_spec((_HID, 1))),
        out_shape=(jax.ShapeDtypeStruct((B, K, N), jnp.int32),
                   jax.ShapeDtypeStruct((B, 4, K, N), f32),
                   jax.ShapeDtypeStruct((B, 3, N), f32),
                   jax.ShapeDtypeStruct((B, _HID, 1), f32)),
    )(pos3, posT, xT, wfT, bfT, wsT, bsT, linT, linb)



def _sc_gather(table, idx_flat, C):
    info = plsc.get_sparse_core_info()
    NW = info.num_cores * info.num_subcores
    L = info.num_lanes
    b_per_w = _E // NW
    CHUNK = 8192
    NCH = b_per_w // CHUNK
    mesh = plsc.VectorSubcoreMesh(core_axis_name="c", subcore_axis_name="s")

    @functools.partial(
        pl.kernel, mesh=mesh,
        out_type=jax.ShapeDtypeStruct((C * _E,), jnp.float32),
        scratch_types=[
            pltpu.VMEM((CHUNK,), jnp.int32),
            pltpu.VMEM((C * CHUNK,), jnp.int32),
            pltpu.VMEM((C * CHUNK,), jnp.float32),
            pltpu.SemaphoreType.DMA,
        ],
    )
    def k(table_hbm, idx_hbm, out_hbm, idx_v, ivf_v, gout_v, sem):
        wid = lax.axis_index("s") * info.num_cores + lax.axis_index("c")
        base = wid * b_per_w
        for j in range(NCH):
            off = base + j * CHUNK
            pltpu.sync_copy(idx_hbm.at[pl.ds(off, CHUNK)], idx_v)

            def group(g, _):
                gi = idx_v[pl.ds(g * L, L)] * C
                for c in range(C):
                    ivf_v[pl.ds(c * CHUNK + g * L, L)] = gi + c
                return 0

            lax.fori_loop(0, CHUNK // L, group, 0)
            pltpu.async_copy(table_hbm.at[ivf_v], gout_v, sem).wait()
            for c in range(C):
                pltpu.sync_copy(gout_v.at[pl.ds(c * CHUNK, CHUNK)],
                                out_hbm.at[pl.ds(c * _E + off, CHUNK)])

    return k(table, idx_flat)



def _layer_compute(hT, gx, ea, wfT, bfT, wsT, bsT):
    f32 = jnp.float32
    hf = jnp.dot(wfT[:, 0:3], hT, preferred_element_type=f32) + bfT
    hs = jnp.dot(wsT[:, 0:3], hT, preferred_element_type=f32) + bsT
    aggs = []
    for c in range(3):
        F = hf[c:c + 1, :]
        S = hs[c:c + 1, :]
        for t in range(3):
            F = F + gx[t] * wfT[c:c + 1, 3 + t:4 + t]
            S = S + gx[t] * wsT[c:c + 1, 3 + t:4 + t]
        for t in range(4):
            F = F + ea[t] * wfT[c:c + 1, 6 + t:7 + t]
            S = S + ea[t] * wsT[c:c + 1, 6 + t:7 + t]
        m = _sigmoid(F) * _softplus(S)
        aggs.append(jnp.sum(m, axis=0, keepdims=True))
    return hT + jnp.concatenate(aggs, axis=0)


def _make_layer_body(mode):
    def body(*refs):
        f32 = jnp.float32
        it = iter(refs)
        gcm = next(it)[...][:, 0]
        if mode == 1:
            posT = next(it)[0]
        else:
            ea_in = next(it)[0]
        hT = next(it)[0]
        wfT = next(it)[...]
        bfT = next(it)[...]
        wsT = next(it)[...]
        bsT = next(it)[...]
        linT = next(it)[...]
        linb = next(it)[...]
        if mode == 3:
            clsT = next(it)[...]
            clsb = next(it)[...]
            p1 = next(it)[0]
            p2 = next(it)[0]
        outs = list(it)

        if mode == 1:
            gp = (gcm[0], gcm[1], gcm[2])
            gx = (gcm[3], gcm[4], gcm[5])
            v0 = gp[0] - posT[0:1, :]
            v1 = gp[1] - posT[1:2, :]
            v2 = gp[2] - posT[2:3, :]
            dist = jnp.sqrt((v0 * v0 + v1 * v1) + v2 * v2)
            ea = (_acos(v0), _acos(v1), _acos(v2), dist)
        else:
            gx = (gcm[0], gcm[1], gcm[2])
            ea = (ea_in[0], ea_in[1], ea_in[2], ea_in[3])

        hT_new = _layer_compute(hT, gx, ea, wfT, bfT, wsT, bsT)
        xl = jnp.dot(linT, hT_new, preferred_element_type=f32) + linb
        p = jnp.max(xl, axis=1, keepdims=True)

        if mode == 1:
            ea_ref, h_ref, p_ref = outs
            ea_ref[0] = jnp.concatenate(
                [e[None] for e in ea], axis=0)
            h_ref[0] = hT_new
            p_ref[0] = p
        elif mode == 2:
            h_ref, p_ref = outs
            h_ref[0] = hT_new
            p_ref[0] = p
        else:
            (o_ref,) = outs
            psum = (p1 + p2) + p
            o_ref[0] = (jnp.dot(clsT, psum, preferred_element_type=f32)
                        + clsb)
    return body


def _full_spec(arr):
    nd = arr.ndim
    return pl.BlockSpec(arr.shape, lambda b, _nd=nd: (0,) * _nd)


def _graph_spec(shape):
    nd = len(shape)
    return pl.BlockSpec((1,) + tuple(shape),
                        lambda b, _nd=nd: (b,) + (0,) * _nd)


def _run_layer(mode, gcm, aux, hT, wfT, bfT, wsT, bsT, linT, linb,
               cls_args=(), p_args=()):
    f32 = jnp.float32
    B, N, K = _B, _NPG, _K
    in_arrays = [gcm, aux, hT, wfT, bfT, wsT, bsT, linT, linb,
                 *cls_args, *p_args]
    C = gcm.shape[0]
    in_specs = ([pl.BlockSpec((C, 1, K, N), lambda b: (0, b, 0, 0)),
                 _graph_spec(aux.shape[1:]),
                 _graph_spec((3, N))]
                + [_full_spec(w) for w in (wfT, bfT, wsT, bsT, linT, linb)]
                + [_full_spec(w) for w in cls_args]
                + [_graph_spec(p.shape[1:]) for p in p_args])
    if mode == 1:
        out_shape = (jax.ShapeDtypeStruct((B, 4, K, N), f32),
                     jax.ShapeDtypeStruct((B, 3, N), f32),
                     jax.ShapeDtypeStruct((B, _HID, 1), f32))
        out_specs = (_graph_spec((4, K, N)), _graph_spec((3, N)),
                     _graph_spec((_HID, 1)))
    elif mode == 2:
        out_shape = (jax.ShapeDtypeStruct((B, 3, N), f32),
                     jax.ShapeDtypeStruct((B, _HID, 1), f32))
        out_specs = (_graph_spec((3, N)), _graph_spec((_HID, 1)))
    else:
        out_shape = jax.ShapeDtypeStruct((B, _NCLS, 1), f32)
        out_specs = _graph_spec((_NCLS, 1))
    return pl.pallas_call(
        _make_layer_body(mode),
        grid=(B,),
        in_specs=in_specs,
        out_specs=out_specs,
        out_shape=out_shape,
    )(*in_arrays)


def kernel(x, pos, batch, W_f1, b_f1, W_s1, b_s1, W_f2, b_f2, W_s2, b_s2,
           W_f3, b_f3, W_s3, b_s3, lin_W, lin_b, cls_W, cls_b):
    B, N = _B, _NPG
    f32 = jnp.float32

    pos3 = pos.reshape(B, N, 3)
    posT = jnp.transpose(pos3, (0, 2, 1))
    xT = jnp.transpose(x.reshape(B, N, 3), (0, 2, 1))


    w = {}
    for i, (Wf, bf, Ws, bs) in enumerate(((W_f1, b_f1, W_s1, b_s1),
                                          (W_f2, b_f2, W_s2, b_s2),
                                          (W_f3, b_f3, W_s3, b_s3)), 1):
        w[i] = (Wf.T, bf.reshape(3, 1), Ws.T, bs.reshape(3, 1))
    linT, linb = lin_W.T, lin_b.reshape(_HID, 1)
    clsT, clsb = cls_W.T, cls_b.reshape(_NCLS, 1)

    idx, ea, h1, p1 = _select_layer1(pos3, posT, xT, *w[1], linT, linb)
    idx_flat = idx.reshape(_E)

    g2 = _sc_gather(jnp.transpose(h1, (0, 2, 1)).reshape(-1),
                    idx_flat, 3).reshape(3, B, _K, N)
    h2, p2 = _run_layer(2, g2, ea, h1, *w[2], linT, linb)

    g3 = _sc_gather(jnp.transpose(h2, (0, 2, 1)).reshape(-1),
                    idx_flat, 3).reshape(3, B, _K, N)
    out = _run_layer(3, g3, ea, h2, *w[3], linT, linb,
                     cls_args=(clsT, clsb), p_args=(p1, p2))
    return out.reshape(B, _NCLS)

# --- scband reference (transcript-rebuilt; emitter-appended) ---
"""Pipeline reference for scband-cgcnn-1022202216785 (READ-ONLY COPY).

The authoritative reference and input builder live on the scoring server;
editing this copy changes nothing except your own understanding.
"""

import jax, jax.numpy as jnp
import numpy as np

N = 16384
B = 16
NPG = 1024
K = 16
NUM_CLASSES = 40


def _lin_init(k, fan_in, fan_out):
    k1, k2 = jax.random.split(k)
    bound = 1.0 / np.sqrt(fan_in)
    W = jax.random.uniform(k1, (fan_in, fan_out), minval=-bound, maxval=bound, dtype=jnp.float32)
    b = jax.random.uniform(k2, (fan_out,), minval=-bound, maxval=bound, dtype=jnp.float32)
    return W, b


def setup_inputs(seed: int = 0):
    key = jax.random.key(seed)
    ks = jax.random.split(key, 12)
    x = jax.random.normal(ks[0], (N, 3), dtype=jnp.float32)
    pos = jax.random.uniform(ks[1], (N, 3), dtype=jnp.float32)
    batch = jnp.repeat(jnp.arange(B, dtype=jnp.int32), NPG)
    inp = {'x': x, 'pos': pos, 'batch': batch}
    for i in range(1, 4):
        Wf, bf = _lin_init(ks[2 * i], 10, 3)
        Ws, bs = _lin_init(ks[2 * i + 1], 10, 3)
        inp['W_f%d' % i] = Wf
        inp['b_f%d' % i] = bf
        inp['W_s%d' % i] = Ws
        inp['b_s%d' % i] = bs
    lin_W, lin_b = _lin_init(ks[10], 3, 128)
    cls_W, cls_b = _lin_init(ks[11], 128, NUM_CLASSES)
    inp.update({'lin_W': lin_W, 'lin_b': lin_b, 'cls_W': cls_W, 'cls_b': cls_b})
    return inp


def _knn_graph(pos):
    # brute-force kNN within each batch graph (equal-sized clouds), loop=True (self included)
    posb = pos.reshape(B, NPG, 3)
    d2 = jnp.sum((posb[:, :, None, :] - posb[:, None, :, :]) ** 2, axis=-1)  # [B, NPG, NPG]
    _, idx = jax.lax.top_k(-d2, K)  # [B, NPG, K] local neighbor indices (self has d2=0 -> included)
    offsets = (jnp.arange(B) * NPG)[:, None, None]
    src = (idx + offsets).reshape(-1)  # edge_index[0]: neighbor / source j
    dst = jnp.repeat(jnp.arange(N), K)  # edge_index[1]: center / target i
    return src, dst


def _edge_attr(pos, src, dst):
    vectors = pos[src] - pos[dst]
    # pos in [0,1)^3 so components are strictly inside (-1,1); clip only guards fp edge cases
    xa = jnp.arccos(jnp.clip(vectors[:, 0:1], -1.0, 1.0))
    ya = jnp.arccos(jnp.clip(vectors[:, 1:2], -1.0, 1.0))
    za = jnp.arccos(jnp.clip(vectors[:, 2:3], -1.0, 1.0))
    s = jnp.square(pos[src] - pos[dst])
    dist = jnp.sqrt(jnp.sum(s, axis=1, keepdims=True))
    return jnp.concatenate([xa, ya, za, dist], axis=1)


def _cgconv(x, edge_attr, src, dst, Wf, bf, Ws, bs):
    # PyG CGConv: z = [x_i, x_j, e_ij]; m = sigmoid(lin_f(z)) * softplus(lin_s(z)); out = x + sum_j m
    z = jnp.concatenate([x[dst], x[src], edge_attr], axis=1)  # [E, 10]
    m = jax.nn.sigmoid(z @ Wf + bf) * jax.nn.softplus(z @ Ws + bs)
    agg = jnp.zeros_like(x).at[dst].add(m)
    return x + agg


def reference(x, pos, batch, W_f1, b_f1, W_s1, b_s1, W_f2, b_f2, W_s2, b_s2, W_f3, b_f3, W_s3, b_s3, lin_W, lin_b, cls_W, cls_b):
    src, dst = _knn_graph(pos)
    ea = _edge_attr(pos, src, dst)
    h = _cgconv(x, ea, src, dst, W_f1, b_f1, W_s1, b_s1)
    x1 = h @ lin_W + lin_b
    h = _cgconv(h, ea, src, dst, W_f2, b_f2, W_s2, b_s2)
    x2 = h @ lin_W + lin_b
    h = _cgconv(h, ea, src, dst, W_f3, b_f3, W_s3, b_s3)
    x3 = h @ lin_W + lin_b
    p = (jax.ops.segment_max(x1, batch, num_segments=B)
         + jax.ops.segment_max(x2, batch, num_segments=B)
         + jax.ops.segment_max(x3, batch, num_segments=B))
    return p @ cls_W + cls_b

if __name__ == "__main__":
    import jax
    _d = setup_inputs()
    print(jax.jit(kernel)(*tuple(_d.values())))

</pallas_src>

<mosaic_0001>
#map = affine_map<(d0, d1) -> (0)>
module attributes {stable_mosaic.version = 14 : i64} {
  func.func @k(%arg0: i32, %arg1: i32, %arg2: memref<49152xf32, #tpu.memory_space<hbm>>, %arg3: memref<262144xi32, #tpu.memory_space<hbm>>, %arg4: memref<786432xf32, #tpu.memory_space<hbm>>, %arg5: memref<8192xi32, #tpu.memory_space<vmem>>, %arg6: memref<24576xi32, #tpu.memory_space<vmem>>, %arg7: memref<24576xf32, #tpu.memory_space<vmem>>, %arg8: memref<!tpu.dma_semaphore, #tpu.memory_space<semaphore_mem>>) attributes {dimension_semantics = [#tpu.dimension_semantics<core_parallel>, #tpu.dimension_semantics<subcore_parallel>], iteration_bounds = array<i64: 2, 16>, scalar_prefetch = 0 : i64, scratch_operands = 4 : i64, tpu.core_type = #tpu.core_type<sc_vector_subcore>, window_params = [{transform_indices = #map}, {transform_indices = #map}, {transform_indices = #map}]} {
    %mul3A = arith.constant 2 : i32
    %mul3A_0 = arith.muli %arg1, %mul3A : i32
    %add3A = arith.addi %mul3A_0, %arg0 : i32
    %mul3A_1 = arith.constant 8192 : i32
    %mul3A_2 = arith.muli %add3A, %mul3A_1 : i32
    %add3A_3 = arith.constant 0 : i32
    %add3A_4 = arith.addi %mul3A_2, %add3A_3 : i32
    "tpu.region"() ({
      %run_scoped3A = tpu.sem_alloc : memref<!tpu.dma_semaphore, #tpu.memory_space<semaphore_mem>>
      %dma_start3A_19 = tpu.memref_slice %arg3[%add3A_4] : memref<262144xi32, #tpu.memory_space<hbm>> -> memref<8192xi32, #tpu.memory_space<hbm>>
      %dma_start3A_20 = tpu.memref_slice %arg3[%add3A_4] : memref<262144xi32, #tpu.memory_space<hbm>> -> memref<8192xi32, #tpu.memory_space<hbm>>
      tpu.enqueue_dma source(%dma_start3A_20 : memref<8192xi32, #tpu.memory_space<hbm>>) target(%arg5 : memref<8192xi32, #tpu.memory_space<vmem>>) target_semaphore(%run_scoped3A : memref<!tpu.dma_semaphore, #tpu.memory_space<semaphore_mem>>)
      %dma_wait3A_21 = tpu.memref_slice %arg3[%add3A_4] : memref<262144xi32, #tpu.memory_space<hbm>> -> memref<8192xi32, #tpu.memory_space<hbm>>
      %dma_wait3A_22 = tpu.memref_slice %arg3[%add3A_4] : memref<262144xi32, #tpu.memory_space<hbm>> -> memref<8192xi32, #tpu.memory_space<hbm>>
      tpu.wait_dma2 semaphore(%run_scoped3A : memref<!tpu.dma_semaphore, #tpu.memory_space<semaphore_mem>>) src(%dma_wait3A_22 : memref<8192xi32, #tpu.memory_space<hbm>>) dst(%arg5 : memref<8192xi32, #tpu.memory_space<vmem>>)
      tpu.yield
    }) : () -> ()
    %scan3A = arith.constant 0 : i32
    %scan3A_5 = arith.constant 0 : i32
    %scan3A_6 = arith.constant 512 : i32
    %scan3A_7 = arith.addi %scan3A_5, %scan3A_6 : i32
    %scan3A_8 = arith.constant 1 : i32
    %scan3A_9 = scf.for %scan3A_19 = %scan3A_5 to %scan3A_7 step %scan3A_8 iter_args(%scan3A_20 = %scan3A) -> (i32)  : i32 {
      %mul3A_21 = arith.constant 16 : i32
      %mul3A_22 = arith.muli %scan3A_19, %mul3A_21 : i32
      %get3A = arith.index_cast %mul3A_22 : i32 to index
      %get3A_23 = tpu.vector_load %arg5[%get3A] {strides = array<i32>} : memref<8192xi32, #tpu.memory_space<vmem>>, vector<16xi32>,
      %get3A_24 = vector.shape_cast %get3A_23 : vector<16xi32> to vector<16xi32>
      %mul3A_25 = arith.constant 3 : i32
      %mul3A_26 = vector.broadcast %mul3A_25 : i32 to vector<16xi32>
      %mul3A_27 = arith.muli %get3A_24, %mul3A_26 : vector<16xi32>
      %add3A_28 = arith.constant 0 : i32
      %add3A_29 = vector.broadcast %add3A_28 : i32 to vector<16xi32>
      %add3A_30 = arith.addi %mul3A_27, %add3A_29 : vector<16xi32>
      %mul3A_31 = arith.constant 16 : i32
      %mul3A_32 = arith.muli %scan3A_19, %mul3A_31 : i32
      %add3A_33 = arith.constant 0 : i32
      %add3A_34 = arith.addi %add3A_33, %mul3A_32 : i32
      %swap3A = arith.index_cast %add3A_34 : i32 to index
      %swap3A_35 = tpu.vector_load %arg6[%swap3A] {strides = array<i32>} : memref<24576xi32, #tpu.memory_space<vmem>>, vector<16xi32>,
      %swap3A_36 = vector.shape_cast %swap3A_35 : vector<16xi32> to vector<16xi32>
      %swap3A_37 = vector.shape_cast %add3A_30 : vector<16xi32> to vector<16xi32>
      tpu.vector_store %arg6[%swap3A], %swap3A_37 {strides = array<i32>} : memref<24576xi32, #tpu.memory_space<vmem>>, vector<16xi32>,
      %add3A_38 = arith.constant 1 : i32
      %add3A_39 = vector.broadcast %add3A_38 : i32 to vector<16xi32>
      %add3A_40 = arith.addi %mul3A_27, %add3A_39 : vector<16xi32>
      %mul3A_41 = arith.constant 16 : i32
      %mul3A_42 = arith.muli %scan3A_19, %mul3A_41 : i32
      %add3A_43 = arith.constant 8192 : i32
      %add3A_44 = arith.addi %add3A_43, %mul3A_42 : i32
      %swap3A_45 = arith.index_cast %add3A_44 : i32 to index
      %swap3A_46 = tpu.vector_load %arg6[%swap3A_45] {strides = array<i32>} : memref<24576xi32, #tpu.memory_space<vmem>>, vector<16xi32>,
      %swap3A_47 = vector.shape_cast %swap3A_46 : vector<16xi32> to vector<16xi32>
      %swap3A_48 = vector.shape_cast %add3A_40 : vector<16xi32> to vector<16xi32>
      tpu.vector_store %arg6[%swap3A_45], %swap3A_48 {strides = array<i32>} : memref<24576xi32, #tpu.memory_space<vmem>>, vector<16xi32>,
      %add3A_49 = arith.constant 2 : i32
      %add3A_50 = vector.broadcast %add3A_49 : i32 to vector<16xi32>
      %add3A_51 = arith.addi %mul3A_27, %add3A_50 : vector<16xi32>
      %mul3A_52 = arith.constant 16 : i32
      %mul3A_53 = arith.muli %scan3A_19, %mul3A_52 : i32
      %add3A_54 = arith.constant 16384 : i32
      %add3A_55 = arith.addi %add3A_54, %mul3A_53 : i32
      %swap3A_56 = arith.index_cast %add3A_55 : i32 to index
      %swap3A_57 = tpu.vector_load %arg6[%swap3A_56] {strides = array<i32>} : memref<24576xi32, #tpu.memory_space<vmem>>, vector<16xi32>,
      %swap3A_58 = vector.shape_cast %swap3A_57 : vector<16xi32> to vector<16xi32>
      %swap3A_59 = vector.shape_cast %add3A_51 : vector<16xi32> to vector<16xi32>
      tpu.vector_store %arg6[%swap3A_56], %swap3A_59 {strides = array<i32>} : memref<24576xi32, #tpu.memory_space<vmem>>, vector<16xi32>,
      %scan3A_60 = arith.constant 0 : i32
      scf.yield %scan3A_60 : i32
    }
    %scan3A_10 = arith.constant 512 : i32
    %dma_start3A = arith.constant 0 : i32
    %dma_start3A_11 = tpu.memref_slice %arg2[%dma_start3A] : memref<49152xf32, #tpu.memory_space<hbm>> -> memref<49152xf32, #tpu.memory_space<hbm>>
    tpu.enqueue_indirect_dma source(%dma_start3A_11 : memref<49152xf32, #tpu.memory_space<hbm>>) target(%arg7 : memref<24576xf32, #tpu.memory_space<vmem>>) offsets(%arg6 : memref<24576xi32, #tpu.memory_space<vmem>>) semaphore(%arg8 : memref<!tpu.dma_semaphore, #tpu.memory_space<semaphore_mem>>)
    %dma_wait3A = arith.constant 0 : i32
    %dma_wait3A_12 = tpu.memref_slice %arg2[%dma_wait3A] : memref<49152xf32, #tpu.memory_space<hbm>> -> memref<49152xf32, #tpu.memory_space<hbm>>
    tpu.wait_indirect_dma semaphore(%arg8 : memref<!tpu.dma_semaphore, #tpu.memory_space<semaphore_mem>>) src(%dma_wait3A_12 : memref<49152xf32, #tpu.memory_space<hbm>>) dst(%arg7 : memref<24576xf32, #tpu.memory_space<vmem>>)
    %add3A_13 = arith.constant 0 : i32
    %add3A_14 = arith.addi %add3A_13, %add3A_4 : i32
    "tpu.region"() ({
      %run_scoped3A = tpu.sem_alloc : memref<!tpu.dma_semaphore, #tpu.memory_space<semaphore_mem>>
      %dma_start3A_19 = arith.constant 0 : i32
      %dma_start3A_20 = tpu.memref_slice %arg7[%dma_start3A_19] : memref<24576xf32, #tpu.memory_space<vmem>> -> memref<8192xf32, #tpu.memory_space<vmem>>
      %dma_start3A_21 = tpu.memref_slice %arg4[%add3A_14] : memref<786432xf32, #tpu.memory_space<hbm>> -> memref<8192xf32, #tpu.memory_space<hbm>>
      %dma_start3A_22 = tpu.memref_slice %arg4[%add3A_14] : memref<786432xf32, #tpu.memory_space<hbm>> -> memref<8192xf32, #tpu.memory_space<hbm>>
      %dma_start3A_23 = arith.constant 0 : i32
      %dma_start3A_24 = tpu.memref_slice %arg7[%dma_start3A_23] : memref<24576xf32, #tpu.memory_space<vmem>> -> memref<8192xf32, #tpu.memory_space<vmem>>
      tpu.enqueue_dma source(%dma_start3A_24 : memref<8192xf32, #tpu.memory_space<vmem>>) target(%dma_start3A_22 : memref<8192xf32, #tpu.memory_space<hbm>>) target_semaphore(%run_scoped3A : memref<!tpu.dma_semaphore, #tpu.memory_space<semaphore_mem>>)
      %dma_wait3A_25 = arith.constant 0 : i32
      %dma_wait3A_26 = tpu.memref_slice %arg7[%dma_wait3A_25] : memref<24576xf32, #tpu.memory_space<vmem>> -> memref<8192xf32, #tpu.memory_space<vmem>>
      %dma_wait3A_27 = tpu.memref_slice %arg4[%add3A_14] : memref<786432xf32, #tpu.memory_space<hbm>> -> memref<8192xf32, #tpu.memory_space<hbm>>
      %dma_wait3A_28 = tpu.memref_slice %arg4[%add3A_14] : memref<786432xf32, #tpu.memory_space<hbm>> -> memref<8192xf32, #tpu.memory_space<hbm>>
      %dma_wait3A_29 = arith.constant 0 : i32
      %dma_wait3A_30 = tpu.memref_slice %arg7[%dma_wait3A_29] : memref<24576xf32, #tpu.memory_space<vmem>> -> memref<8192xf32, #tpu.memory_space<vmem>>
      tpu.wait_dma2 semaphore(%run_scoped3A : memref<!tpu.dma_semaphore, #tpu.memory_space<semaphore_mem>>) src(%dma_wait3A_30 : memref<8192xf32, #tpu.memory_space<vmem>>) dst(%dma_wait3A_28 : memref<8192xf32, #tpu.memory_space<hbm>>)
      tpu.yield
    }) : () -> ()
    %add3A_15 = arith.constant 262144 : i32
    %add3A_16 = arith.addi %add3A_15, %add3A_4 : i32
    "tpu.region"() ({
      %run_scoped3A = tpu.sem_alloc : memref<!tpu.dma_semaphore, #tpu.memory_space<semaphore_mem>>
      %dma_start3A_19 = arith.constant 8192 : i32
      %dma_start3A_20 = tpu.memref_slice %arg7[%dma_start3A_19] : memref<24576xf32, #tpu.memory_space<vmem>> -> memref<8192xf32, #tpu.memory_space<vmem>>
      %dma_start3A_21 = tpu.memref_slice %arg4[%add3A_16] : memref<786432xf32, #tpu.memory_space<hbm>> -> memref<8192xf32, #tpu.memory_space<hbm>>
      %dma_start3A_22 = tpu.memref_slice %arg4[%add3A_16] : memref<786432xf32, #tpu.memory_space<hbm>> -> memref<8192xf32, #tpu.memory_space<hbm>>
      %dma_start3A_23 = arith.constant 8192 : i32
      %dma_start3A_24 = tpu.memref_slice %arg7[%dma_start3A_23] : memref<24576xf32, #tpu.memory_space<vmem>> -> memref<8192xf32, #tpu.memory_space<vmem>>
      tpu.enqueue_dma source(%dma_start3A_24 : memref<8192xf32, #tpu.memory_space<vmem>>) target(%dma_start3A_22 : memref<8192xf32, #tpu.memory_space<hbm>>) target_semaphore(%run_scoped3A : memref<!tpu.dma_semaphore, #tpu.memory_space<semaphore_mem>>)
      %dma_wait3A_25 = arith.constant 8192 : i32
      %dma_wait3A_26 = tpu.memref_slice %arg7[%dma_wait3A_25] : memref<24576xf32, #tpu.memory_space<vmem>> -> memref<8192xf32, #tpu.memory_space<vmem>>
      %dma_wait3A_27 = tpu.memref_slice %arg4[%add3A_16] : memref<786432xf32, #tpu.memory_space<hbm>> -> memref<8192xf32, #tpu.memory_space<hbm>>
      %dma_wait3A_28 = tpu.memref_slice %arg4[%add3A_16] : memref<786432xf32, #tpu.memory_space<hbm>> -> memref<8192xf32, #tpu.memory_space<hbm>>
      %dma_wait3A_29 = arith.constant 8192 : i32
      %dma_wait3A_30 = tpu.memref_slice %arg7[%dma_wait3A_29] : memref<24576xf32, #tpu.memory_space<vmem>> -> memref<8192xf32, #tpu.memory_space<vmem>>
      tpu.wait_dma2 semaphore(%run_scoped3A : memref<!tpu.dma_semaphore, #tpu.memory_space<semaphore_mem>>) src(%dma_wait3A_30 : memref<8192xf32, #tpu.memory_space<vmem>>) dst(%dma_wait3A_28 : memref<8192xf32, #tpu.memory_space<hbm>>)
      tpu.yield
    }) : () -> ()
    %add3A_17 = arith.constant 524288 : i32
    %add3A_18 = arith.addi %add3A_17, %add3A_4 : i32
    "tpu.region"() ({
      %run_scoped3A = tpu.sem_alloc : memref<!tpu.dma_semaphore, #tpu.memory_space<semaphore_mem>>
      %dma_start3A_19 = arith.constant 16384 : i32
      %dma_start3A_20 = tpu.memref_slice %arg7[%dma_start3A_19] : memref<24576xf32, #tpu.memory_space<vmem>> -> memref<8192xf32, #tpu.memory_space<vmem>>
      %dma_start3A_21 = tpu.memref_slice %arg4[%add3A_18] : memref<786432xf32, #tpu.memory_space<hbm>> -> memref<8192xf32, #tpu.memory_space<hbm>>
      %dma_start3A_22 = tpu.memref_slice %arg4[%add3A_18] : memref<786432xf32, #tpu.memory_space<hbm>> -> memref<8192xf32, #tpu.memory_space<hbm>>
      %dma_start3A_23 = arith.constant 16384 : i32
      %dma_start3A_24 = tpu.memref_slice %arg7[%dma_start3A_23] : memref<24576xf32, #tpu.memory_space<vmem>> -> memref<8192xf32, #tpu.memory_space<vmem>>
      tpu.enqueue_dma source(%dma_start3A_24 : memref<8192xf32, #tpu.memory_space<vmem>>) target(%dma_start3A_22 : memref<8192xf32, #tpu.memory_space<hbm>>) target_semaphore(%run_scoped3A : memref<!tpu.dma_semaphore, #tpu.memory_space<semaphore_mem>>)
      %dma_wait3A_25 = arith.constant 16384 : i32
      %dma_wait3A_26 = tpu.memref_slice %arg7[%dma_wait3A_25] : memref<24576xf32, #tpu.memory_space<vmem>> -> memref<8192xf32, #tpu.memory_space<vmem>>
      %dma_wait3A_27 = tpu.memref_slice %arg4[%add3A_18] : memref<786432xf32, #tpu.memory_space<hbm>> -> memref<8192xf32, #tpu.memory_space<hbm>>
      %dma_wait3A_28 = tpu.memref_slice %arg4[%add3A_18] : memref<786432xf32, #tpu.memory_space<hbm>> -> memref<8192xf32, #tpu.memory_space<hbm>>
      %dma_wait3A_29 = arith.constant 16384 : i32
      %dma_wait3A_30 = tpu.memref_slice %arg7[%dma_wait3A_29] : memref<24576xf32, #tpu.memory_space<vmem>> -> memref<8192xf32, #tpu.memory_space<vmem>>
      tpu.wait_dma2 semaphore(%run_scoped3A : memref<!tpu.dma_semaphore, #tpu.memory_space<semaphore_mem>>) src(%dma_wait3A_30 : memref<8192xf32, #tpu.memory_space<vmem>>) dst(%dma_wait3A_28 : memref<8192xf32, #tpu.memory_space<hbm>>)
      tpu.yield
    }) : () -> ()
    return
  }
}

#map = affine_map<(d0, d1) -> (0)>
module attributes {stable_mosaic.version = 14 : i64} {
  func.func @k(%arg0: i32, %arg1: i32, %arg2: memref<49152xf32, #tpu.memory_space<hbm>>, %arg3: memref<262144xi32, #tpu.memory_space<hbm>>, %arg4: memref<786432xf32, #tpu.memory_space<hbm>>, %arg5: memref<8192xi32, #tpu.memory_space<vmem>>, %arg6: memref<24576xi32, #tpu.memory_space<vmem>>, %arg7: memref<24576xf32, #tpu.memory_space<vmem>>, %arg8: memref<!tpu.dma_semaphore, #tpu.memory_space<semaphore_mem>>) attributes {dimension_semantics = [#tpu.dimension_semantics<core_parallel>, #tpu.dimension_semantics<subcore_parallel>], iteration_bounds = array<i64: 2, 16>, scalar_prefetch = 0 : i64, scratch_operands = 4 : i64, tpu.core_type = #tpu.core_type<sc_vector_subcore>, window_params = [{transform_indices = #map}, {transform_indices = #map}, {transform_indices = #map}]} {
    %mul3A = arith.constant 2 : i32
    %mul3A_0 = arith.muli %arg1, %mul3A : i32
    %add3A = arith.addi %mul3A_0, %arg0 : i32
    %mul3A_1 = arith.constant 8192 : i32
    %mul3A_2 = arith.muli %add3A, %mul3A_1 : i32
    %add3A_3 = arith.constant 0 : i32
    %add3A_4 = arith.addi %mul3A_2, %add3A_3 : i32
    "tpu.region"() ({
      %run_scoped3A = tpu.sem_alloc : memref<!tpu.dma_semaphore, #tpu.memory_space<semaphore_mem>>
      %dma_start3A_19 = tpu.memref_slice %arg3[%add3A_4] : memref<262144xi32, #tpu.memory_space<hbm>> -> memref<8192xi32, #tpu.memory_space<hbm>>
      %dma_start3A_20 = tpu.memref_slice %arg3[%add3A_4] : memref<262144xi32, #tpu.memory_space<hbm>> -> memref<8192xi32, #tpu.memory_space<hbm>>
      tpu.enqueue_dma source(%dma_start3A_20 : memref<8192xi32, #tpu.memory_space<hbm>>) target(%arg5 : memref<8192xi32, #tpu.memory_space<vmem>>) target_semaphore(%run_scoped3A : memref<!tpu.dma_semaphore, #tpu.memory_space<semaphore_mem>>)
      %dma_wait3A_21 = tpu.memref_slice %arg3[%add3A_4] : memref<262144xi32, #tpu.memory_space<hbm>> -> memref<8192xi32, #tpu.memory_space<hbm>>
      %dma_wait3A_22 = tpu.memref_slice %arg3[%add3A_4] : memref<262144xi32, #tpu.memory_space<hbm>> -> memref<8192xi32, #tpu.memory_space<hbm>>
      tpu.wait_dma2 semaphore(%run_scoped3A : memref<!tpu.dma_semaphore, #tpu.memory_space<semaphore_mem>>) src(%dma_wait3A_22 : memref<8192xi32, #tpu.memory_space<hbm>>) dst(%arg5 : memref<8192xi32, #tpu.memory_space<vmem>>)
      tpu.yield
    }) : () -> ()
    %scan3A = arith.constant 0 : i32
    %scan3A_5 = arith.constant 0 : i32
    %scan3A_6 = arith.constant 512 : i32
    %scan3A_7 = arith.addi %scan3A_5, %scan3A_6 : i32
    %scan3A_8 = arith.constant 1 : i32
    %scan3A_9 = scf.for %scan3A_19 = %scan3A_5 to %scan3A_7 step %scan3A_8 iter_args(%scan3A_20 = %scan3A) -> (i32)  : i32 {
      %mul3A_21 = arith.constant 16 : i32
      %mul3A_22 = arith.muli %scan3A_19, %mul3A_21 : i32
      %get3A = arith.index_cast %mul3A_22 : i32 to index
      %get3A_23 = tpu.vector_load %arg5[%get3A] {strides = array<i32>} : memref<8192xi32, #tpu.memory_space<vmem>>, vector<16xi32>,
      %get3A_24 = vector.shape_cast %get3A_23 : vector<16xi32> to vector<16xi32>
      %mul3A_25 = arith.constant 3 : i32
      %mul3A_26 = vector.broadcast %mul3A_25 : i32 to vector<16xi32>
      %mul3A_27 = arith.muli %get3A_24, %mul3A_26 : vector<16xi32>
      %add3A_28 = arith.constant 0 : i32
      %add3A_29 = vector.broadcast %add3A_28 : i32 to vector<16xi32>
      %add3A_30 = arith.addi %mul3A_27, %add3A_29 : vector<16xi32>
      %mul3A_31 = arith.constant 16 : i32
      %mul3A_32 = arith.muli %scan3A_19, %mul3A_31 : i32
      %add3A_33 = arith.constant 0 : i32
      %add3A_34 = arith.addi %add3A_33, %mul3A_32 : i32
      %swap3A = arith.index_cast %add3A_34 : i32 to index
      %swap3A_35 = tpu.vector_load %arg6[%swap3A] {strides = array<i32>} : memref<24576xi32, #tpu.memory_space<vmem>>, vector<16xi32>,
      %swap3A_36 = vector.shape_cast %swap3A_35 : vector<16xi32> to vector<16xi32>
      %swap3A_37 = vector.shape_cast %add3A_30 : vector<16xi32> to vector<16xi32>
      tpu.vector_store %arg6[%swap3A], %swap3A_37 {strides = array<i32>} : memref<24576xi32, #tpu.memory_space<vmem>>, vector<16xi32>,
      %add3A_38 = arith.constant 1 : i32
      %add3A_39 = vector.broadcast %add3A_38 : i32 to vector<16xi32>
      %add3A_40 = arith.addi %mul3A_27, %add3A_39 : vector<16xi32>
      %mul3A_41 = arith.constant 16 : i32
      %mul3A_42 = arith.muli %scan3A_19, %mul3A_41 : i32
      %add3A_43 = arith.constant 8192 : i32
      %add3A_44 = arith.addi %add3A_43, %mul3A_42 : i32
      %swap3A_45 = arith.index_cast %add3A_44 : i32 to index
      %swap3A_46 = tpu.vector_load %arg6[%swap3A_45] {strides = array<i32>} : memref<24576xi32, #tpu.memory_space<vmem>>, vector<16xi32>,
      %swap3A_47 = vector.shape_cast %swap3A_46 : vector<16xi32> to vector<16xi32>
      %swap3A_48 = vector.shape_cast %add3A_40 : vector<16xi32> to vector<16xi32>
      tpu.vector_store %arg6[%swap3A_45], %swap3A_48 {strides = array<i32>} : memref<24576xi32, #tpu.memory_space<vmem>>, vector<16xi32>,
      %add3A_49 = arith.constant 2 : i32
      %add3A_50 = vector.broadcast %add3A_49 : i32 to vector<16xi32>
      %add3A_51 = arith.addi %mul3A_27, %add3A_50 : vector<16xi32>
      %mul3A_52 = arith.constant 16 : i32
      %mul3A_53 = arith.muli %scan3A_19, %mul3A_52 : i32
      %add3A_54 = arith.constant 16384 : i32
      %add3A_55 = arith.addi %add3A_54, %mul3A_53 : i32
      %swap3A_56 = arith.index_cast %add3A_55 : i32 to index
      %swap3A_57 = tpu.vector_load %arg6[%swap3A_56] {strides = array<i32>} : memref<24576xi32, #tpu.memory_space<vmem>>, vector<16xi32>,
      %swap3A_58 = vector.shape_cast %swap3A_57 : vector<16xi32> to vector<16xi32>
      %swap3A_59 = vector.shape_cast %add3A_51 : vector<16xi32> to vector<16xi32>
      tpu.vector_store %arg6[%swap3A_56], %swap3A_59 {strides = array<i32>} : memref<24576xi32, #tpu.memory_space<vmem>>, vector<16xi32>,
      %scan3A_60 = arith.constant 0 : i32
      scf.yield %scan3A_60 : i32
    }
    %scan3A_10 = arith.constant 512 : i32
    %dma_start3A = arith.constant 0 : i32
    %dma_start3A_11 = tpu.memref_slice %arg2[%dma_start3A] : memref<49152xf32, #tpu.memory_space<hbm>> -> memref<49152xf32, #tpu.memory_space<hbm>>
    tpu.enqueue_indirect_dma source(%dma_start3A_11 : memref<49152xf32, #tpu.memory_space<hbm>>) target(%arg7 : memref<24576xf32, #tpu.memory_space<vmem>>) offsets(%arg6 : memref<24576xi32, #tpu.memory_space<vmem>>) semaphore(%arg8 : memref<!tpu.dma_semaphore, #tpu.memory_space<semaphore_mem>>)
    %dma_wait3A = arith.constant 0 : i32
    %dma_wait3A_12 = tpu.memref_slice %arg2[%dma_wait3A] : memref<49152xf32, #tpu.memory_space<hbm>> -> memref<49152xf32, #tpu.memory_space<hbm>>
    tpu.wait_indirect_dma semaphore(%arg8 : memref<!tpu.dma_semaphore, #tpu.memory_space<semaphore_mem>>) src(%dma_wait3A_12 : memref<49152xf32, #tpu.memory_space<hbm>>) dst(%arg7 : memref<24576xf32, #tpu.memory_space<vmem>>)
    %add3A_13 = arith.constant 0 : i32
    %add3A_14 = arith.addi %add3A_13, %add3A_4 : i32
    "tpu.region"() ({
      %run_scoped3A = tpu.sem_alloc : memref<!tpu.dma_semaphore, #tpu.memory_space<semaphore_mem>>
      %dma_start3A_19 = arith.constant 0 : i32
      %dma_start3A_20 = tpu.memref_slice %arg7[%dma_start3A_19] : memref<24576xf32, #tpu.memory_space<vmem>> -> memref<8192xf32, #tpu.memory_space<vmem>>
      %dma_start3A_21 = tpu.memref_slice %arg4[%add3A_14] : memref<786432xf32, #tpu.memory_space<hbm>> -> memref<8192xf32, #tpu.memory_space<hbm>>
      %dma_start3A_22 = tpu.memref_slice %arg4[%add3A_14] : memref<786432xf32, #tpu.memory_space<hbm>> -> memref<8192xf32, #tpu.memory_space<hbm>>
      %dma_start3A_23 = arith.constant 0 : i32
      %dma_start3A_24 = tpu.memref_slice %arg7[%dma_start3A_23] : memref<24576xf32, #tpu.memory_space<vmem>> -> memref<8192xf32, #tpu.memory_space<vmem>>
      tpu.enqueue_dma source(%dma_start3A_24 : memref<8192xf32, #tpu.memory_space<vmem>>) target(%dma_start3A_22 : memref<8192xf32, #tpu.memory_space<hbm>>) target_semaphore(%run_scoped3A : memref<!tpu.dma_semaphore, #tpu.memory_space<semaphore_mem>>)
      %dma_wait3A_25 = arith.constant 0 : i32
      %dma_wait3A_26 = tpu.memref_slice %arg7[%dma_wait3A_25] : memref<24576xf32, #tpu.memory_space<vmem>> -> memref<8192xf32, #tpu.memory_space<vmem>>
      %dma_wait3A_27 = tpu.memref_slice %arg4[%add3A_14] : memref<786432xf32, #tpu.memory_space<hbm>> -> memref<8192xf32, #tpu.memory_space<hbm>>
      %dma_wait3A_28 = tpu.memref_slice %arg4[%add3A_14] : memref<786432xf32, #tpu.memory_space<hbm>> -> memref<8192xf32, #tpu.memory_space<hbm>>
      %dma_wait3A_29 = arith.constant 0 : i32
      %dma_wait3A_30 = tpu.memref_slice %arg7[%dma_wait3A_29] : memref<24576xf32, #tpu.memory_space<vmem>> -> memref<8192xf32, #tpu.memory_space<vmem>>
      tpu.wait_dma2 semaphore(%run_scoped3A : memref<!tpu.dma_semaphore, #tpu.memory_space<semaphore_mem>>) src(%dma_wait3A_30 : memref<8192xf32, #tpu.memory_space<vmem>>) dst(%dma_wait3A_28 : memref<8192xf32, #tpu.memory_space<hbm>>)
      tpu.yield
    }) : () -> ()
    %add3A_15 = arith.constant 262144 : i32
    %add3A_16 = arith.addi %add3A_15, %add3A_4 : i32
    "tpu.region"() ({
      %run_scoped3A = tpu.sem_alloc : memref<!tpu.dma_semaphore, #tpu.memory_space<semaphore_mem>>
      %dma_start3A_19 = arith.constant 8192 : i32
      %dma_start3A_20 = tpu.memref_slice %arg7[%dma_start3A_19] : memref<24576xf32, #tpu.memory_space<vmem>> -> memref<8192xf32, #tpu.memory_space<vmem>>
      %dma_start3A_21 = tpu.memref_slice %arg4[%add3A_16] : memref<786432xf32, #tpu.memory_space<hbm>> -> memref<8192xf32, #tpu.memory_space<hbm>>
      %dma_start3A_22 = tpu.memref_slice %arg4[%add3A_16] : memref<786432xf32, #tpu.memory_space<hbm>> -> memref<8192xf32, #tpu.memory_space<hbm>>
      %dma_start3A_23 = arith.constant 8192 : i32
      %dma_start3A_24 = tpu.memref_slice %arg7[%dma_start3A_23] : memref<24576xf32, #tpu.memory_space<vmem>> -> memref<8192xf32, #tpu.memory_space<vmem>>
      tpu.enqueue_dma source(%dma_start3A_24 : memref<8192xf32, #tpu.memory_space<vmem>>) target(%dma_start3A_22 : memref<8192xf32, #tpu.memory_space<hbm>>) target_semaphore(%run_scoped3A : memref<!tpu.dma_semaphore, #tpu.memory_space<semaphore_mem>>)
      %dma_wait3A_25 = arith.constant 8192 : i32
      %dma_wait3A_26 = tpu.memref_slice %arg7[%dma_wait3A_25] : memref<24576xf32, #tpu.memory_space<vmem>> -> memref<8192xf32, #tpu.memory_space<vmem>>
      %dma_wait3A_27 = tpu.memref_slice %arg4[%add3A_16] : memref<786432xf32, #tpu.memory_space<hbm>> -> memref<8192xf32, #tpu.memory_space<hbm>>
      %dma_wait3A_28 = tpu.memref_slice %arg4[%add3A_16] : memref<786432xf32, #tpu.memory_space<hbm>> -> memref<8192xf32, #tpu.memory_space<hbm>>
      %dma_wait3A_29 = arith.constant 8192 : i32
      %dma_wait3A_30 = tpu.memref_slice %arg7[%dma_wait3A_29] : memref<24576xf32, #tpu.memory_space<vmem>> -> memref<8192xf32, #tpu.memory_space<vmem>>
      tpu.wait_dma2 semaphore(%run_scoped3A : memref<!tpu.dma_semaphore, #tpu.memory_space<semaphore_mem>>) src(%dma_wait3A_30 : memref<8192xf32, #tpu.memory_space<vmem>>) dst(%dma_wait3A_28 : memref<8192xf32, #tpu.memory_space<hbm>>)
      tpu.yield
    }) : () -> ()
    %add3A_17 = arith.constant 524288 : i32
    %add3A_18 = arith.addi %add3A_17, %add3A_4 : i32
    "tpu.region"() ({
      %run_scoped3A = tpu.sem_alloc : memref<!tpu.dma_semaphore, #tpu.memory_space<semaphore_mem>>
      %dma_start3A_19 = arith.constant 16384 : i32
      %dma_start3A_20 = tpu.memref_slice %arg7[%dma_start3A_19] : memref<24576xf32, #tpu.memory_space<vmem>> -> memref<8192xf32, #tpu.memory_space<vmem>>
      %dma_start3A_21 = tpu.memref_slice %arg4[%add3A_18] : memref<786432xf32, #tpu.memory_space<hbm>> -> memref<8192xf32, #tpu.memory_space<hbm>>
      %dma_start3A_22 = tpu.memref_slice %arg4[%add3A_18] : memref<786432xf32, #tpu.memory_space<hbm>> -> memref<8192xf32, #tpu.memory_space<hbm>>
      %dma_start3A_23 = arith.constant 16384 : i32
      %dma_start3A_24 = tpu.memref_slice %arg7[%dma_start3A_23] : memref<24576xf32, #tpu.memory_space<vmem>> -> memref<8192xf32, #tpu.memory_space<vmem>>
      tpu.enqueue_dma source(%dma_start3A_24 : memref<8192xf32, #tpu.memory_space<vmem>>) target(%dma_start3A_22 : memref<8192xf32, #tpu.memory_space<hbm>>) target_semaphore(%run_scoped3A : memref<!tpu.dma_semaphore, #tpu.memory_space<semaphore_mem>>)
      %dma_wait3A_25 = arith.constant 16384 : i32
      %dma_wait3A_26 = tpu.memref_slice %arg7[%dma_wait3A_25] : memref<24576xf32, #tpu.memory_space<vmem>> -> memref<8192xf32, #tpu.memory_space<vmem>>
      %dma_wait3A_27 = tpu.memref_slice %arg4[%add3A_18] : memref<786432xf32, #tpu.memory_space<hbm>> -> memref<8192xf32, #tpu.memory_space<hbm>>
      %dma_wait3A_28 = tpu.memref_slice %arg4[%add3A_18] : memref<786432xf32, #tpu.memory_space<hbm>> -> memref<8192xf32, #tpu.memory_space<hbm>>
      %dma_wait3A_29 = arith.constant 16384 : i32
      %dma_wait3A_30 = tpu.memref_slice %arg7[%dma_wait3A_29] : memref<24576xf32, #tpu.memory_space<vmem>> -> memref<8192xf32, #tpu.memory_space<vmem>>
      tpu.wait_dma2 semaphore(%run_scoped3A : memref<!tpu.dma_semaphore, #tpu.memory_space<semaphore_mem>>) src(%dma_wait3A_30 : memref<8192xf32, #tpu.memory_space<vmem>>) dst(%dma_wait3A_28 : memref<8192xf32, #tpu.memory_space<hbm>>)
      tpu.yield
    }) : () -> ()
    return
  }
}

module attributes {stable_mosaic.version = 14 : i64} {
  func.func @_sel1_body(%arg0: i32, %arg1: memref<1x1024x3xf32, #tpu.memory_space<vmem>>, %arg2: memref<1x3x1024xf32, #tpu.memory_space<vmem>>, %arg3: memref<1x3x1024xf32, #tpu.memory_space<vmem>>, %arg4: memref<3x10xf32, #tpu.memory_space<vmem>>, %arg5: memref<3x1xf32, #tpu.memory_space<vmem>>, %arg6: memref<3x10xf32, #tpu.memory_space<vmem>>, %arg7: memref<3x1xf32, #tpu.memory_space<vmem>>, %arg8: memref<128x3xf32, #tpu.memory_space<vmem>>, %arg9: memref<128x1xf32, #tpu.memory_space<vmem>>, %arg10: memref<1x16x1024xi32, #tpu.memory_space<vmem>>, %arg11: memref<1x4x16x1024xf32, #tpu.memory_space<vmem>>, %arg12: memref<1x3x1024xf32, #tpu.memory_space<vmem>>, %arg13: memref<1x128x1xf32, #tpu.memory_space<vmem>>) attributes {dimension_semantics = [#tpu.dimension_semantics<arbitrary>], iteration_bounds = array<i64: 16>, scalar_prefetch = 0 : i64, scratch_operands = 0 : i64, tpu.core_type = #tpu.core_type<tc>, window_params = [{transform_indices = @transform_0, window_bounds = array<i64: 1, 1024, 3>}, {transform_indices = @transform_1, window_bounds = array<i64: 1, 3, 1024>}, {transform_indices = @transform_2, window_bounds = array<i64: 1, 3, 1024>}, {pipeline_mode = #tpu.pipeline_mode<synchronous>, transform_indices = @transform_3, window_bounds = array<i64: 3, 10>}, {pipeline_mode = #tpu.pipeline_mode<synchronous>, transform_indices = @transform_4, window_bounds = array<i64: 3, 1>}, {pipeline_mode = #tpu.pipeline_mode<synchronous>, transform_indices = @transform_5, window_bounds = array<i64: 3, 10>}, {pipeline_mode = #tpu.pipeline_mode<synchronous>, transform_indices = @transform_6, window_bounds = array<i64: 3, 1>}, {pipeline_mode = #tpu.pipeline_mode<synchronous>, transform_indices = @transform_7, window_bounds = array<i64: 128, 3>}, {pipeline_mode = #tpu.pipeline_mode<synchronous>, transform_indices = @transform_8, window_bounds = array<i64: 128, 1>}, {transform_indices = @transform_9, window_bounds = array<i64: 1, 16, 1024>}, {transform_indices = @transform_10, window_bounds = array<i64: 1, 4, 16, 1024>}, {transform_indices = @transform_11, window_bounds = array<i64: 1, 3, 1024>}, {transform_indices = @transform_12, window_bounds = array<i64: 1, 128, 1>}]} {
    %get3A = arith.constant 0 : index
    %get3A_0 = arith.constant 0 : index
    %get3A_1 = arith.constant 0 : index
    %get3A_2 = vector.load %arg1[%get3A, %get3A_0, %get3A_1] : memref<1x1024x3xf32, #tpu.memory_space<vmem>>, vector<1x1024x3xf32>
    %get3A_3 = vector.shape_cast %get3A_2 : vector<1x1024x3xf32> to vector<1024x3xf32>
    %get3A_4 = arith.constant 0 : index
    %get3A_5 = arith.constant 0 : index
    %get3A_6 = arith.constant 0 : index
    %get3A_7 = vector.load %arg2[%get3A_4, %get3A_5, %get3A_6] : memref<1x3x1024xf32, #tpu.memory_space<vmem>>, vector<1x3x1024xf32>
    %get3A_8 = vector.shape_cast %get3A_7 : vector<1x3x1024xf32> to vector<3x1024xf32>
    %get3A_9 = arith.constant 0 : index
    %get3A_10 = arith.constant 0 : index
    %get3A_11 = arith.constant 0 : index
    %get3A_12 = vector.load %arg3[%get3A_9, %get3A_10, %get3A_11] : memref<1x3x1024xf32, #tpu.memory_space<vmem>>, vector<1x3x1024xf32>
    %get3A_13 = vector.shape_cast %get3A_12 : vector<1x3x1024xf32> to vector<3x1024xf32>
    %slice3A = vector.extract_strided_slice %get3A_3 {offsets = [0, 0], sizes = [1024, 1], strides = [1, 1]} : vector<1024x3xf32> to vector<1024x1xf32>
    %slice3A_14 = vector.extract_strided_slice %get3A_8 {offsets = [0, 0], sizes = [1, 1024], strides = [1, 1]} : vector<3x1024xf32> to vector<1x1024xf32>
    %sub3A = vector.broadcast %slice3A : vector<1024x1xf32> to vector<1024x1024xf32>
    %sub3A_15 = vector.broadcast %slice3A_14 : vector<1x1024xf32> to vector<1024x1024xf32>
    %sub3A_16 = arith.subf %sub3A, %sub3A_15 : vector<1024x1024xf32>
    %slice3A_17 = vector.extract_strided_slice %get3A_3 {offsets = [0, 1], sizes = [1024, 1], strides = [1, 1]} : vector<1024x3xf32> to vector<1024x1xf32>
    %slice3A_18 = vector.extract_strided_slice %get3A_8 {offsets = [1, 0], sizes = [1, 1024], strides = [1, 1]} : vector<3x1024xf32> to vector<1x1024xf32>
    %sub3A_19 = vector.broadcast %slice3A_17 : vector<1024x1xf32> to vector<1024x1024xf32>
    %sub3A_20 = vector.broadcast %slice3A_18 : vector<1x1024xf32> to vector<1024x1024xf32>
    %sub3A_21 = arith.subf %sub3A_19, %sub3A_20 : vector<1024x1024xf32>
    %slice3A_22 = vector.extract_strided_slice %get3A_3 {offsets = [0, 2], sizes = [1024, 1], strides = [1, 1]} : vector<1024x3xf32> to vector<1024x1xf32>
    %slice3A_23 = vector.extract_strided_slice %get3A_8 {offsets = [2, 0], sizes = [1, 1024], strides = [1, 1]} : vector<3x1024xf32> to vector<1x1024xf32>
    %sub3A_24 = vector.broadcast %slice3A_22 : vector<1024x1xf32> to vector<1024x1024xf32>
    %sub3A_25 = vector.broadcast %slice3A_23 : vector<1x1024xf32> to vector<1024x1024xf32>
    %sub3A_26 = arith.subf %sub3A_24, %sub3A_25 : vector<1024x1024xf32>
    %mul3A = arith.mulf %sub3A_16, %sub3A_16 : vector<1024x1024xf32>
    %mul3A_27 = arith.mulf %sub3A_21, %sub3A_21 : vector<1024x1024xf32>
    %add3A = arith.addf %mul3A, %mul3A_27 : vector<1024x1024xf32>
    %mul3A_28 = arith.mulf %sub3A_26, %sub3A_26 : vector<1024x1024xf32>
    %add3A_29 = arith.addf %add3A, %mul3A_28 : vector<1024x1024xf32>
    %iota3A = tpu.iota {dimensions = array<i32: 0>} : vector<1024x1024xi32>
    %iota3A_30 = tpu.iota {dimensions = array<i32: 0>} : vector<16x1024xi32>
    %mul3A_31 = arith.constant 5.242880e+05 : f32
    %mul3A_32 = vector.broadcast %mul3A_31 : f32 to vector<1024x1024xf32>
    %mul3A_33 = arith.mulf %add3A_29, %mul3A_32 : vector<1024x1024xf32>
    %convert_element_type3A = arith.fptosi %mul3A_33 : vector<1024x1024xf32> to vector<1024x1024xi32>
    %shift_left3A = arith.constant 10 : i32
    %shift_left3A_34 = vector.broadcast %shift_left3A : i32 to vector<1024x1024xi32>
    %shift_left3A_35 = arith.shli %convert_element_type3A, %shift_left3A_34 : vector<1024x1024xi32>
    %or3A = arith.ori %shift_left3A_35, %iota3A : vector<1024x1024xi32>
    %broadcast_in_dim3A = arith.constant 0 : i32
    %broadcast_in_dim3A_36 = vector.broadcast %broadcast_in_dim3A : i32 to vector<16x1024xi32>
    %scan3A = arith.constant 2147483647 : i32
    %scan3A_37 = arith.constant 0 : i32
    %scan3A_38 = arith.constant 16 : i32
    %scan3A_39 = arith.addi %scan3A_37, %scan3A_38 : i32
    %scan3A_40 = arith.constant 1 : i32
    %scan3A_41:2 = scf.for %scan3A_1338 = %scan3A_37 to %scan3A_39 step %scan3A_40 iter_args(%scan3A_1339 = %or3A, %scan3A_1340 = %broadcast_in_dim3A_36) -> (vector<1024x1024xi32>, vector<16x1024xi32>)  : i32 {
      %reduce_min3A = arith.constant dense<2147483647> : vector<1024xi32>
      %reduce_min3A_1341 = vector.multi_reduction <minsi>, %scan3A_1339, %reduce_min3A [0] : vector<1024x1024xi32> to vector<1024xi32>
      %broadcast_in_dim3A_1342 = vector.shape_cast %reduce_min3A_1341 : vector<1024xi32> to vector<1x1024xi32>
      %eq3A_1343 = vector.broadcast %broadcast_in_dim3A_1342 : vector<1x1024xi32> to vector<1024x1024xi32>
      %eq3A_1344 = arith.cmpi eq, %scan3A_1339, %eq3A_1343 : vector<1024x1024xi32>
      %broadcast_in_dim3A_1345 = vector.broadcast %scan3A : i32 to vector<1024x1024xi32>
      %select_n3A_1346 = arith.select %eq3A_1344, %broadcast_in_dim3A_1345, %scan3A_1339 : vector<1024x1024xi1>, vector<1024x1024xi32>
      %eq3A_1347 = vector.broadcast %scan3A_1338 : i32 to vector<16x1024xi32>
      %eq3A_1348 = arith.cmpi eq, %iota3A_30, %eq3A_1347 : vector<16x1024xi32>
      %and3A_1349 = arith.constant 1023 : i32
      %and3A_1350 = vector.broadcast %and3A_1349 : i32 to vector<1x1024xi32>
      %and3A_1351 = arith.andi %broadcast_in_dim3A_1342, %and3A_1350 : vector<1x1024xi32>
      %broadcast_in_dim3A_1352 = vector.shape_cast %and3A_1351 : vector<1x1024xi32> to vector<1x1024xi32>
      %broadcast_in_dim3A_1353 = vector.broadcast %broadcast_in_dim3A_1352 : vector<1x1024xi32> to vector<16x1024xi32>
      %select_n3A_1354 = arith.select %eq3A_1348, %broadcast_in_dim3A_1353, %scan3A_1340 : vector<16x1024xi1>, vector<16x1024xi32>
      scf.yield %select_n3A_1346, %select_n3A_1354 : vector<1024x1024xi32>, vector<16x1024xi32>
    }
    %scan3A_42 = arith.constant 16 : i32
    %mul3A_43 = arith.constant 1024 : i32
    %mul3A_44 = arith.muli %arg0, %mul3A_43 : i32
    %add3A_45 = vector.broadcast %mul3A_44 : i32 to vector<16x1024xi32>
    %add3A_46 = arith.addi %scan3A_41#1, %add3A_45 : vector<16x1024xi32>
    %swap3A = arith.constant 0 : index
    %swap3A_47 = arith.constant 0 : index
    %swap3A_48 = arith.constant 0 : index
    %swap3A_49 = vector.load %arg10[%swap3A, %swap3A_47, %swap3A_48] : memref<1x16x1024xi32, #tpu.memory_space<vmem>>, vector<1x16x1024xi32>
    %swap3A_50 = vector.shape_cast %swap3A_49 : vector<1x16x1024xi32> to vector<16x1024xi32>
    %swap3A_51 = vector.shape_cast %add3A_46 : vector<16x1024xi32> to vector<1x16x1024xi32>
    tpu.vector_store %arg10[%swap3A, %swap3A_47, %swap3A_48], %swap3A_51 {strides = array<i32>} : memref<1x16x1024xi32, #tpu.memory_space<vmem>>, vector<1x16x1024xi32>,
    %shift_right_logical3A = arith.constant 7 : i32
    %shift_right_logical3A_52 = vector.broadcast %shift_right_logical3A : i32 to vector<16x1024xi32>
    %shift_right_logical3A_53 = arith.shrui %scan3A_41#1, %shift_right_logical3A_52 : vector<16x1024xi32>
    %and3A = arith.constant 127 : i32
    %and3A_54 = vector.broadcast %and3A : i32 to vector<16x1024xi32>
    %and3A_55 = arith.andi %scan3A_41#1, %and3A_54 : vector<16x1024xi32>
    %broadcast_in_dim3A_56 = arith.constant 0.000000e+00 : f32
    %broadcast_in_dim3A_57 = vector.broadcast %broadcast_in_dim3A_56 : f32 to vector<16x1024xf32>
    %slice3A_58 = vector.extract_strided_slice %get3A_8 {offsets = [0, 0], sizes = [1, 1024], strides = [1, 1]} : vector<3x1024xf32> to vector<1x1024xf32>
    %slice3A_59 = vector.extract_strided_slice %slice3A_58 {offsets = [0, 0], sizes = [1, 128], strides = [1, 1]} : vector<1x1024xf32> to vector<1x128xf32>
    %broadcast_in_dim3A_60 = vector.shape_cast %slice3A_59 : vector<1x128xf32> to vector<1x128xf32>
    %broadcast_in_dim3A_61 = vector.broadcast %broadcast_in_dim3A_60 : vector<1x128xf32> to vector<16x128xf32>
    %lt3A = arith.constant 0 : i32
    %lt3A_62 = vector.broadcast %lt3A : i32 to vector<16x1024xi32>
    %lt3A_63 = arith.cmpi slt, %and3A_55, %lt3A_62 : vector<16x1024xi32>
    %add3A_64 = arith.constant 128 : i32
    %add3A_65 = vector.broadcast %add3A_64 : i32 to vector<16x1024xi32>
    %add3A_66 = arith.addi %and3A_55, %add3A_65 : vector<16x1024xi32>
    %select_n3A = arith.select %lt3A_63, %add3A_66, %and3A_55 : vector<16x1024xi1>, vector<16x1024xi32>
    %reshape3A = vector.shape_cast %select_n3A : vector<16x1024xi32> to vector<16x1024x1xi32>
    %gather3A = vector.shape_cast %reshape3A : vector<16x1024x1xi32> to vector<16x1024xi32>
    %gather3A_67 = tpu.dynamic_gather %broadcast_in_dim3A_61[%gather3A] in [1] : vector<16x128xf32>, vector<16x1024xi32> -> vector<16x1024xf32>
    %eq3A = arith.constant 0 : i32
    %eq3A_68 = vector.broadcast %eq3A : i32 to vector<16x1024xi32>
    %eq3A_69 = arith.cmpi eq, %shift_right_logical3A_53, %eq3A_68 : vector<16x1024xi32>
    %select_n3A_70 = arith.select %eq3A_69, %gather3A_67, %broadcast_in_dim3A_57 : vector<16x1024xi1>, vector<16x1024xf32>
    %slice3A_71 = vector.extract_strided_slice %slice3A_58 {offsets = [0, 128], sizes = [1, 128], strides = [1, 1]} : vector<1x1024xf32> to vector<1x128xf32>
    %broadcast_in_dim3A_72 = vector.shape_cast %slice3A_71 : vector<1x128xf32> to vector<1x128xf32>
    %broadcast_in_dim3A_73 = vector.broadcast %broadcast_in_dim3A_72 : vector<1x128xf32> to vector<16x128xf32>
    %lt3A_74 = arith.constant 0 : i32
    %lt3A_75 = vector.broadcast %lt3A_74 : i32 to vector<16x1024xi32>
    %lt3A_76 = arith.cmpi slt, %and3A_55, %lt3A_75 : vector<16x1024xi32>
    %add3A_77 = arith.constant 128 : i32
    %add3A_78 = vector.broadcast %add3A_77 : i32 to vector<16x1024xi32>
    %add3A_79 = arith.addi %and3A_55, %add3A_78 : vector<16x1024xi32>
    %select_n3A_80 = arith.select %lt3A_76, %add3A_79, %and3A_55 : vector<16x1024xi1>, vector<16x1024xi32>
    %reshape3A_81 = vector.shape_cast %select_n3A_80 : vector<16x1024xi32> to vector<16x1024x1xi32>
    %gather3A_82 = vector.shape_cast %reshape3A_81 : vector<16x1024x1xi32> to vector<16x1024xi32>
    %gather3A_83 = tpu.dynamic_gather %broadcast_in_dim3A_73[%gather3A_82] in [1] : vector<16x128xf32>, vector<16x1024xi32> -> vector<16x1024xf32>
    %eq3A_84 = arith.constant 1 : i32
    %eq3A_85 = vector.broadcast %eq3A_84 : i32 to vector<16x1024xi32>
    %eq3A_86 = arith.cmpi eq, %shift_right_logical3A_53, %eq3A_85 : vector<16x1024xi32>
    %select_n3A_87 = arith.select %eq3A_86, %gather3A_83, %select_n3A_70 : vector<16x1024xi1>, vector<16x1024xf32>
    %slice3A_88 = vector.extract_strided_slice %slice3A_58 {offsets = [0, 256], sizes = [1, 128], strides = [1, 1]} : vector<1x1024xf32> to vector<1x128xf32>
    %broadcast_in_dim3A_89 = vector.shape_cast %slice3A_88 : vector<1x128xf32> to vector<1x128xf32>
    %broadcast_in_dim3A_90 = vector.broadcast %broadcast_in_dim3A_89 : vector<1x128xf32> to vector<16x128xf32>
    %lt3A_91 = arith.constant 0 : i32
    %lt3A_92 = vector.broadcast %lt3A_91 : i32 to vector<16x1024xi32>
    %lt3A_93 = arith.cmpi slt, %and3A_55, %lt3A_92 : vector<16x1024xi32>
    %add3A_94 = arith.constant 128 : i32
    %add3A_95 = vector.broadcast %add3A_94 : i32 to vector<16x1024xi32>
    %add3A_96 = arith.addi %and3A_55, %add3A_95 : vector<16x1024xi32>
    %select_n3A_97 = arith.select %lt3A_93, %add3A_96, %and3A_55 : vector<16x1024xi1>, vector<16x1024xi32>
    %reshape3A_98 = vector.shape_cast %select_n3A_97 : vector<16x1024xi32> to vector<16x1024x1xi32>
    %gather3A_99 = vector.shape_cast %reshape3A_98 : vector<16x1024x1xi32> to vector<16x1024xi32>
    %gather3A_100 = tpu.dynamic_gather %broadcast_in_dim3A_90[%gather3A_99] in [1] : vector<16x128xf32>, vector<16x1024xi32> -> vector<16x1024xf32>
    %eq3A_101 = arith.constant 2 : i32
    %eq3A_102 = vector.broadcast %eq3A_101 : i32 to vector<16x1024xi32>
    %eq3A_103 = arith.cmpi eq, %shift_right_logical3A_53, %eq3A_102 : vector<16x1024xi32>
    %select_n3A_104 = arith.select %eq3A_103, %gather3A_100, %select_n3A_87 : vector<16x1024xi1>, vector<16x1024xf32>
    %slice3A_105 = vector.extract_strided_slice %slice3A_58 {offsets = [0, 384], sizes = [1, 128], strides = [1, 1]} : vector<1x1024xf32> to vector<1x128xf32>
    %broadcast_in_dim3A_106 = vector.shape_cast %slice3A_105 : vector<1x128xf32> to vector<1x128xf32>
    %broadcast_in_dim3A_107 = vector.broadcast %broadcast_in_dim3A_106 : vector<1x128xf32> to vector<16x128xf32>
    %lt3A_108 = arith.constant 0 : i32
    %lt3A_109 = vector.broadcast %lt3A_108 : i32 to vector<16x1024xi32>
    %lt3A_110 = arith.cmpi slt, %and3A_55, %lt3A_109 : vector<16x1024xi32>
    %add3A_111 = arith.constant 128 : i32
    %add3A_112 = vector.broadcast %add3A_111 : i32 to vector<16x1024xi32>
    %add3A_113 = arith.addi %and3A_55, %add3A_112 : vector<16x1024xi32>
    %select_n3A_114 = arith.select %lt3A_110, %add3A_113, %and3A_55 : vector<16x1024xi1>, vector<16x1024xi32>
    %reshape3A_115 = vector.shape_cast %select_n3A_114 : vector<16x1024xi32> to vector<16x1024x1xi32>
    %gather3A_116 = vector.shape_cast %reshape3A_115 : vector<16x1024x1xi32> to vector<16x1024xi32>
    %gather3A_117 = tpu.dynamic_gather %broadcast_in_dim3A_107[%gather3A_116] in [1] : vector<16x128xf32>, vector<16x1024xi32> -> vector<16x1024xf32>
    %eq3A_118 = arith.constant 3 : i32
    %eq3A_119 = vector.broadcast %eq3A_118 : i32 to vector<16x1024xi32>
    %eq3A_120 = arith.cmpi eq, %shift_right_logical3A_53, %eq3A_119 : vector<16x1024xi32>
    %select_n3A_121 = arith.select %eq3A_120, %gather3A_117, %select_n3A_104 : vector<16x1024xi1>, vector<16x1024xf32>
    %slice3A_122 = vector.extract_strided_slice %slice3A_58 {offsets = [0, 512], sizes = [1, 128], strides = [1, 1]} : vector<1x1024xf32> to vector<1x128xf32>
    %broadcast_in_dim3A_123 = vector.shape_cast %slice3A_122 : vector<1x128xf32> to vector<1x128xf32>
    %broadcast_in_dim3A_124 = vector.broadcast %broadcast_in_dim3A_123 : vector<1x128xf32> to vector<16x128xf32>
    %lt3A_125 = arith.constant 0 : i32
    %lt3A_126 = vector.broadcast %lt3A_125 : i32 to vector<16x1024xi32>
    %lt3A_127 = arith.cmpi slt, %and3A_55, %lt3A_126 : vector<16x1024xi32>
    %add3A_128 = arith.constant 128 : i32
    %add3A_129 = vector.broadcast %add3A_128 : i32 to vector<16x1024xi32>
    %add3A_130 = arith.addi %and3A_55, %add3A_129 : vector<16x1024xi32>
    %select_n3A_131 = arith.select %lt3A_127, %add3A_130, %and3A_55 : vector<16x1024xi1>, vector<16x1024xi32>
    %reshape3A_132 = vector.shape_cast %select_n3A_131 : vector<16x1024xi32> to vector<16x1024x1xi32>
    %gather3A_133 = vector.shape_cast %reshape3A_132 : vector<16x1024x1xi32> to vector<16x1024xi32>
    %gather3A_134 = tpu.dynamic_gather %broadcast_in_dim3A_124[%gather3A_133] in [1] : vector<16x128xf32>, vector<16x1024xi32> -> vector<16x1024xf32>
    %eq3A_135 = arith.constant 4 : i32
    %eq3A_136 = vector.broadcast %eq3A_135 : i32 to vector<16x1024xi32>
    %eq3A_137 = arith.cmpi eq, %shift_right_logical3A_53, %eq3A_136 : vector<16x1024xi32>
    %select_n3A_138 = arith.select %eq3A_137, %gather3A_134, %select_n3A_121 : vector<16x1024xi1>, vector<16x1024xf32>
    %slice3A_139 = vector.extract_strided_slice %slice3A_58 {offsets = [0, 640], sizes = [1, 128], strides = [1, 1]} : vector<1x1024xf32> to vector<1x128xf32>
    %broadcast_in_dim3A_140 = vector.shape_cast %slice3A_139 : vector<1x128xf32> to vector<1x128xf32>
    %broadcast_in_dim3A_141 = vector.broadcast %broadcast_in_dim3A_140 : vector<1x128xf32> to vector<16x128xf32>
    %lt3A_142 = arith.constant 0 : i32
    %lt3A_143 = vector.broadcast %lt3A_142 : i32 to vector<16x1024xi32>
    %lt3A_144 = arith.cmpi slt, %and3A_55, %lt3A_143 : vector<16x1024xi32>
    %add3A_145 = arith.constant 128 : i32
    %add3A_146 = vector.broadcast %add3A_145 : i32 to vector<16x1024xi32>
    %add3A_147 = arith.addi %and3A_55, %add3A_146 : vector<16x1024xi32>
    %select_n3A_148 = arith.select %lt3A_144, %add3A_147, %and3A_55 : vector<16x1024xi1>, vector<16x1024xi32>
    %reshape3A_149 = vector.shape_cast %select_n3A_148 : vector<16x1024xi32> to vector<16x1024x1xi32>
    %gather3A_150 = vector.shape_cast %reshape3A_149 : vector<16x1024x1xi32> to vector<16x1024xi32>
    %gather3A_151 = tpu.dynamic_gather %broadcast_in_dim3A_141[%gather3A_150] in [1] : vector<16x128xf32>, vector<16x1024xi32> -> vector<16x1024xf32>
    %eq3A_152 = arith.constant 5 : i32
    %eq3A_153 = vector.broadcast %eq3A_152 : i32 to vector<16x1024xi32>
    %eq3A_154 = arith.cmpi eq, %shift_right_logical3A_53, %eq3A_153 : vector<16x1024xi32>
    %select_n3A_155 = arith.select %eq3A_154, %gather3A_151, %select_n3A_138 : vector<16x1024xi1>, vector<16x1024xf32>
    %slice3A_156 = vector.extract_strided_slice %slice3A_58 {offsets = [0, 768], sizes = [1, 128], strides = [1, 1]} : vector<1x1024xf32> to vector<1x128xf32>
    %broadcast_in_dim3A_157 = vector.shape_cast %slice3A_156 : vector<1x128xf32> to vector<1x128xf32>
    %broadcast_in_dim3A_158 = vector.broadcast %broadcast_in_dim3A_157 : vector<1x128xf32> to vector<16x128xf32>
    %lt3A_159 = arith.constant 0 : i32
    %lt3A_160 = vector.broadcast %lt3A_159 : i32 to vector<16x1024xi32>
    %lt3A_161 = arith.cmpi slt, %and3A_55, %lt3A_160 : vector<16x1024xi32>
    %add3A_162 = arith.constant 128 : i32
    %add3A_163 = vector.broadcast %add3A_162 : i32 to vector<16x1024xi32>
    %add3A_164 = arith.addi %and3A_55, %add3A_163 : vector<16x1024xi32>
    %select_n3A_165 = arith.select %lt3A_161, %add3A_164, %and3A_55 : vector<16x1024xi1>, vector<16x1024xi32>
    %reshape3A_166 = vector.shape_cast %select_n3A_165 : vector<16x1024xi32> to vector<16x1024x1xi32>
    %gather3A_167 = vector.shape_cast %reshape3A_166 : vector<16x1024x1xi32> to vector<16x1024xi32>
    %gather3A_168 = tpu.dynamic_gather %broadcast_in_dim3A_158[%gather3A_167] in [1] : vector<16x128xf32>, vector<16x1024xi32> -> vector<16x1024xf32>
    %eq3A_169 = arith.constant 6 : i32
    %eq3A_170 = vector.broadcast %eq3A_169 : i32 to vector<16x1024xi32>
    %eq3A_171 = arith.cmpi eq, %shift_right_logical3A_53, %eq3A_170 : vector<16x1024xi32>
    %select_n3A_172 = arith.select %eq3A_171, %gather3A_168, %select_n3A_155 : vector<16x1024xi1>, vector<16x1024xf32>
    %slice3A_173 = vector.extract_strided_slice %slice3A_58 {offsets = [0, 896], sizes = [1, 128], strides = [1, 1]} : vector<1x1024xf32> to vector<1x128xf32>
    %broadcast_in_dim3A_174 = vector.shape_cast %slice3A_173 : vector<1x128xf32> to vector<1x128xf32>
    %broadcast_in_dim3A_175 = vector.broadcast %broadcast_in_dim3A_174 : vector<1x128xf32> to vector<16x128xf32>
    %lt3A_176 = arith.constant 0 : i32
    %lt3A_177 = vector.broadcast %lt3A_176 : i32 to vector<16x1024xi32>
    %lt3A_178 = arith.cmpi slt, %and3A_55, %lt3A_177 : vector<16x1024xi32>
    %add3A_179 = arith.constant 128 : i32
    %add3A_180 = vector.broadcast %add3A_179 : i32 to vector<16x1024xi32>
    %add3A_181 = arith.addi %and3A_55, %add3A_180 : vector<16x1024xi32>
    %select_n3A_182 = arith.select %lt3A_178, %add3A_181, %and3A_55 : vector<16x1024xi1>, vector<16x1024xi32>
    %reshape3A_183 = vector.shape_cast %select_n3A_182 : vector<16x1024xi32> to vector<16x1024x1xi32>
    %gather3A_184 = vector.shape_cast %reshape3A_183 : vector<16x1024x1xi32> to vector<16x1024xi32>
    %gather3A_185 = tpu.dynamic_gather %broadcast_in_dim3A_175[%gather3A_184] in [1] : vector<16x128xf32>, vector<16x1024xi32> -> vector<16x1024xf32>
    %eq3A_186 = arith.constant 7 : i32
    %eq3A_187 = vector.broadcast %eq3A_186 : i32 to vector<16x1024xi32>
    %eq3A_188 = arith.cmpi eq, %shift_right_logical3A_53, %eq3A_187 : vector<16x1024xi32>
    %select_n3A_189 = arith.select %eq3A_188, %gather3A_185, %select_n3A_172 : vector<16x1024xi1>, vector<16x1024xf32>
    %slice3A_190 = vector.extract_strided_slice %get3A_8 {offsets = [0, 0], sizes = [1, 1024], strides = [1, 1]} : vector<3x1024xf32> to vector<1x1024xf32>
    %sub3A_191 = vector.broadcast %slice3A_190 : vector<1x1024xf32> to vector<16x1024xf32>
    %sub3A_192 = arith.subf %select_n3A_189, %sub3A_191 : vector<16x1024xf32>
    %slice3A_193 = vector.extract_strided_slice %get3A_8 {offsets = [1, 0], sizes = [1, 1024], strides = [1, 1]} : vector<3x1024xf32> to vector<1x1024xf32>
    %slice3A_194 = vector.extract_strided_slice %slice3A_193 {offsets = [0, 0], sizes = [1, 128], strides = [1, 1]} : vector<1x1024xf32> to vector<1x128xf32>
    %broadcast_in_dim3A_195 = vector.shape_cast %slice3A_194 : vector<1x128xf32> to vector<1x128xf32>
    %broadcast_in_dim3A_196 = vector.broadcast %broadcast_in_dim3A_195 : vector<1x128xf32> to vector<16x128xf32>
    %lt3A_197 = arith.constant 0 : i32
    %lt3A_198 = vector.broadcast %lt3A_197 : i32 to vector<16x1024xi32>
    %lt3A_199 = arith.cmpi slt, %and3A_55, %lt3A_198 : vector<16x1024xi32>
    %add3A_200 = arith.constant 128 : i32
    %add3A_201 = vector.broadcast %add3A_200 : i32 to vector<16x1024xi32>
    %add3A_202 = arith.addi %and3A_55, %add3A_201 : vector<16x1024xi32>
    %select_n3A_203 = arith.select %lt3A_199, %add3A_202, %and3A_55 : vector<16x1024xi1>, vector<16x1024xi32>
    %reshape3A_204 = vector.shape_cast %select_n3A_203 : vector<16x1024xi32> to vector<16x1024x1xi32>
    %gather3A_205 = vector.shape_cast %reshape3A_204 : vector<16x1024x1xi32> to vector<16x1024xi32>
    %gather3A_206 = tpu.dynamic_gather %broadcast_in_dim3A_196[%gather3A_205] in [1] : vector<16x128xf32>, vector<16x1024xi32> -> vector<16x1024xf32>
    %eq3A_207 = arith.constant 0 : i32
    %eq3A_208 = vector.broadcast %eq3A_207 : i32 to vector<16x1024xi32>
    %eq3A_209 = arith.cmpi eq, %shift_right_logical3A_53, %eq3A_208 : vector<16x1024xi32>
    %select_n3A_210 = arith.select %eq3A_209, %gather3A_206, %broadcast_in_dim3A_57 : vector<16x1024xi1>, vector<16x1024xf32>
    %slice3A_211 = vector.extract_strided_slice %slice3A_193 {offsets = [0, 128], sizes = [1, 128], strides = [1, 1]} : vector<1x1024xf32> to vector<1x128xf32>
    %broadcast_in_dim3A_212 = vector.shape_cast %slice3A_211 : vector<1x128xf32> to vector<1x128xf32>
    %broadcast_in_dim3A_213 = vector.broadcast %broadcast_in_dim3A_212 : vector<1x128xf32> to vector<16x128xf32>
    %lt3A_214 = arith.constant 0 : i32
    %lt3A_215 = vector.broadcast %lt3A_214 : i32 to vector<16x1024xi32>
    %lt3A_216 = arith.cmpi slt, %and3A_55, %lt3A_215 : vector<16x1024xi32>
    %add3A_217 = arith.constant 128 : i32
    %add3A_218 = vector.broadcast %add3A_217 : i32 to vector<16x1024xi32>
    %add3A_219 = arith.addi %and3A_55, %add3A_218 : vector<16x1024xi32>
    %select_n3A_220 = arith.select %lt3A_216, %add3A_219, %and3A_55 : vector<16x1024xi1>, vector<16x1024xi32>
    %reshape3A_221 = vector.shape_cast %select_n3A_220 : vector<16x1024xi32> to vector<16x1024x1xi32>
    %gather3A_222 = vector.shape_cast %reshape3A_221 : vector<16x1024x1xi32> to vector<16x1024xi32>
    %gather3A_223 = tpu.dynamic_gather %broadcast_in_dim3A_213[%gather3A_222] in [1] : vector<16x128xf32>, vector<16x1024xi32> -> vector<16x1024xf32>
    %eq3A_224 = arith.constant 1 : i32
    %eq3A_225 = vector.broadcast %eq3A_224 : i32 to vector<16x1024xi32>
    %eq3A_226 = arith.cmpi eq, %shift_right_logical3A_53, %eq3A_225 : vector<16x1024xi32>
    %select_n3A_227 = arith.select %eq3A_226, %gather3A_223, %select_n3A_210 : vector<16x1024xi1>, vector<16x1024xf32>
    %slice3A_228 = vector.extract_strided_slice %slice3A_193 {offsets = [0, 256], sizes = [1, 128], strides = [1, 1]} : vector<1x1024xf32> to vector<1x128xf32>
    %broadcast_in_dim3A_229 = vector.shape_cast %slice3A_228 : vector<1x128xf32> to vector<1x128xf32>
    %broadcast_in_dim3A_230 = vector.broadcast %broadcast_in_dim3A_229 : vector<1x128xf32> to vector<16x128xf32>
    %lt3A_231 = arith.constant 0 : i32
    %lt3A_232 = vector.broadcast %lt3A_231 : i32 to vector<16x1024xi32>
    %lt3A_233 = arith.cmpi slt, %and3A_55, %lt3A_232 : vector<16x1024xi32>
    %add3A_234 = arith.constant 128 : i32
    %add3A_235 = vector.broadcast %add3A_234 : i32 to vector<16x1024xi32>
    %add3A_236 = arith.addi %and3A_55, %add3A_235 : vector<16x1024xi32>
    %select_n3A_237 = arith.select %lt3A_233, %add3A_236, %and3A_55 : vector<16x1024xi1>, vector<16x1024xi32>
    %reshape3A_238 = vector.shape_cast %select_n3A_237 : vector<16x1024xi32> to vector<16x1024x1xi32>
    %gather3A_239 = vector.shape_cast %reshape3A_238 : vector<16x1024x1xi32> to vector<16x1024xi32>
    %gather3A_240 = tpu.dynamic_gather %broadcast_in_dim3A_230[%gather3A_239] in [1] : vector<16x128xf32>, vector<16x1024xi32> -> vector<16x1024xf32>
    %eq3A_241 = arith.constant 2 : i32
    %eq3A_242 = vector.broadcast %eq3A_241 : i32 to vector<16x1024xi32>
    %eq3A_243 = arith.cmpi eq, %shift_right_logical3A_53, %eq3A_242 : vector<16x1024xi32>
    %select_n3A_244 = arith.select %eq3A_243, %gather3A_240, %select_n3A_227 : vector<16x1024xi1>, vector<16x1024xf32>
    %slice3A_245 = vector.extract_strided_slice %slice3A_193 {offsets = [0, 384], sizes = [1, 128], strides = [1, 1]} : vector<1x1024xf32> to vector<1x128xf32>
    %broadcast_in_dim3A_246 = vector.shape_cast %slice3A_245 : vector<1x128xf32> to vector<1x128xf32>
    %broadcast_in_dim3A_247 = vector.broadcast %broadcast_in_dim3A_246 : vector<1x128xf32> to vector<16x128xf32>
    %lt3A_248 = arith.constant 0 : i32
    %lt3A_249 = vector.broadcast %lt3A_248 : i32 to vector<16x1024xi32>
    %lt3A_250 = arith.cmpi slt, %and3A_55, %lt3A_249 : vector<16x1024xi32>
    %add3A_251 = arith.constant 128 : i32
    %add3A_252 = vector.broadcast %add3A_251 : i32 to vector<16x1024xi32>
    %add3A_253 = arith.addi %and3A_55, %add3A_252 : vector<16x1024xi32>
    %select_n3A_254 = arith.select %lt3A_250, %add3A_253, %and3A_55 : vector<16x1024xi1>, vector<16x1024xi32>
    %reshape3A_255 = vector.shape_cast %select_n3A_254 : vector<16x1024xi32> to vector<16x1024x1xi32>
    %gather3A_256 = vector.shape_cast %reshape3A_255 : vector<16x1024x1xi32> to vector<16x1024xi32>
    %gather3A_257 = tpu.dynamic_gather %broadcast_in_dim3A_247[%gather3A_256] in [1] : vector<16x128xf32>, vector<16x1024xi32> -> vector<16x1024xf32>
    %eq3A_258 = arith.constant 3 : i32
    %eq3A_259 = vector.broadcast %eq3A_258 : i32 to vector<16x1024xi32>
    %eq3A_260 = arith.cmpi eq, %shift_right_logical3A_53, %eq3A_259 : vector<16x1024xi32>
    %select_n3A_261 = arith.select %eq3A_260, %gather3A_257, %select_n3A_244 : vector<16x1024xi1>, vector<16x1024xf32>
    %slice3A_262 = vector.extract_strided_slice %slice3A_193 {offsets = [0, 512], sizes = [1, 128], strides = [1, 1]} : vector<1x1024xf32> to vector<1x128xf32>
    %broadcast_in_dim3A_263 = vector.shape_cast %slice3A_262 : vector<1x128xf32> to vector<1x128xf32>
    %broadcast_in_dim3A_264 = vector.broadcast %broadcast_in_dim3A_263 : vector<1x128xf32> to vector<16x128xf32>
    %lt3A_265 = arith.constant 0 : i32
    %lt3A_266 = vector.broadcast %lt3A_265 : i32 to vector<16x1024xi32>
    %lt3A_267 = arith.cmpi slt, %and3A_55, %lt3A_266 : vector<16x1024xi32>
    %add3A_268 = arith.constant 128 : i32
    %add3A_269 = vector.broadcast %add3A_268 : i32 to vector<16x1024xi32>
    %add3A_270 = arith.addi %and3A_55, %add3A_269 : vector<16x1024xi32>
    %select_n3A_271 = arith.select %lt3A_267, %add3A_270, %and3A_55 : vector<16x1024xi1>, vector<16x1024xi32>
    %reshape3A_272 = vector.shape_cast %select_n3A_271 : vector<16x1024xi32> to vector<16x1024x1xi32>
    %gather3A_273 = vector.shape_cast %reshape3A_272 : vector<16x1024x1xi32> to vector<16x1024xi32>
    %gather3A_274 = tpu.dynamic_gather %broadcast_in_dim3A_264[%gather3A_273] in [1] : vector<16x128xf32>, vector<16x1024xi32> -> vector<16x1024xf32>
    %eq3A_275 = arith.constant 4 : i32
    %eq3A_276 = vector.broadcast %eq3A_275 : i32 to vector<16x1024xi32>
    %eq3A_277 = arith.cmpi eq, %shift_right_logical3A_53, %eq3A_276 : vector<16x1024xi32>
    %select_n3A_278 = arith.select %eq3A_277, %gather3A_274, %select_n3A_261 : vector<16x1024xi1>, vector<16x1024xf32>
    %slice3A_279 = vector.extract_strided_slice %slice3A_193 {offsets = [0, 640], sizes = [1, 128], strides = [1, 1]} : vector<1x1024xf32> to vector<1x128xf32>
    %broadcast_in_dim3A_280 = vector.shape_cast %slice3A_279 : vector<1x128xf32> to vector<1x128xf32>
    %broadcast_in_dim3A_281 = vector.broadcast %broadcast_in_dim3A_280 : vector<1x128xf32> to vector<16x128xf32>
    %lt3A_282 = arith.constant 0 : i32
    %lt3A_283 = vector.broadcast %lt3A_282 : i32 to vector<16x1024xi32>
    %lt3A_284 = arith.cmpi slt, %and3A_55, %lt3A_283 : vector<16x1024xi32>
    %add3A_285 = arith.constant 128 : i32
    %add3A_286 = vector.broadcast %add3A_285 : i32 to vector<16x1024xi32>
    %add3A_287 = arith.addi %and3A_55, %add3A_286 : vector<16x1024xi32>
    %select_n3A_288 = arith.select %lt3A_284, %add3A_287, %and3A_55 : vector<16x1024xi1>, vector<16x1024xi32>
    %reshape3A_289 = vector.shape_cast %select_n3A_288 : vector<16x1024xi32> to vector<16x1024x1xi32>
    %gather3A_290 = vector.shape_cast %reshape3A_289 : vector<16x1024x1xi32> to vector<16x1024xi32>
    %gather3A_291 = tpu.dynamic_gather %broadcast_in_dim3A_281[%gather3A_290] in [1] : vector<16x128xf32>, vector<16x1024xi32> -> vector<16x1024xf32>
    %eq3A_292 = arith.constant 5 : i32
    %eq3A_293 = vector.broadcast %eq3A_292 : i32 to vector<16x1024xi32>
    %eq3A_294 = arith.cmpi eq, %shift_right_logical3A_53, %eq3A_293 : vector<16x1024xi32>
    %select_n3A_295 = arith.select %eq3A_294, %gather3A_291, %select_n3A_278 : vector<16x1024xi1>, vector<16x1024xf32>
    %slice3A_296 = vector.extract_strided_slice %slice3A_193 {offsets = [0, 768], sizes = [1, 128], strides = [1, 1]} : vector<1x1024xf32> to vector<1x128xf32>
    %broadcast_in_dim3A_297 = vector.shape_cast %slice3A_296 : vector<1x128xf32> to vector<1x128xf32>
    %broadcast_in_dim3A_298 = vector.broadcast %broadcast_in_dim3A_297 : vector<1x128xf32> to vector<16x128xf32>
    %lt3A_299 = arith.constant 0 : i32
    %lt3A_300 = vector.broadcast %lt3A_299 : i32 to vector<16x1024xi32>
    %lt3A_301 = arith.cmpi slt, %and3A_55, %lt3A_300 : vector<16x1024xi32>
    %add3A_302 = arith.constant 128 : i32
    %add3A_303 = vector.broadcast %add3A_302 : i32 to vector<16x1024xi32>
    %add3A_304 = arith.addi %and3A_55, %add3A_303 : vector<16x1024xi32>
    %select_n3A_305 = arith.select %lt3A_301, %add3A_304, %and3A_55 : vector<16x1024xi1>, vector<16x1024xi32>
    %reshape3A_306 = vector.shape_cast %select_n3A_305 : vector<16x1024xi32> to vector<16x1024x1xi32>
    %gather3A_307 = vector.shape_cast %reshape3A_306 : vector<16x1024x1xi32> to vector<16x1024xi32>
    %gather3A_308 = tpu.dynamic_gather %broadcast_in_dim3A_298[%gather3A_307] in [1] : vector<16x128xf32>, vector<16x1024xi32> -> vector<16x1024xf32>
    %eq3A_309 = arith.constant 6 : i32
    %eq3A_310 = vector.broadcast %eq3A_309 : i32 to vector<16x1024xi32>
    %eq3A_311 = arith.cmpi eq, %shift_right_logical3A_53, %eq3A_310 : vector<16x1024xi32>
    %select_n3A_312 = arith.select %eq3A_311, %gather3A_308, %select_n3A_295 : vector<16x1024xi1>, vector<16x1024xf32>
    %slice3A_313 = vector.extract_strided_slice %slice3A_193 {offsets = [0, 896], sizes = [1, 128], strides = [1, 1]} : vector<1x1024xf32> to vector<1x128xf32>
    %broadcast_in_dim3A_314 = vector.shape_cast %slice3A_313 : vector<1x128xf32> to vector<1x128xf32>
    %broadcast_in_dim3A_315 = vector.broadcast %broadcast_in_dim3A_314 : vector<1x128xf32> to vector<16x128xf32>
    %lt3A_316 = arith.constant 0 : i32
    %lt3A_317 = vector.broadcast %lt3A_316 : i32 to vector<16x1024xi32>
    %lt3A_318 = arith.cmpi slt, %and3A_55, %lt3A_317 : vector<16x1024xi32>
    %add3A_319 = arith.constant 128 : i32
    %add3A_320 = vector.broadcast %add3A_319 : i32 to vector<16x1024xi32>
    %add3A_321 = arith.addi %and3A_55, %add3A_320 : vector<16x1024xi32>
    %select_n3A_322 = arith.select %lt3A_318, %add3A_321, %and3A_55 : vector<16x1024xi1>, vector<16x1024xi32>
    %reshape3A_323 = vector.shape_cast %select_n3A_322 : vector<16x1024xi32> to vector<16x1024x1xi32>
    %gather3A_324 = vector.shape_cast %reshape3A_323 : vector<16x1024x1xi32> to vector<16x1024xi32>
    %gather3A_325 = tpu.dynamic_gather %broadcast_in_dim3A_315[%gather3A_324] in [1] : vector<16x128xf32>, vector<16x1024xi32> -> vector<16x1024xf32>
    %eq3A_326 = arith.constant 7 : i32
    %eq3A_327 = vector.broadcast %eq3A_326 : i32 to vector<16x1024xi32>
    %eq3A_328 = arith.cmpi eq, %shift_right_logical3A_53, %eq3A_327 : vector<16x1024xi32>
    %select_n3A_329 = arith.select %eq3A_328, %gather3A_325, %select_n3A_312 : vector<16x1024xi1>, vector<16x1024xf32>
    %slice3A_330 = vector.extract_strided_slice %get3A_8 {offsets = [1, 0], sizes = [1, 1024], strides = [1, 1]} : vector<3x1024xf32> to vector<1x1024xf32>
    %sub3A_331 = vector.broadcast %slice3A_330 : vector<1x1024xf32> to vector<16x1024xf32>
    %sub3A_332 = arith.subf %select_n3A_329, %sub3A_331 : vector<16x1024xf32>
    %slice3A_333 = vector.extract_strided_slice %get3A_8 {offsets = [2, 0], sizes = [1, 1024], strides = [1, 1]} : vector<3x1024xf32> to vector<1x1024xf32>
    %slice3A_334 = vector.extract_strided_slice %slice3A_333 {offsets = [0, 0], sizes = [1, 128], strides = [1, 1]} : vector<1x1024xf32> to vector<1x128xf32>
    %broadcast_in_dim3A_335 = vector.shape_cast %slice3A_334 : vector<1x128xf32> to vector<1x128xf32>
    %broadcast_in_dim3A_336 = vector.broadcast %broadcast_in_dim3A_335 : vector<1x128xf32> to vector<16x128xf32>
    %lt3A_337 = arith.constant 0 : i32
    %lt3A_338 = vector.broadcast %lt3A_337 : i32 to vector<16x1024xi32>
    %lt3A_339 = arith.cmpi slt, %and3A_55, %lt3A_338 : vector<16x1024xi32>
    %add3A_340 = arith.constant 128 : i32
    %add3A_341 = vector.broadcast %add3A_340 : i32 to vector<16x1024xi32>
    %add3A_342 = arith.addi %and3A_55, %add3A_341 : vector<16x1024xi32>
    %select_n3A_343 = arith.select %lt3A_339, %add3A_342, %and3A_55 : vector<16x1024xi1>, vector<16x1024xi32>
    %reshape3A_344 = vector.shape_cast %select_n3A_343 : vector<16x1024xi32> to vector<16x1024x1xi32>
    %gather3A_345 = vector.shape_cast %reshape3A_344 : vector<16x1024x1xi32> to vector<16x1024xi32>
    %gather3A_346 = tpu.dynamic_gather %broadcast_in_dim3A_336[%gather3A_345] in [1] : vector<16x128xf32>, vector<16x1024xi32> -> vector<16x1024xf32>
    %eq3A_347 = arith.constant 0 : i32
    %eq3A_348 = vector.broadcast %eq3A_347 : i32 to vector<16x1024xi32>
    %eq3A_349 = arith.cmpi eq, %shift_right_logical3A_53, %eq3A_348 : vector<16x1024xi32>
    %select_n3A_350 = arith.select %eq3A_349, %gather3A_346, %broadcast_in_dim3A_57 : vector<16x1024xi1>, vector<16x1024xf32>
    %slice3A_351 = vector.extract_strided_slice %slice3A_333 {offsets = [0, 128], sizes = [1, 128], strides = [1, 1]} : vector<1x1024xf32> to vector<1x128xf32>
    %broadcast_in_dim3A_352 = vector.shape_cast %slice3A_351 : vector<1x128xf32> to vector<1x128xf32>
    %broadcast_in_dim3A_353 = vector.broadcast %broadcast_in_dim3A_352 : vector<1x128xf32> to vector<16x128xf32>
    %lt3A_354 = arith.constant 0 : i32
    %lt3A_355 = vector.broadcast %lt3A_354 : i32 to vector<16x1024xi32>
    %lt3A_356 = arith.cmpi slt, %and3A_55, %lt3A_355 : vector<16x1024xi32>
    %add3A_357 = arith.constant 128 : i32
    %add3A_358 = vector.broadcast %add3A_357 : i32 to vector<16x1024xi32>
    %add3A_359 = arith.addi %and3A_55, %add3A_358 : vector<16x1024xi32>
    %select_n3A_360 = arith.select %lt3A_356, %add3A_359, %and3A_55 : vector<16x1024xi1>, vector<16x1024xi32>
    %reshape3A_361 = vector.shape_cast %select_n3A_360 : vector<16x1024xi32> to vector<16x1024x1xi32>
    %gather3A_362 = vector.shape_cast %reshape3A_361 : vector<16x1024x1xi32> to vector<16x1024xi32>
    %gather3A_363 = tpu.dynamic_gather %broadcast_in_dim3A_353[%gather3A_362] in [1] : vector<16x128xf32>, vector<16x1024xi32> -> vector<16x1024xf32>
    %eq3A_364 = arith.constant 1 : i32
    %eq3A_365 = vector.broadcast %eq3A_364 : i32 to vector<16x1024xi32>
    %eq3A_366 = arith.cmpi eq, %shift_right_logical3A_53, %eq3A_365 : vector<16x1024xi32>
    %select_n3A_367 = arith.select %eq3A_366, %gather3A_363, %select_n3A_350 : vector<16x1024xi1>, vector<16x1024xf32>
    %slice3A_368 = vector.extract_strided_slice %slice3A_333 {offsets = [0, 256], sizes = [1, 128], strides = [1, 1]} : vector<1x1024xf32> to vector<1x128xf32>
    %broadcast_in_dim3A_369 = vector.shape_cast %slice3A_368 : vector<1x128xf32> to vector<1x128xf32>
    %broadcast_in_dim3A_370 = vector.broadcast %broadcast_in_dim3A_369 : vector<1x128xf32> to vector<16x128xf32>
    %lt3A_371 = arith.constant 0 : i32
    %lt3A_372 = vector.broadcast %lt3A_371 : i32 to vector<16x1024xi32>
    %lt3A_373 = arith.cmpi slt, %and3A_55, %lt3A_372 : vector<16x1024xi32>
    %add3A_374 = arith.constant 128 : i32
    %add3A_375 = vector.broadcast %add3A_374 : i32 to vector<16x1024xi32>
    %add3A_376 = arith.addi %and3A_55, %add3A_375 : vector<16x1024xi32>
    %select_n3A_377 = arith.select %lt3A_373, %add3A_376, %and3A_55 : vector<16x1024xi1>, vector<16x1024xi32>
    %reshape3A_378 = vector.shape_cast %select_n3A_377 : vector<16x1024xi32> to vector<16x1024x1xi32>
    %gather3A_379 = vector.shape_cast %reshape3A_378 : vector<16x1024x1xi32> to vector<16x1024xi32>
    %gather3A_380 = tpu.dynamic_gather %broadcast_in_dim3A_370[%gather3A_379] in [1] : vector<16x128xf32>, vector<16x1024xi32> -> vector<16x1024xf32>
    %eq3A_381 = arith.constant 2 : i32
    %eq3A_382 = vector.broadcast %eq3A_381 : i32 to vector<16x1024xi32>
    %eq3A_383 = arith.cmpi eq, %shift_right_logical3A_53, %eq3A_382 : vector<16x1024xi32>
    %select_n3A_384 = arith.select %eq3A_383, %gather3A_380, %select_n3A_367 : vector<16x1024xi1>, vector<16x1024xf32>
    %slice3A_385 = vector.extract_strided_slice %slice3A_333 {offsets = [0, 384], sizes = [1, 128], strides = [1, 1]} : vector<1x1024xf32> to vector<1x128xf32>
    %broadcast_in_dim3A_386 = vector.shape_cast %slice3A_385 : vector<1x128xf32> to vector<1x128xf32>
    %broadcast_in_dim3A_387 = vector.broadcast %broadcast_in_dim3A_386 : vector<1x128xf32> to vector<16x128xf32>
    %lt3A_388 = arith.constant 0 : i32
    %lt3A_389 = vector.broadcast %lt3A_388 : i32 to vector<16x1024xi32>
    %lt3A_390 = arith.cmpi slt, %and3A_55, %lt3A_389 : vector<16x1024xi32>
    %add3A_391 = arith.constant 128 : i32
    %add3A_392 = vector.broadcast %add3A_391 : i32 to vector<16x1024xi32>
    %add3A_393 = arith.addi %and3A_55, %add3A_392 : vector<16x1024xi32>
    %select_n3A_394 = arith.select %lt3A_390, %add3A_393, %and3A_55 : vector<16x1024xi1>, vector<16x1024xi32>
    %reshape3A_395 = vector.shape_cast %select_n3A_394 : vector<16x1024xi32> to vector<16x1024x1xi32>
    %gather3A_396 = vector.shape_cast %reshape3A_395 : vector<16x1024x1xi32> to vector<16x1024xi32>
    %gather3A_397 = tpu.dynamic_gather %broadcast_in_dim3A_387[%gather3A_396] in [1] : vector<16x128xf32>, vector<16x1024xi32> -> vector<16x1024xf32>
    %eq3A_398 = arith.constant 3 : i32
    %eq3A_399 = vector.broadcast %eq3A_398 : i32 to vector<16x1024xi32>
    %eq3A_400 = arith.cmpi eq, %shift_right_logical3A_53, %eq3A_399 : vector<16x1024xi32>
    %select_n3A_401 = arith.select %eq3A_400, %gather3A_397, %select_n3A_384 : vector<16x1024xi1>, vector<16x1024xf32>
    %slice3A_402 = vector.extract_strided_slice %slice3A_333 {offsets = [0, 512], sizes = [1, 128], strides = [1, 1]} : vector<1x1024xf32> to vector<1x128xf32>
    %broadcast_in_dim3A_403 = vector.shape_cast %slice3A_402 : vector<1x128xf32> to vector<1x128xf32>
    %broadcast_in_dim3A_404 = vector.broadcast %broadcast_in_dim3A_403 : vector<1x128xf32> to vector<16x128xf32>
    %lt3A_405 = arith.constant 0 : i32
    %lt3A_406 = vector.broadcast %lt3A_405 : i32 to vector<16x1024xi32>
    %lt3A_407 = arith.cmpi slt, %and3A_55, %lt3A_406 : vector<16x1024xi32>
    %add3A_408 = arith.constant 128 : i32
    %add3A_409 = vector.broadcast %add3A_408 : i32 to vector<16x1024xi32>
    %add3A_410 = arith.addi %and3A_55, %add3A_409 : vector<16x1024xi32>
    %select_n3A_411 = arith.select %lt3A_407, %add3A_410, %and3A_55 : vector<16x1024xi1>, vector<16x1024xi32>
    %reshape3A_412 = vector.shape_cast %select_n3A_411 : vector<16x1024xi32> to vector<16x1024x1xi32>
    %gather3A_413 = vector.shape_cast %reshape3A_412 : vector<16x1024x1xi32> to vector<16x1024xi32>
    %gather3A_414 = tpu.dynamic_gather %broadcast_in_dim3A_404[%gather3A_413] in [1] : vector<16x128xf32>, vector<16x1024xi32> -> vector<16x1024xf32>
    %eq3A_415 = arith.constant 4 : i32
    %eq3A_416 = vector.broadcast %eq3A_415 : i32 to vector<16x1024xi32>
    %eq3A_417 = arith.cmpi eq, %shift_right_logical3A_53, %eq3A_416 : vector<16x1024xi32>
    %select_n3A_418 = arith.select %eq3A_417, %gather3A_414, %select_n3A_401 : vector<16x1024xi1>, vector<16x1024xf32>
    %slice3A_419 = vector.extract_strided_slice %slice3A_333 {offsets = [0, 640], sizes = [1, 128], strides = [1, 1]} : vector<1x1024xf32> to vector<1x128xf32>
    %broadcast_in_dim3A_420 = vector.shape_cast %slice3A_419 : vector<1x128xf32> to vector<1x128xf32>
    %broadcast_in_dim3A_421 = vector.broadcast %broadcast_in_dim3A_420 : vector<1x128xf32> to vector<16x128xf32>
    %lt3A_422 = arith.constant 0 : i32
    %lt3A_423 = vector.broadcast %lt3A_422 : i32 to vector<16x1024xi32>
    %lt3A_424 = arith.cmpi slt, %and3A_55, %lt3A_423 : vector<16x1024xi32>
    %add3A_425 = arith.constant 128 : i32
    %add3A_426 = vector.broadcast %add3A_425 : i32 to vector<16x1024xi32>
    %add3A_427 = arith.addi %and3A_55, %add3A_426 : vector<16x1024xi32>
    %select_n3A_428 = arith.select %lt3A_424, %add3A_427, %and3A_55 : vector<16x1024xi1>, vector<16x1024xi32>
    %reshape3A_429 = vector.shape_cast %select_n3A_428 : vector<16x1024xi32> to vector<16x1024x1xi32>
    %gather3A_430 = vector.shape_cast %reshape3A_429 : vector<16x1024x1xi32> to vector<16x1024xi32>
    %gather3A_431 = tpu.dynamic_gather %broadcast_in_dim3A_421[%gather3A_430] in [1] : vector<16x128xf32>, vector<16x1024xi32> -> vector<16x1024xf32>
    %eq3A_432 = arith.constant 5 : i32
    %eq3A_433 = vector.broadcast %eq3A_432 : i32 to vector<16x1024xi32>
    %eq3A_434 = arith.cmpi eq, %shift_right_logical3A_53, %eq3A_433 : vector<16x1024xi32>
    %select_n3A_435 = arith.select %eq3A_434, %gather3A_431, %select_n3A_418 : vector<16x1024xi1>, vector<16x1024xf32>
    %slice3A_436 = vector.extract_strided_slice %slice3A_333 {offsets = [0, 768], sizes = [1, 128], strides = [1, 1]} : vector<1x1024xf32> to vector<1x128xf32>
    %broadcast_in_dim3A_437 = vector.shape_cast %slice3A_436 : vector<1x128xf32> to vector<1x128xf32>
    %broadcast_in_dim3A_438 = vector.broadcast %broadcast_in_dim3A_437 : vector<1x128xf32> to vector<16x128xf32>
    %lt3A_439 = arith.constant 0 : i32
    %lt3A_440 = vector.broadcast %lt3A_439 : i32 to vector<16x1024xi32>
    %lt3A_441 = arith.cmpi slt, %and3A_55, %lt3A_440 : vector<16x1024xi32>
    %add3A_442 = arith.constant 128 : i32
    %add3A_443 = vector.broadcast %add3A_442 : i32 to vector<16x1024xi32>
    %add3A_444 = arith.addi %and3A_55, %add3A_443 : vector<16x1024xi32>
    %select_n3A_445 = arith.select %lt3A_441, %add3A_444, %and3A_55 : vector<16x1024xi1>, vector<16x1024xi32>
    %reshape3A_446 = vector.shape_cast %select_n3A_445 : vector<16x1024xi32> to vector<16x1024x1xi32>
    %gather3A_447 = vector.shape_cast %reshape3A_446 : vector<16x1024x1xi32> to vector<16x1024xi32>
    %gather3A_448 = tpu.dynamic_gather %broadcast_in_dim3A_438[%gather3A_447] in [1] : vector<16x128xf32>, vector<16x1024xi32> -> vector<16x1024xf32>
    %eq3A_449 = arith.constant 6 : i32
    %eq3A_450 = vector.broadcast %eq3A_449 : i32 to vector<16x1024xi32>
    %eq3A_451 = arith.cmpi eq, %shift_right_logical3A_53, %eq3A_450 : vector<16x1024xi32>
    %select_n3A_452 = arith.select %eq3A_451, %gather3A_448, %select_n3A_435 : vector<16x1024xi1>, vector<16x1024xf32>
    %slice3A_453 = vector.extract_strided_slice %slice3A_333 {offsets = [0, 896], sizes = [1, 128], strides = [1, 1]} : vector<1x1024xf32> to vector<1x128xf32>
    %broadcast_in_dim3A_454 = vector.shape_cast %slice3A_453 : vector<1x128xf32> to vector<1x128xf32>
    %broadcast_in_dim3A_455 = vector.broadcast %broadcast_in_dim3A_454 : vector<1x128xf32> to vector<16x128xf32>
    %lt3A_456 = arith.constant 0 : i32
    %lt3A_457 = vector.broadcast %lt3A_456 : i32 to vector<16x1024xi32>
    %lt3A_458 = arith.cmpi slt, %and3A_55, %lt3A_457 : vector<16x1024xi32>
    %add3A_459 = arith.constant 128 : i32
    %add3A_460 = vector.broadcast %add3A_459 : i32 to vector<16x1024xi32>
    %add3A_461 = arith.addi %and3A_55, %add3A_460 : vector<16x1024xi32>
    %select_n3A_462 = arith.select %lt3A_458, %add3A_461, %and3A_55 : vector<16x1024xi1>, vector<16x1024xi32>
    %reshape3A_463 = vector.shape_cast %select_n3A_462 : vector<16x1024xi32> to vector<16x1024x1xi32>
    %gather3A_464 = vector.shape_cast %reshape3A_463 : vector<16x1024x1xi32> to vector<16x1024xi32>
    %gather3A_465 = tpu.dynamic_gather %broadcast_in_dim3A_455[%gather3A_464] in [1] : vector<16x128xf32>, vector<16x1024xi32> -> vector<16x1024xf32>
    %eq3A_466 = arith.constant 7 : i32
    %eq3A_467 = vector.broadcast %eq3A_466 : i32 to vector<16x1024xi32>
    %eq3A_468 = arith.cmpi eq, %shift_right_logical3A_53, %eq3A_467 : vector<16x1024xi32>
    %select_n3A_469 = arith.select %eq3A_468, %gather3A_465, %select_n3A_452 : vector<16x1024xi1>, vector<16x1024xf32>
    %slice3A_470 = vector.extract_strided_slice %get3A_8 {offsets = [2, 0], sizes = [1, 1024], strides = [1, 1]} : vector<3x1024xf32> to vector<1x1024xf32>
    %sub3A_471 = vector.broadcast %slice3A_470 : vector<1x1024xf32> to vector<16x1024xf32>
    %sub3A_472 = arith.subf %select_n3A_469, %sub3A_471 : vector<16x1024xf32>
    %mul3A_473 = arith.mulf %sub3A_192, %sub3A_192 : vector<16x1024xf32>
    %mul3A_474 = arith.mulf %sub3A_332, %sub3A_332 : vector<16x1024xf32>
    %add3A_475 = arith.addf %mul3A_473, %mul3A_474 : vector<16x1024xf32>
    %mul3A_476 = arith.mulf %sub3A_472, %sub3A_472 : vector<16x1024xf32>
    %add3A_477 = arith.addf %add3A_475, %mul3A_476 : vector<16x1024xf32>
    %sqrt3A = math.sqrt %add3A_477 : vector<16x1024xf32>
    %abs3A = math.absf %sub3A_192 : vector<16x1024xf32>
    %min3A = arith.constant 1.000000e+00 : f32
    %min3A_478 = vector.broadcast %min3A : f32 to vector<16x1024xf32>
    %min3A_479 = arith.minimumf %abs3A, %min3A_478 : vector<16x1024xf32>
    %mul3A_480 = arith.constant -0.0012624911 : f32
    %mul3A_481 = vector.broadcast %mul3A_480 : f32 to vector<16x1024xf32>
    %mul3A_482 = arith.mulf %mul3A_481, %min3A_479 : vector<16x1024xf32>
    %add3A_483 = arith.constant 6.670090e-03 : f32
    %add3A_484 = vector.broadcast %add3A_483 : f32 to vector<16x1024xf32>
    %add3A_485 = arith.addf %mul3A_482, %add3A_484 : vector<16x1024xf32>
    %mul3A_486 = arith.mulf %add3A_485, %min3A_479 : vector<16x1024xf32>
    %add3A_487 = arith.constant -0.0170881264 : f32
    %add3A_488 = vector.broadcast %add3A_487 : f32 to vector<16x1024xf32>
    %add3A_489 = arith.addf %mul3A_486, %add3A_488 : vector<16x1024xf32>
    %mul3A_490 = arith.mulf %add3A_489, %min3A_479 : vector<16x1024xf32>
    %add3A_491 = arith.constant 0.0308918804 : f32
    %add3A_492 = vector.broadcast %add3A_491 : f32 to vector<16x1024xf32>
    %add3A_493 = arith.addf %mul3A_490, %add3A_492 : vector<16x1024xf32>
    %mul3A_494 = arith.mulf %add3A_493, %min3A_479 : vector<16x1024xf32>
    %add3A_495 = arith.constant -0.0501743034 : f32
    %add3A_496 = vector.broadcast %add3A_495 : f32 to vector<16x1024xf32>
    %add3A_497 = arith.addf %mul3A_494, %add3A_496 : vector<16x1024xf32>
    %mul3A_498 = arith.mulf %add3A_497, %min3A_479 : vector<16x1024xf32>
    %add3A_499 = arith.constant 0.0889789909 : f32
    %add3A_500 = vector.broadcast %add3A_499 : f32 to vector<16x1024xf32>
    %add3A_501 = arith.addf %mul3A_498, %add3A_500 : vector<16x1024xf32>
    %mul3A_502 = arith.mulf %add3A_501, %min3A_479 : vector<16x1024xf32>
    %add3A_503 = arith.constant -0.214598805 : f32
    %add3A_504 = vector.broadcast %add3A_503 : f32 to vector<16x1024xf32>
    %add3A_505 = arith.addf %mul3A_502, %add3A_504 : vector<16x1024xf32>
    %mul3A_506 = arith.mulf %add3A_505, %min3A_479 : vector<16x1024xf32>
    %add3A_507 = arith.constant 1.57079625 : f32
    %add3A_508 = vector.broadcast %add3A_507 : f32 to vector<16x1024xf32>
    %add3A_509 = arith.addf %mul3A_506, %add3A_508 : vector<16x1024xf32>
    %sub3A_510 = arith.constant 1.000000e+00 : f32
    %sub3A_511 = vector.broadcast %sub3A_510 : f32 to vector<16x1024xf32>
    %sub3A_512 = arith.subf %sub3A_511, %min3A_479 : vector<16x1024xf32>
    %max3A = arith.constant 0.000000e+00 : f32
    %max3A_513 = vector.broadcast %max3A : f32 to vector<16x1024xf32>
    %max3A_514 = arith.maximumf %sub3A_512, %max3A_513 : vector<16x1024xf32>
    %sqrt3A_515 = math.sqrt %max3A_514 : vector<16x1024xf32>
    %mul3A_516 = arith.mulf %sqrt3A_515, %add3A_509 : vector<16x1024xf32>
    %lt3A_517 = arith.constant 0.000000e+00 : f32
    %lt3A_518 = vector.broadcast %lt3A_517 : f32 to vector<16x1024xf32>
    %lt3A_519 = arith.cmpf olt, %sub3A_192, %lt3A_518 : vector<16x1024xf32>
    %sub3A_520 = arith.constant 3.14159274 : f32
    %sub3A_521 = vector.broadcast %sub3A_520 : f32 to vector<16x1024xf32>
    %sub3A_522 = arith.subf %sub3A_521, %mul3A_516 : vector<16x1024xf32>
    %select_n3A_523 = arith.select %lt3A_519, %sub3A_522, %mul3A_516 : vector<16x1024xi1>, vector<16x1024xf32>
    %abs3A_524 = math.absf %sub3A_332 : vector<16x1024xf32>
    %min3A_525 = arith.constant 1.000000e+00 : f32
    %min3A_526 = vector.broadcast %min3A_525 : f32 to vector<16x1024xf32>
    %min3A_527 = arith.minimumf %abs3A_524, %min3A_526 : vector<16x1024xf32>
    %mul3A_528 = arith.constant -0.0012624911 : f32
    %mul3A_529 = vector.broadcast %mul3A_528 : f32 to vector<16x1024xf32>
    %mul3A_530 = arith.mulf %mul3A_529, %min3A_527 : vector<16x1024xf32>
    %add3A_531 = arith.constant 6.670090e-03 : f32
    %add3A_532 = vector.broadcast %add3A_531 : f32 to vector<16x1024xf32>
    %add3A_533 = arith.addf %mul3A_530, %add3A_532 : vector<16x1024xf32>
    %mul3A_534 = arith.mulf %add3A_533, %min3A_527 : vector<16x1024xf32>
    %add3A_535 = arith.constant -0.0170881264 : f32
    %add3A_536 = vector.broadcast %add3A_535 : f32 to vector<16x1024xf32>
    %add3A_537 = arith.addf %mul3A_534, %add3A_536 : vector<16x1024xf32>
    %mul3A_538 = arith.mulf %add3A_537, %min3A_527 : vector<16x1024xf32>
    %add3A_539 = arith.constant 0.0308918804 : f32
    %add3A_540 = vector.broadcast %add3A_539 : f32 to vector<16x1024xf32>
    %add3A_541 = arith.addf %mul3A_538, %add3A_540 : vector<16x1024xf32>
    %mul3A_542 = arith.mulf %add3A_541, %min3A_527 : vector<16x1024xf32>
    %add3A_543 = arith.constant -0.0501743034 : f32
    %add3A_544 = vector.broadcast %add3A_543 : f32 to vector<16x1024xf32>
    %add3A_545 = arith.addf %mul3A_542, %add3A_544 : vector<16x1024xf32>
    %mul3A_546 = arith.mulf %add3A_545, %min3A_527 : vector<16x1024xf32>
    %add3A_547 = arith.constant 0.0889789909 : f32
    %add3A_548 = vector.broadcast %add3A_547 : f32 to vector<16x1024xf32>
    %add3A_549 = arith.addf %mul3A_546, %add3A_548 : vector<16x1024xf32>
    %mul3A_550 = arith.mulf %add3A_549, %min3A_527 : vector<16x1024xf32>
    %add3A_551 = arith.constant -0.214598805 : f32
    %add3A_552 = vector.broadcast %add3A_551 : f32 to vector<16x1024xf32>
    %add3A_553 = arith.addf %mul3A_550, %add3A_552 : vector<16x1024xf32>
    %mul3A_554 = arith.mulf %add3A_553, %min3A_527 : vector<16x1024xf32>
    %add3A_555 = arith.constant 1.57079625 : f32
    %add3A_556 = vector.broadcast %add3A_555 : f32 to vector<16x1024xf32>
    %add3A_557 = arith.addf %mul3A_554, %add3A_556 : vector<16x1024xf32>
    %sub3A_558 = arith.constant 1.000000e+00 : f32
    %sub3A_559 = vector.broadcast %sub3A_558 : f32 to vector<16x1024xf32>
    %sub3A_560 = arith.subf %sub3A_559, %min3A_527 : vector<16x1024xf32>
    %max3A_561 = arith.constant 0.000000e+00 : f32
    %max3A_562 = vector.broadcast %max3A_561 : f32 to vector<16x1024xf32>
    %max3A_563 = arith.maximumf %sub3A_560, %max3A_562 : vector<16x1024xf32>
    %sqrt3A_564 = math.sqrt %max3A_563 : vector<16x1024xf32>
    %mul3A_565 = arith.mulf %sqrt3A_564, %add3A_557 : vector<16x1024xf32>
    %lt3A_566 = arith.constant 0.000000e+00 : f32
    %lt3A_567 = vector.broadcast %lt3A_566 : f32 to vector<16x1024xf32>
    %lt3A_568 = arith.cmpf olt, %sub3A_332, %lt3A_567 : vector<16x1024xf32>
    %sub3A_569 = arith.constant 3.14159274 : f32
    %sub3A_570 = vector.broadcast %sub3A_569 : f32 to vector<16x1024xf32>
    %sub3A_571 = arith.subf %sub3A_570, %mul3A_565 : vector<16x1024xf32>
    %select_n3A_572 = arith.select %lt3A_568, %sub3A_571, %mul3A_565 : vector<16x1024xi1>, vector<16x1024xf32>
    %abs3A_573 = math.absf %sub3A_472 : vector<16x1024xf32>
    %min3A_574 = arith.constant 1.000000e+00 : f32
    %min3A_575 = vector.broadcast %min3A_574 : f32 to vector<16x1024xf32>
    %min3A_576 = arith.minimumf %abs3A_573, %min3A_575 : vector<16x1024xf32>
    %mul3A_577 = arith.constant -0.0012624911 : f32
    %mul3A_578 = vector.broadcast %mul3A_577 : f32 to vector<16x1024xf32>
    %mul3A_579 = arith.mulf %mul3A_578, %min3A_576 : vector<16x1024xf32>
    %add3A_580 = arith.constant 6.670090e-03 : f32
    %add3A_581 = vector.broadcast %add3A_580 : f32 to vector<16x1024xf32>
    %add3A_582 = arith.addf %mul3A_579, %add3A_581 : vector<16x1024xf32>
    %mul3A_583 = arith.mulf %add3A_582, %min3A_576 : vector<16x1024xf32>
    %add3A_584 = arith.constant -0.0170881264 : f32
    %add3A_585 = vector.broadcast %add3A_584 : f32 to vector<16x1024xf32>
    %add3A_586 = arith.addf %mul3A_583, %add3A_585 : vector<16x1024xf32>
    %mul3A_587 = arith.mulf %add3A_586, %min3A_576 : vector<16x1024xf32>
    %add3A_588 = arith.constant 0.0308918804 : f32
    %add3A_589 = vector.broadcast %add3A_588 : f32 to vector<16x1024xf32>
    %add3A_590 = arith.addf %mul3A_587, %add3A_589 : vector<16x1024xf32>
    %mul3A_591 = arith.mulf %add3A_590, %min3A_576 : vector<16x1024xf32>
    %add3A_592 = arith.constant -0.0501743034 : f32
    %add3A_593 = vector.broadcast %add3A_592 : f32 to vector<16x1024xf32>
    %add3A_594 = arith.addf %mul3A_591, %add3A_593 : vector<16x1024xf32>
    %mul3A_595 = arith.mulf %add3A_594, %min3A_576 : vector<16x1024xf32>
    %add3A_596 = arith.constant 0.0889789909 : f32
    %add3A_597 = vector.broadcast %add3A_596 : f32 to vector<16x1024xf32>
    %add3A_598 = arith.addf %mul3A_595, %add3A_597 : vector<16x1024xf32>
    %mul3A_599 = arith.mulf %add3A_598, %min3A_576 : vector<16x1024xf32>
    %add3A_600 = arith.constant -0.214598805 : f32
    %add3A_601 = vector.broadcast %add3A_600 : f32 to vector<16x1024xf32>
    %add3A_602 = arith.addf %mul3A_599, %add3A_601 : vector<16x1024xf32>
    %mul3A_603 = arith.mulf %add3A_602, %min3A_576 : vector<16x1024xf32>
    %add3A_604 = arith.constant 1.57079625 : f32
    %add3A_605 = vector.broadcast %add3A_604 : f32 to vector<16x1024xf32>
    %add3A_606 = arith.addf %mul3A_603, %add3A_605 : vector<16x1024xf32>
    %sub3A_607 = arith.constant 1.000000e+00 : f32
    %sub3A_608 = vector.broadcast %sub3A_607 : f32 to vector<16x1024xf32>
    %sub3A_609 = arith.subf %sub3A_608, %min3A_576 : vector<16x1024xf32>
    %max3A_610 = arith.constant 0.000000e+00 : f32
    %max3A_611 = vector.broadcast %max3A_610 : f32 to vector<16x1024xf32>
    %max3A_612 = arith.maximumf %sub3A_609, %max3A_611 : vector<16x1024xf32>
    %sqrt3A_613 = math.sqrt %max3A_612 : vector<16x1024xf32>
    %mul3A_614 = arith.mulf %sqrt3A_613, %add3A_606 : vector<16x1024xf32>
    %lt3A_615 = arith.constant 0.000000e+00 : f32
    %lt3A_616 = vector.broadcast %lt3A_615 : f32 to vector<16x1024xf32>
    %lt3A_617 = arith.cmpf olt, %sub3A_472, %lt3A_616 : vector<16x1024xf32>
    %sub3A_618 = arith.constant 3.14159274 : f32
    %sub3A_619 = vector.broadcast %sub3A_618 : f32 to vector<16x1024xf32>
    %sub3A_620 = arith.subf %sub3A_619, %mul3A_614 : vector<16x1024xf32>
    %select_n3A_621 = arith.select %lt3A_617, %sub3A_620, %mul3A_614 : vector<16x1024xi1>, vector<16x1024xf32>
    %slice3A_622 = vector.extract_strided_slice %get3A_13 {offsets = [0, 0], sizes = [1, 1024], strides = [1, 1]} : vector<3x1024xf32> to vector<1x1024xf32>
    %slice3A_623 = vector.extract_strided_slice %slice3A_622 {offsets = [0, 0], sizes = [1, 128], strides = [1, 1]} : vector<1x1024xf32> to vector<1x128xf32>
    %broadcast_in_dim3A_624 = vector.shape_cast %slice3A_623 : vector<1x128xf32> to vector<1x128xf32>
    %broadcast_in_dim3A_625 = vector.broadcast %broadcast_in_dim3A_624 : vector<1x128xf32> to vector<16x128xf32>
    %lt3A_626 = arith.constant 0 : i32
    %lt3A_627 = vector.broadcast %lt3A_626 : i32 to vector<16x1024xi32>
    %lt3A_628 = arith.cmpi slt, %and3A_55, %lt3A_627 : vector<16x1024xi32>
    %add3A_629 = arith.constant 128 : i32
    %add3A_630 = vector.broadcast %add3A_629 : i32 to vector<16x1024xi32>
    %add3A_631 = arith.addi %and3A_55, %add3A_630 : vector<16x1024xi32>
    %select_n3A_632 = arith.select %lt3A_628, %add3A_631, %and3A_55 : vector<16x1024xi1>, vector<16x1024xi32>
    %reshape3A_633 = vector.shape_cast %select_n3A_632 : vector<16x1024xi32> to vector<16x1024x1xi32>
    %gather3A_634 = vector.shape_cast %reshape3A_633 : vector<16x1024x1xi32> to vector<16x1024xi32>
    %gather3A_635 = tpu.dynamic_gather %broadcast_in_dim3A_625[%gather3A_634] in [1] : vector<16x128xf32>, vector<16x1024xi32> -> vector<16x1024xf32>
    %eq3A_636 = arith.constant 0 : i32
    %eq3A_637 = vector.broadcast %eq3A_636 : i32 to vector<16x1024xi32>
    %eq3A_638 = arith.cmpi eq, %shift_right_logical3A_53, %eq3A_637 : vector<16x1024xi32>
    %select_n3A_639 = arith.select %eq3A_638, %gather3A_635, %broadcast_in_dim3A_57 : vector<16x1024xi1>, vector<16x1024xf32>
    %slice3A_640 = vector.extract_strided_slice %slice3A_622 {offsets = [0, 128], sizes = [1, 128], strides = [1, 1]} : vector<1x1024xf32> to vector<1x128xf32>
    %broadcast_in_dim3A_641 = vector.shape_cast %slice3A_640 : vector<1x128xf32> to vector<1x128xf32>
    %broadcast_in_dim3A_642 = vector.broadcast %broadcast_in_dim3A_641 : vector<1x128xf32> to vector<16x128xf32>
    %lt3A_643 = arith.constant 0 : i32
    %lt3A_644 = vector.broadcast %lt3A_643 : i32 to vector<16x1024xi32>
    %lt3A_645 = arith.cmpi slt, %and3A_55, %lt3A_644 : vector<16x1024xi32>
    %add3A_646 = arith.constant 128 : i32
    %add3A_647 = vector.broadcast %add3A_646 : i32 to vector<16x1024xi32>
    %add3A_648 = arith.addi %and3A_55, %add3A_647 : vector<16x1024xi32>
    %select_n3A_649 = arith.select %lt3A_645, %add3A_648, %and3A_55 : vector<16x1024xi1>, vector<16x1024xi32>
    %reshape3A_650 = vector.shape_cast %select_n3A_649 : vector<16x1024xi32> to vector<16x1024x1xi32>
    %gather3A_651 = vector.shape_cast %reshape3A_650 : vector<16x1024x1xi32> to vector<16x1024xi32>
    %gather3A_652 = tpu.dynamic_gather %broadcast_in_dim3A_642[%gather3A_651] in [1] : vector<16x128xf32>, vector<16x1024xi32> -> vector<16x1024xf32>
    %eq3A_653 = arith.constant 1 : i32
    %eq3A_654 = vector.broadcast %eq3A_653 : i32 to vector<16x1024xi32>
    %eq3A_655 = arith.cmpi eq, %shift_right_logical3A_53, %eq3A_654 : vector<16x1024xi32>
    %select_n3A_656 = arith.select %eq3A_655, %gather3A_652, %select_n3A_639 : vector<16x1024xi1>, vector<16x1024xf32>
    %slice3A_657 = vector.extract_strided_slice %slice3A_622 {offsets = [0, 256], sizes = [1, 128], strides = [1, 1]} : vector<1x1024xf32> to vector<1x128xf32>
    %broadcast_in_dim3A_658 = vector.shape_cast %slice3A_657 : vector<1x128xf32> to vector<1x128xf32>
    %broadcast_in_dim3A_659 = vector.broadcast %broadcast_in_dim3A_658 : vector<1x128xf32> to vector<16x128xf32>
    %lt3A_660 = arith.constant 0 : i32
    %lt3A_661 = vector.broadcast %lt3A_660 : i32 to vector<16x1024xi32>
    %lt3A_662 = arith.cmpi slt, %and3A_55, %lt3A_661 : vector<16x1024xi32>
    %add3A_663 = arith.constant 128 : i32
    %add3A_664 = vector.broadcast %add3A_663 : i32 to vector<16x1024xi32>
    %add3A_665 = arith.addi %and3A_55, %add3A_664 : vector<16x1024xi32>
    %select_n3A_666 = arith.select %lt3A_662, %add3A_665, %and3A_55 : vector<16x1024xi1>, vector<16x1024xi32>
    %reshape3A_667 = vector.shape_cast %select_n3A_666 : vector<16x1024xi32> to vector<16x1024x1xi32>
    %gather3A_668 = vector.shape_cast %reshape3A_667 : vector<16x1024x1xi32> to vector<16x1024xi32>
    %gather3A_669 = tpu.dynamic_gather %broadcast_in_dim3A_659[%gather3A_668] in [1] : vector<16x128xf32>, vector<16x1024xi32> -> vector<16x1024xf32>
    %eq3A_670 = arith.constant 2 : i32
    %eq3A_671 = vector.broadcast %eq3A_670 : i32 to vector<16x1024xi32>
    %eq3A_672 = arith.cmpi eq, %shift_right_logical3A_53, %eq3A_671 : vector<16x1024xi32>
    %select_n3A_673 = arith.select %eq3A_672, %gather3A_669, %select_n3A_656 : vector<16x1024xi1>, vector<16x1024xf32>
    %slice3A_674 = vector.extract_strided_slice %slice3A_622 {offsets = [0, 384], sizes = [1, 128], strides = [1, 1]} : vector<1x1024xf32> to vector<1x128xf32>
    %broadcast_in_dim3A_675 = vector.shape_cast %slice3A_674 : vector<1x128xf32> to vector<1x128xf32>
    %broadcast_in_dim3A_676 = vector.broadcast %broadcast_in_dim3A_675 : vector<1x128xf32> to vector<16x128xf32>
    %lt3A_677 = arith.constant 0 : i32
    %lt3A_678 = vector.broadcast %lt3A_677 : i32 to vector<16x1024xi32>
    %lt3A_679 = arith.cmpi slt, %and3A_55, %lt3A_678 : vector<16x1024xi32>
    %add3A_680 = arith.constant 128 : i32
    %add3A_681 = vector.broadcast %add3A_680 : i32 to vector<16x1024xi32>
    %add3A_682 = arith.addi %and3A_55, %add3A_681 : vector<16x1024xi32>
    %select_n3A_683 = arith.select %lt3A_679, %add3A_682, %and3A_55 : vector<16x1024xi1>, vector<16x1024xi32>
    %reshape3A_684 = vector.shape_cast %select_n3A_683 : vector<16x1024xi32> to vector<16x1024x1xi32>
    %gather3A_685 = vector.shape_cast %reshape3A_684 : vector<16x1024x1xi32> to vector<16x1024xi32>
    %gather3A_686 = tpu.dynamic_gather %broadcast_in_dim3A_676[%gather3A_685] in [1] : vector<16x128xf32>, vector<16x1024xi32> -> vector<16x1024xf32>
    %eq3A_687 = arith.constant 3 : i32
    %eq3A_688 = vector.broadcast %eq3A_687 : i32 to vector<16x1024xi32>
    %eq3A_689 = arith.cmpi eq, %shift_right_logical3A_53, %eq3A_688 : vector<16x1024xi32>
    %select_n3A_690 = arith.select %eq3A_689, %gather3A_686, %select_n3A_673 : vector<16x1024xi1>, vector<16x1024xf32>
    %slice3A_691 = vector.extract_strided_slice %slice3A_622 {offsets = [0, 512], sizes = [1, 128], strides = [1, 1]} : vector<1x1024xf32> to vector<1x128xf32>
    %broadcast_in_dim3A_692 = vector.shape_cast %slice3A_691 : vector<1x128xf32> to vector<1x128xf32>
    %broadcast_in_dim3A_693 = vector.broadcast %broadcast_in_dim3A_692 : vector<1x128xf32> to vector<16x128xf32>
    %lt3A_694 = arith.constant 0 : i32
    %lt3A_695 = vector.broadcast %lt3A_694 : i32 to vector<16x1024xi32>
    %lt3A_696 = arith.cmpi slt, %and3A_55, %lt3A_695 : vector<16x1024xi32>
    %add3A_697 = arith.constant 128 : i32
    %add3A_698 = vector.broadcast %add3A_697 : i32 to vector<16x1024xi32>
    %add3A_699 = arith.addi %and3A_55, %add3A_698 : vector<16x1024xi32>
    %select_n3A_700 = arith.select %lt3A_696, %add3A_699, %and3A_55 : vector<16x1024xi1>, vector<16x1024xi32>
    %reshape3A_701 = vector.shape_cast %select_n3A_700 : vector<16x1024xi32> to vector<16x1024x1xi32>
    %gather3A_702 = vector.shape_cast %reshape3A_701 : vector<16x1024x1xi32> to vector<16x1024xi32>
    %gather3A_703 = tpu.dynamic_gather %broadcast_in_dim3A_693[%gather3A_702] in [1] : vector<16x128xf32>, vector<16x1024xi32> -> vector<16x1024xf32>
    %eq3A_704 = arith.constant 4 : i32
    %eq3A_705 = vector.broadcast %eq3A_704 : i32 to vector<16x1024xi32>
    %eq3A_706 = arith.cmpi eq, %shift_right_logical3A_53, %eq3A_705 : vector<16x1024xi32>
    %select_n3A_707 = arith.select %eq3A_706, %gather3A_703, %select_n3A_690 : vector<16x1024xi1>, vector<16x1024xf32>
    %slice3A_708 = vector.extract_strided_slice %slice3A_622 {offsets = [0, 640], sizes = [1, 128], strides = [1, 1]} : vector<1x1024xf32> to vector<1x128xf32>
    %broadcast_in_dim3A_709 = vector.shape_cast %slice3A_708 : vector<1x128xf32> to vector<1x128xf32>
    %broadcast_in_dim3A_710 = vector.broadcast %broadcast_in_dim3A_709 : vector<1x128xf32> to vector<16x128xf32>
    %lt3A_711 = arith.constant 0 : i32
    %lt3A_712 = vector.broadcast %lt3A_711 : i32 to vector<16x1024xi32>
    %lt3A_713 = arith.cmpi slt, %and3A_55, %lt3A_712 : vector<16x1024xi32>
    %add3A_714 = arith.constant 128 : i32
    %add3A_715 = vector.broadcast %add3A_714 : i32 to vector<16x1024xi32>
    %add3A_716 = arith.addi %and3A_55, %add3A_715 : vector<16x1024xi32>
    %select_n3A_717 = arith.select %lt3A_713, %add3A_716, %and3A_55 : vector<16x1024xi1>, vector<16x1024xi32>
    %reshape3A_718 = vector.shape_cast %select_n3A_717 : vector<16x1024xi32> to vector<16x1024x1xi32>
    %gather3A_719 = vector.shape_cast %reshape3A_718 : vector<16x1024x1xi32> to vector<16x1024xi32>
    %gather3A_720 = tpu.dynamic_gather %broadcast_in_dim3A_710[%gather3A_719] in [1] : vector<16x128xf32>, vector<16x1024xi32> -> vector<16x1024xf32>
    %eq3A_721 = arith.constant 5 : i32
    %eq3A_722 = vector.broadcast %eq3A_721 : i32 to vector<16x1024xi32>
    %eq3A_723 = arith.cmpi eq, %shift_right_logical3A_53, %eq3A_722 : vector<16x1024xi32>
    %select_n3A_724 = arith.select %eq3A_723, %gather3A_720, %select_n3A_707 : vector<16x1024xi1>, vector<16x1024xf32>
    %slice3A_725 = vector.extract_strided_slice %slice3A_622 {offsets = [0, 768], sizes = [1, 128], strides = [1, 1]} : vector<1x1024xf32> to vector<1x128xf32>
    %broadcast_in_dim3A_726 = vector.shape_cast %slice3A_725 : vector<1x128xf32> to vector<1x128xf32>
    %broadcast_in_dim3A_727 = vector.broadcast %broadcast_in_dim3A_726 : vector<1x128xf32> to vector<16x128xf32>
    %lt3A_728 = arith.constant 0 : i32
    %lt3A_729 = vector.broadcast %lt3A_728 : i32 to vector<16x1024xi32>
    %lt3A_730 = arith.cmpi slt, %and3A_55, %lt3A_729 : vector<16x1024xi32>
    %add3A_731 = arith.constant 128 : i32
    %add3A_732 = vector.broadcast %add3A_731 : i32 to vector<16x1024xi32>
    %add3A_733 = arith.addi %and3A_55, %add3A_732 : vector<16x1024xi32>
    %select_n3A_734 = arith.select %lt3A_730, %add3A_733, %and3A_55 : vector<16x1024xi1>, vector<16x1024xi32>
    %reshape3A_735 = vector.shape_cast %select_n3A_734 : vector<16x1024xi32> to vector<16x1024x1xi32>
    %gather3A_736 = vector.shape_cast %reshape3A_735 : vector<16x1024x1xi32> to vector<16x1024xi32>
    %gather3A_737 = tpu.dynamic_gather %broadcast_in_dim3A_727[%gather3A_736] in [1] : vector<16x128xf32>, vector<16x1024xi32> -> vector<16x1024xf32>
    %eq3A_738 = arith.constant 6 : i32
    %eq3A_739 = vector.broadcast %eq3A_738 : i32 to vector<16x1024xi32>
    %eq3A_740 = arith.cmpi eq, %shift_right_logical3A_53, %eq3A_739 : vector<16x1024xi32>
    %select_n3A_741 = arith.select %eq3A_740, %gather3A_737, %select_n3A_724 : vector<16x1024xi1>, vector<16x1024xf32>
    %slice3A_742 = vector.extract_strided_slice %slice3A_622 {offsets = [0, 896], sizes = [1, 128], strides = [1, 1]} : vector<1x1024xf32> to vector<1x128xf32>
    %broadcast_in_dim3A_743 = vector.shape_cast %slice3A_742 : vector<1x128xf32> to vector<1x128xf32>
    %broadcast_in_dim3A_744 = vector.broadcast %broadcast_in_dim3A_743 : vector<1x128xf32> to vector<16x128xf32>
    %lt3A_745 = arith.constant 0 : i32
    %lt3A_746 = vector.broadcast %lt3A_745 : i32 to vector<16x1024xi32>
    %lt3A_747 = arith.cmpi slt, %and3A_55, %lt3A_746 : vector<16x1024xi32>
    %add3A_748 = arith.constant 128 : i32
    %add3A_749 = vector.broadcast %add3A_748 : i32 to vector<16x1024xi32>
    %add3A_750 = arith.addi %and3A_55, %add3A_749 : vector<16x1024xi32>
    %select_n3A_751 = arith.select %lt3A_747, %add3A_750, %and3A_55 : vector<16x1024xi1>, vector<16x1024xi32>
    %reshape3A_752 = vector.shape_cast %select_n3A_751 : vector<16x1024xi32> to vector<16x1024x1xi32>
    %gather3A_753 = vector.shape_cast %reshape3A_752 : vector<16x1024x1xi32> to vector<16x1024xi32>
    %gather3A_754 = tpu.dynamic_gather %broadcast_in_dim3A_744[%gather3A_753] in [1] : vector<16x128xf32>, vector<16x1024xi32> -> vector<16x1024xf32>
    %eq3A_755 = arith.constant 7 : i32
    %eq3A_756 = vector.broadcast %eq3A_755 : i32 to vector<16x1024xi32>
    %eq3A_757 = arith.cmpi eq, %shift_right_logical3A_53, %eq3A_756 : vector<16x1024xi32>
    %select_n3A_758 = arith.select %eq3A_757, %gather3A_754, %select_n3A_741 : vector<16x1024xi1>, vector<16x1024xf32>
    %slice3A_759 = vector.extract_strided_slice %get3A_13 {offsets = [1, 0], sizes = [1, 1024], strides = [1, 1]} : vector<3x1024xf32> to vector<1x1024xf32>
    %slice3A_760 = vector.extract_strided_slice %slice3A_759 {offsets = [0, 0], sizes = [1, 128], strides = [1, 1]} : vector<1x1024xf32> to vector<1x128xf32>
    %broadcast_in_dim3A_761 = vector.shape_cast %slice3A_760 : vector<1x128xf32> to vector<1x128xf32>
    %broadcast_in_dim3A_762 = vector.broadcast %broadcast_in_dim3A_761 : vector<1x128xf32> to vector<16x128xf32>
    %lt3A_763 = arith.constant 0 : i32
    %lt3A_764 = vector.broadcast %lt3A_763 : i32 to vector<16x1024xi32>
    %lt3A_765 = arith.cmpi slt, %and3A_55, %lt3A_764 : vector<16x1024xi32>
    %add3A_766 = arith.constant 128 : i32
    %add3A_767 = vector.broadcast %add3A_766 : i32 to vector<16x1024xi32>
    %add3A_768 = arith.addi %and3A_55, %add3A_767 : vector<16x1024xi32>
    %select_n3A_769 = arith.select %lt3A_765, %add3A_768, %and3A_55 : vector<16x1024xi1>, vector<16x1024xi32>
    %reshape3A_770 = vector.shape_cast %select_n3A_769 : vector<16x1024xi32> to vector<16x1024x1xi32>
    %gather3A_771 = vector.shape_cast %reshape3A_770 : vector<16x1024x1xi32> to vector<16x1024xi32>
    %gather3A_772 = tpu.dynamic_gather %broadcast_in_dim3A_762[%gather3A_771] in [1] : vector<16x128xf32>, vector<16x1024xi32> -> vector<16x1024xf32>
    %eq3A_773 = arith.constant 0 : i32
    %eq3A_774 = vector.broadcast %eq3A_773 : i32 to vector<16x1024xi32>
    %eq3A_775 = arith.cmpi eq, %shift_right_logical3A_53, %eq3A_774 : vector<16x1024xi32>
    %select_n3A_776 = arith.select %eq3A_775, %gather3A_772, %broadcast_in_dim3A_57 : vector<16x1024xi1>, vector<16x1024xf32>
    %slice3A_777 = vector.extract_strided_slice %slice3A_759 {offsets = [0, 128], sizes = [1, 128], strides = [1, 1]} : vector<1x1024xf32> to vector<1x128xf32>
    %broadcast_in_dim3A_778 = vector.shape_cast %slice3A_777 : vector<1x128xf32> to vector<1x128xf32>
    %broadcast_in_dim3A_779 = vector.broadcast %broadcast_in_dim3A_778 : vector<1x128xf32> to vector<16x128xf32>
    %lt3A_780 = arith.constant 0 : i32
    %lt3A_781 = vector.broadcast %lt3A_780 : i32 to vector<16x1024xi32>
    %lt3A_782 = arith.cmpi slt, %and3A_55, %lt3A_781 : vector<16x1024xi32>
    %add3A_783 = arith.constant 128 : i32
    %add3A_784 = vector.broadcast %add3A_783 : i32 to vector<16x1024xi32>
    %add3A_785 = arith.addi %and3A_55, %add3A_784 : vector<16x1024xi32>
    %select_n3A_786 = arith.select %lt3A_782, %add3A_785, %and3A_55 : vector<16x1024xi1>, vector<16x1024xi32>
    %reshape3A_787 = vector.shape_cast %select_n3A_786 : vector<16x1024xi32> to vector<16x1024x1xi32>
    %gather3A_788 = vector.shape_cast %reshape3A_787 : vector<16x1024x1xi32> to vector<16x1024xi32>
    %gather3A_789 = tpu.dynamic_gather %broadcast_in_dim3A_779[%gather3A_788] in [1] : vector<16x128xf32>, vector<16x1024xi32> -> vector<16x1024xf32>
    %eq3A_790 = arith.constant 1 : i32
    %eq3A_791 = vector.broadcast %eq3A_790 : i32 to vector<16x1024xi32>
    %eq3A_792 = arith.cmpi eq, %shift_right_logical3A_53, %eq3A_791 : vector<16x1024xi32>
    %select_n3A_793 = arith.select %eq3A_792, %gather3A_789, %select_n3A_776 : vector<16x1024xi1>, vector<16x1024xf32>
    %slice3A_794 = vector.extract_strided_slice %slice3A_759 {offsets = [0, 256], sizes = [1, 128], strides = [1, 1]} : vector<1x1024xf32> to vector<1x128xf32>
    %broadcast_in_dim3A_795 = vector.shape_cast %slice3A_794 : vector<1x128xf32> to vector<1x128xf32>
    %broadcast_in_dim3A_796 = vector.broadcast %broadcast_in_dim3A_795 : vector<1x128xf32> to vector<16x128xf32>
    %lt3A_797 = arith.constant 0 : i32
    %lt3A_798 = vector.broadcast %lt3A_797 : i32 to vector<16x1024xi32>
    %lt3A_799 = arith.cmpi slt, %and3A_55, %lt3A_798 : vector<16x1024xi32>
    %add3A_800 = arith.constant 128 : i32
    %add3A_801 = vector.broadcast %add3A_800 : i32 to vector<16x1024xi32>
    %add3A_802 = arith.addi %and3A_55, %add3A_801 : vector<16x1024xi32>
    %select_n3A_803 = arith.select %lt3A_799, %add3A_802, %and3A_55 : vector<16x1024xi1>, vector<16x1024xi32>
    %reshape3A_804 = vector.shape_cast %select_n3A_803 : vector<16x1024xi32> to vector<16x1024x1xi32>
    %gather3A_805 = vector.shape_cast %reshape3A_804 : vector<16x1024x1xi32> to vector<16x1024xi32>
    %gather3A_806 = tpu.dynamic_gather %broadcast_in_dim3A_796[%gather3A_805] in [1] : vector<16x128xf32>, vector<16x1024xi32> -> vector<16x1024xf32>
    %eq3A_807 = arith.constant 2 : i32
    %eq3A_808 = vector.broadcast %eq3A_807 : i32 to vector<16x1024xi32>
    %eq3A_809 = arith.cmpi eq, %shift_right_logical3A_53, %eq3A_808 : vector<16x1024xi32>
    %select_n3A_810 = arith.select %eq3A_809, %gather3A_806, %select_n3A_793 : vector<16x1024xi1>, vector<16x1024xf32>
    %slice3A_811 = vector.extract_strided_slice %slice3A_759 {offsets = [0, 384], sizes = [1, 128], strides = [1, 1]} : vector<1x1024xf32> to vector<1x128xf32>
    %broadcast_in_dim3A_812 = vector.shape_cast %slice3A_811 : vector<1x128xf32> to vector<1x128xf32>
    %broadcast_in_dim3A_813 = vector.broadcast %broadcast_in_dim3A_812 : vector<1x128xf32> to vector<16x128xf32>
    %lt3A_814 = arith.constant 0 : i32
    %lt3A_815 = vector.broadcast %lt3A_814 : i32 to vector<16x1024xi32>
    %lt3A_816 = arith.cmpi slt, %and3A_55, %lt3A_815 : vector<16x1024xi32>
    %add3A_817 = arith.constant 128 : i32
    %add3A_818 = vector.broadcast %add3A_817 : i32 to vector<16x1024xi32>
    %add3A_819 = arith.addi %and3A_55, %add3A_818 : vector<16x1024xi32>
    %select_n3A_820 = arith.select %lt3A_816, %add3A_819, %and3A_55 : vector<16x1024xi1>, vector<16x1024xi32>
    %reshape3A_821 = vector.shape_cast %select_n3A_820 : vector<16x1024xi32> to vector<16x1024x1xi32>
    %gather3A_822 = vector.shape_cast %reshape3A_821 : vector<16x1024x1xi32> to vector<16x1024xi32>
    %gather3A_823 = tpu.dynamic_gather %broadcast_in_dim3A_813[%gather3A_822] in [1] : vector<16x128xf32>, vector<16x1024xi32> -> vector<16x1024xf32>
    %eq3A_824 = arith.constant 3 : i32
    %eq3A_825 = vector.broadcast %eq3A_824 : i32 to vector<16x1024xi32>
    %eq3A_826 = arith.cmpi eq, %shift_right_logical3A_53, %eq3A_825 : vector<16x1024xi32>
    %select_n3A_827 = arith.select %eq3A_826, %gather3A_823, %select_n3A_810 : vector<16x1024xi1>, vector<16x1024xf32>
    %slice3A_828 = vector.extract_strided_slice %slice3A_759 {offsets = [0, 512], sizes = [1, 128], strides = [1, 1]} : vector<1x1024xf32> to vector<1x128xf32>
    %broadcast_in_dim3A_829 = vector.shape_cast %slice3A_828 : vector<1x128xf32> to vector<1x128xf32>
    %broadcast_in_dim3A_830 = vector.broadcast %broadcast_in_dim3A_829 : vector<1x128xf32> to vector<16x128xf32>
    %lt3A_831 = arith.constant 0 : i32
    %lt3A_832 = vector.broadcast %lt3A_831 : i32 to vector<16x1024xi32>
    %lt3A_833 = arith.cmpi slt, %and3A_55, %lt3A_832 : vector<16x1024xi32>
    %add3A_834 = arith.constant 128 : i32
    %add3A_835 = vector.broadcast %add3A_834 : i32 to vector<16x1024xi32>
    %add3A_836 = arith.addi %and3A_55, %add3A_835 : vector<16x1024xi32>
    %select_n3A_837 = arith.select %lt3A_833, %add3A_836, %and3A_55 : vector<16x1024xi1>, vector<16x1024xi32>
    %reshape3A_838 = vector.shape_cast %select_n3A_837 : vector<16x1024xi32> to vector<16x1024x1xi32>
    %gather3A_839 = vector.shape_cast %reshape3A_838 : vector<16x1024x1xi32> to vector<16x1024xi32>
    %gather3A_840 = tpu.dynamic_gather %broadcast_in_dim3A_830[%gather3A_839] in [1] : vector<16x128xf32>, vector<16x1024xi32> -> vector<16x1024xf32>
    %eq3A_841 = arith.constant 4 : i32
    %eq3A_842 = vector.broadcast %eq3A_841 : i32 to vector<16x1024xi32>
    %eq3A_843 = arith.cmpi eq, %shift_right_logical3A_53, %eq3A_842 : vector<16x1024xi32>
    %select_n3A_844 = arith.select %eq3A_843, %gather3A_840, %select_n3A_827 : vector<16x1024xi1>, vector<16x1024xf32>
    %slice3A_845 = vector.extract_strided_slice %slice3A_759 {offsets = [0, 640], sizes = [1, 128], strides = [1, 1]} : vector<1x1024xf32> to vector<1x128xf32>
    %broadcast_in_dim3A_846 = vector.shape_cast %slice3A_845 : vector<1x128xf32> to vector<1x128xf32>
    %broadcast_in_dim3A_847 = vector.broadcast %broadcast_in_dim3A_846 : vector<1x128xf32> to vector<16x128xf32>
    %lt3A_848 = arith.constant 0 : i32
    %lt3A_849 = vector.broadcast %lt3A_848 : i32 to vector<16x1024xi32>
    %lt3A_850 = arith.cmpi slt, %and3A_55, %lt3A_849 : vector<16x1024xi32>
    %add3A_851 = arith.constant 128 : i32
    %add3A_852 = vector.broadcast %add3A_851 : i32 to vector<16x1024xi32>
    %add3A_853 = arith.addi %and3A_55, %add3A_852 : vector<16x1024xi32>
    %select_n3A_854 = arith.select %lt3A_850, %add3A_853, %and3A_55 : vector<16x1024xi1>, vector<16x1024xi32>
    %reshape3A_855 = vector.shape_cast %select_n3A_854 : vector<16x1024xi32> to vector<16x1024x1xi32>
    %gather3A_856 = vector.shape_cast %reshape3A_855 : vector<16x1024x1xi32> to vector<16x1024xi32>
    %gather3A_857 = tpu.dynamic_gather %broadcast_in_dim3A_847[%gather3A_856] in [1] : vector<16x128xf32>, vector<16x1024xi32> -> vector<16x1024xf32>
    %eq3A_858 = arith.constant 5 : i32
    %eq3A_859 = vector.broadcast %eq3A_858 : i32 to vector<16x1024xi32>
    %eq3A_860 = arith.cmpi eq, %shift_right_logical3A_53, %eq3A_859 : vector<16x1024xi32>
    %select_n3A_861 = arith.select %eq3A_860, %gather3A_857, %select_n3A_844 : vector<16x1024xi1>, vector<16x1024xf32>
    %slice3A_862 = vector.extract_strided_slice %slice3A_759 {offsets = [0, 768], sizes = [1, 128], strides = [1, 1]} : vector<1x1024xf32> to vector<1x128xf32>
    %broadcast_in_dim3A_863 = vector.shape_cast %slice3A_862 : vector<1x128xf32> to vector<1x128xf32>
    %broadcast_in_dim3A_864 = vector.broadcast %broadcast_in_dim3A_863 : vector<1x128xf32> to vector<16x128xf32>
    %lt3A_865 = arith.constant 0 : i32
    %lt3A_866 = vector.broadcast %lt3A_865 : i32 to vector<16x1024xi32>
    %lt3A_867 = arith.cmpi slt, %and3A_55, %lt3A_866 : vector<16x1024xi32>
    %add3A_868 = arith.constant 128 : i32
    %add3A_869 = vector.broadcast %add3A_868 : i32 to vector<16x1024xi32>
    %add3A_870 = arith.addi %and3A_55, %add3A_869 : vector<16x1024xi32>
    %select_n3A_871 = arith.select %lt3A_867, %add3A_870, %and3A_55 : vector<16x1024xi1>, vector<16x1024xi32>
    %reshape3A_872 = vector.shape_cast %select_n3A_871 : vector<16x1024xi32> to vector<16x1024x1xi32>
    %gather3A_873 = vector.shape_cast %reshape3A_872 : vector<16x1024x1xi32> to vector<16x1024xi32>
    %gather3A_874 = tpu.dynamic_gather %broadcast_in_dim3A_864[%gather3A_873] in [1] : vector<16x128xf32>, vector<16x1024xi32> -> vector<16x1024xf32>
    %eq3A_875 = arith.constant 6 : i32
    %eq3A_876 = vector.broadcast %eq3A_875 : i32 to vector<16x1024xi32>
    %eq3A_877 = arith.cmpi eq, %shift_right_logical3A_53, %eq3A_876 : vector<16x1024xi32>
    %select_n3A_878 = arith.select %eq3A_877, %gather3A_874, %select_n3A_861 : vector<16x1024xi1>, vector<16x1024xf32>
    %slice3A_879 = vector.extract_strided_slice %slice3A_759 {offsets = [0, 896], sizes = [1, 128], strides = [1, 1]} : vector<1x1024xf32> to vector<1x128xf32>
    %broadcast_in_dim3A_880 = vector.shape_cast %slice3A_879 : vector<1x128xf32> to vector<1x128xf32>
    %broadcast_in_dim3A_881 = vector.broadcast %broadcast_in_dim3A_880 : vector<1x128xf32> to vector<16x128xf32>
    %lt3A_882 = arith.constant 0 : i32
    %lt3A_883 = vector.broadcast %lt3A_882 : i32 to vector<16x1024xi32>
    %lt3A_884 = arith.cmpi slt, %and3A_55, %lt3A_883 : vector<16x1024xi32>
    %add3A_885 = arith.constant 128 : i32
    %add3A_886 = vector.broadcast %add3A_885 : i32 to vector<16x1024xi32>
    %add3A_887 = arith.addi %and3A_55, %add3A_886 : vector<16x1024xi32>
    %select_n3A_888 = arith.select %lt3A_884, %add3A_887, %and3A_55 : vector<16x1024xi1>, vector<16x1024xi32>
    %reshape3A_889 = vector.shape_cast %select_n3A_888 : vector<16x1024xi32> to vector<16x1024x1xi32>
    %gather3A_890 = vector.shape_cast %reshape3A_889 : vector<16x1024x1xi32> to vector<16x1024xi32>
    %gather3A_891 = tpu.dynamic_gather %broadcast_in_dim3A_881[%gather3A_890] in [1] : vector<16x128xf32>, vector<16x1024xi32> -> vector<16x1024xf32>
    %eq3A_892 = arith.constant 7 : i32
    %eq3A_893 = vector.broadcast %eq3A_892 : i32 to vector<16x1024xi32>
    %eq3A_894 = arith.cmpi eq, %shift_right_logical3A_53, %eq3A_893 : vector<16x1024xi32>
    %select_n3A_895 = arith.select %eq3A_894, %gather3A_891, %select_n3A_878 : vector<16x1024xi1>, vector<16x1024xf32>
    %slice3A_896 = vector.extract_strided_slice %get3A_13 {offsets = [2, 0], sizes = [1, 1024], strides = [1, 1]} : vector<3x1024xf32> to vector<1x1024xf32>
    %slice3A_897 = vector.extract_strided_slice %slice3A_896 {offsets = [0, 0], sizes = [1, 128], strides = [1, 1]} : vector<1x1024xf32> to vector<1x128xf32>
    %broadcast_in_dim3A_898 = vector.shape_cast %slice3A_897 : vector<1x128xf32> to vector<1x128xf32>
    %broadcast_in_dim3A_899 = vector.broadcast %broadcast_in_dim3A_898 : vector<1x128xf32> to vector<16x128xf32>
    %lt3A_900 = arith.constant 0 : i32
    %lt3A_901 = vector.broadcast %lt3A_900 : i32 to vector<16x1024xi32>
    %lt3A_902 = arith.cmpi slt, %and3A_55, %lt3A_901 : vector<16x1024xi32>
    %add3A_903 = arith.constant 128 : i32
    %add3A_904 = vector.broadcast %add3A_903 : i32 to vector<16x1024xi32>
    %add3A_905 = arith.addi %and3A_55, %add3A_904 : vector<16x1024xi32>
    %select_n3A_906 = arith.select %lt3A_902, %add3A_905, %and3A_55 : vector<16x1024xi1>, vector<16x1024xi32>
    %reshape3A_907 = vector.shape_cast %select_n3A_906 : vector<16x1024xi32> to vector<16x1024x1xi32>
    %gather3A_908 = vector.shape_cast %reshape3A_907 : vector<16x1024x1xi32> to vector<16x1024xi32>
    %gather3A_909 = tpu.dynamic_gather %broadcast_in_dim3A_899[%gather3A_908] in [1] : vector<16x128xf32>, vector<16x1024xi32> -> vector<16x1024xf32>
    %eq3A_910 = arith.constant 0 : i32
    %eq3A_911 = vector.broadcast %eq3A_910 : i32 to vector<16x1024xi32>
    %eq3A_912 = arith.cmpi eq, %shift_right_logical3A_53, %eq3A_911 : vector<16x1024xi32>
    %select_n3A_913 = arith.select %eq3A_912, %gather3A_909, %broadcast_in_dim3A_57 : vector<16x1024xi1>, vector<16x1024xf32>
    %slice3A_914 = vector.extract_strided_slice %slice3A_896 {offsets = [0, 128], sizes = [1, 128], strides = [1, 1]} : vector<1x1024xf32> to vector<1x128xf32>
    %broadcast_in_dim3A_915 = vector.shape_cast %slice3A_914 : vector<1x128xf32> to vector<1x128xf32>
    %broadcast_in_dim3A_916 = vector.broadcast %broadcast_in_dim3A_915 : vector<1x128xf32> to vector<16x128xf32>
    %lt3A_917 = arith.constant 0 : i32
    %lt3A_918 = vector.broadcast %lt3A_917 : i32 to vector<16x1024xi32>
    %lt3A_919 = arith.cmpi slt, %and3A_55, %lt3A_918 : vector<16x1024xi32>
    %add3A_920 = arith.constant 128 : i32
    %add3A_921 = vector.broadcast %add3A_920 : i32 to vector<16x1024xi32>
    %add3A_922 = arith.addi %and3A_55, %add3A_921 : vector<16x1024xi32>
    %select_n3A_923 = arith.select %lt3A_919, %add3A_922, %and3A_55 : vector<16x1024xi1>, vector<16x1024xi32>
    %reshape3A_924 = vector.shape_cast %select_n3A_923 : vector<16x1024xi32> to vector<16x1024x1xi32>
    %gather3A_925 = vector.shape_cast %reshape3A_924 : vector<16x1024x1xi32> to vector<16x1024xi32>
    %gather3A_926 = tpu.dynamic_gather %broadcast_in_dim3A_916[%gather3A_925] in [1] : vector<16x128xf32>, vector<16x1024xi32> -> vector<16x1024xf32>
    %eq3A_927 = arith.constant 1 : i32
    %eq3A_928 = vector.broadcast %eq3A_927 : i32 to vector<16x1024xi32>
    %eq3A_929 = arith.cmpi eq, %shift_right_logical3A_53, %eq3A_928 : vector<16x1024xi32>
    %select_n3A_930 = arith.select %eq3A_929, %gather3A_926, %select_n3A_913 : vector<16x1024xi1>, vector<16x1024xf32>
    %slice3A_931 = vector.extract_strided_slice %slice3A_896 {offsets = [0, 256], sizes = [1, 128], strides = [1, 1]} : vector<1x1024xf32> to vector<1x128xf32>
    %broadcast_in_dim3A_932 = vector.shape_cast %slice3A_931 : vector<1x128xf32> to vector<1x128xf32>
    %broadcast_in_dim3A_933 = vector.broadcast %broadcast_in_dim3A_932 : vector<1x128xf32> to vector<16x128xf32>
    %lt3A_934 = arith.constant 0 : i32
    %lt3A_935 = vector.broadcast %lt3A_934 : i32 to vector<16x1024xi32>
    %lt3A_936 = arith.cmpi slt, %and3A_55, %lt3A_935 : vector<16x1024xi32>
    %add3A_937 = arith.constant 128 : i32
    %add3A_938 = vector.broadcast %add3A_937 : i32 to vector<16x1024xi32>
    %add3A_939 = arith.addi %and3A_55, %add3A_938 : vector<16x1024xi32>
    %select_n3A_940 = arith.select %lt3A_936, %add3A_939, %and3A_55 : vector<16x1024xi1>, vector<16x1024xi32>
    %reshape3A_941 = vector.shape_cast %select_n3A_940 : vector<16x1024xi32> to vector<16x1024x1xi32>
    %gather3A_942 = vector.shape_cast %reshape3A_941 : vector<16x1024x1xi32> to vector<16x1024xi32>
    %gather3A_943 = tpu.dynamic_gather %broadcast_in_dim3A_933[%gather3A_942] in [1] : vector<16x128xf32>, vector<16x1024xi32> -> vector<16x1024xf32>
    %eq3A_944 = arith.constant 2 : i32
    %eq3A_945 = vector.broadcast %eq3A_944 : i32 to vector<16x1024xi32>
    %eq3A_946 = arith.cmpi eq, %shift_right_logical3A_53, %eq3A_945 : vector<16x1024xi32>
    %select_n3A_947 = arith.select %eq3A_946, %gather3A_943, %select_n3A_930 : vector<16x1024xi1>, vector<16x1024xf32>
    %slice3A_948 = vector.extract_strided_slice %slice3A_896 {offsets = [0, 384], sizes = [1, 128], strides = [1, 1]} : vector<1x1024xf32> to vector<1x128xf32>
    %broadcast_in_dim3A_949 = vector.shape_cast %slice3A_948 : vector<1x128xf32> to vector<1x128xf32>
    %broadcast_in_dim3A_950 = vector.broadcast %broadcast_in_dim3A_949 : vector<1x128xf32> to vector<16x128xf32>
    %lt3A_951 = arith.constant 0 : i32
    %lt3A_952 = vector.broadcast %lt3A_951 : i32 to vector<16x1024xi32>
    %lt3A_953 = arith.cmpi slt, %and3A_55, %lt3A_952 : vector<16x1024xi32>
    %add3A_954 = arith.constant 128 : i32
    %add3A_955 = vector.broadcast %add3A_954 : i32 to vector<16x1024xi32>
    %add3A_956 = arith.addi %and3A_55, %add3A_955 : vector<16x1024xi32>
    %select_n3A_957 = arith.select %lt3A_953, %add3A_956, %and3A_55 : vector<16x1024xi1>, vector<16x1024xi32>
    %reshape3A_958 = vector.shape_cast %select_n3A_957 : vector<16x1024xi32> to vector<16x1024x1xi32>
    %gather3A_959 = vector.shape_cast %reshape3A_958 : vector<16x1024x1xi32> to vector<16x1024xi32>
    %gather3A_960 = tpu.dynamic_gather %broadcast_in_dim3A_950[%gather3A_959] in [1] : vector<16x128xf32>, vector<16x1024xi32> -> vector<16x1024xf32>
    %eq3A_961 = arith.constant 3 : i32
    %eq3A_962 = vector.broadcast %eq3A_961 : i32 to vector<16x1024xi32>
    %eq3A_963 = arith.cmpi eq, %shift_right_logical3A_53, %eq3A_962 : vector<16x1024xi32>
    %select_n3A_964 = arith.select %eq3A_963, %gather3A_960, %select_n3A_947 : vector<16x1024xi1>, vector<16x1024xf32>
    %slice3A_965 = vector.extract_strided_slice %slice3A_896 {offsets = [0, 512], sizes = [1, 128], strides = [1, 1]} : vector<1x1024xf32> to vector<1x128xf32>
    %broadcast_in_dim3A_966 = vector.shape_cast %slice3A_965 : vector<1x128xf32> to vector<1x128xf32>
    %broadcast_in_dim3A_967 = vector.broadcast %broadcast_in_dim3A_966 : vector<1x128xf32> to vector<16x128xf32>
    %lt3A_968 = arith.constant 0 : i32
    %lt3A_969 = vector.broadcast %lt3A_968 : i32 to vector<16x1024xi32>
    %lt3A_970 = arith.cmpi slt, %and3A_55, %lt3A_969 : vector<16x1024xi32>
    %add3A_971 = arith.constant 128 : i32
    %add3A_972 = vector.broadcast %add3A_971 : i32 to vector<16x1024xi32>
    %add3A_973 = arith.addi %and3A_55, %add3A_972 : vector<16x1024xi32>
    %select_n3A_974 = arith.select %lt3A_970, %add3A_973, %and3A_55 : vector<16x1024xi1>, vector<16x1024xi32>
    %reshape3A_975 = vector.shape_cast %select_n3A_974 : vector<16x1024xi32> to vector<16x1024x1xi32>
    %gather3A_976 = vector.shape_cast %reshape3A_975 : vector<16x1024x1xi32> to vector<16x1024xi32>
    %gather3A_977 = tpu.dynamic_gather %broadcast_in_dim3A_967[%gather3A_976] in [1] : vector<16x128xf32>, vector<16x1024xi32> -> vector<16x1024xf32>
    %eq3A_978 = arith.constant 4 : i32
    %eq3A_979 = vector.broadcast %eq3A_978 : i32 to vector<16x1024xi32>
    %eq3A_980 = arith.cmpi eq, %shift_right_logical3A_53, %eq3A_979 : vector<16x1024xi32>
    %select_n3A_981 = arith.select %eq3A_980, %gather3A_977, %select_n3A_964 : vector<16x1024xi1>, vector<16x1024xf32>
    %slice3A_982 = vector.extract_strided_slice %slice3A_896 {offsets = [0, 640], sizes = [1, 128], strides = [1, 1]} : vector<1x1024xf32> to vector<1x128xf32>
    %broadcast_in_dim3A_983 = vector.shape_cast %slice3A_982 : vector<1x128xf32> to vector<1x128xf32>
    %broadcast_in_dim3A_984 = vector.broadcast %broadcast_in_dim3A_983 : vector<1x128xf32> to vector<16x128xf32>
    %lt3A_985 = arith.constant 0 : i32
    %lt3A_986 = vector.broadcast %lt3A_985 : i32 to vector<16x1024xi32>
    %lt3A_987 = arith.cmpi slt, %and3A_55, %lt3A_986 : vector<16x1024xi32>
    %add3A_988 = arith.constant 128 : i32
    %add3A_989 = vector.broadcast %add3A_988 : i32 to vector<16x1024xi32>
    %add3A_990 = arith.addi %and3A_55, %add3A_989 : vector<16x1024xi32>
    %select_n3A_991 = arith.select %lt3A_987, %add3A_990, %and3A_55 : vector<16x1024xi1>, vector<16x1024xi32>
    %reshape3A_992 = vector.shape_cast %select_n3A_991 : vector<16x1024xi32> to vector<16x1024x1xi32>
    %gather3A_993 = vector.shape_cast %reshape3A_992 : vector<16x1024x1xi32> to vector<16x1024xi32>
    %gather3A_994 = tpu.dynamic_gather %broadcast_in_dim3A_984[%gather3A_993] in [1] : vector<16x128xf32>, vector<16x1024xi32> -> vector<16x1024xf32>
    %eq3A_995 = arith.constant 5 : i32
    %eq3A_996 = vector.broadcast %eq3A_995 : i32 to vector<16x1024xi32>
    %eq3A_997 = arith.cmpi eq, %shift_right_logical3A_53, %eq3A_996 : vector<16x1024xi32>
    %select_n3A_998 = arith.select %eq3A_997, %gather3A_994, %select_n3A_981 : vector<16x1024xi1>, vector<16x1024xf32>
    %slice3A_999 = vector.extract_strided_slice %slice3A_896 {offsets = [0, 768], sizes = [1, 128], strides = [1, 1]} : vector<1x1024xf32> to vector<1x128xf32>
    %broadcast_in_dim3A_1000 = vector.shape_cast %slice3A_999 : vector<1x128xf32> to vector<1x128xf32>
    %broadcast_in_dim3A_1001 = vector.broadcast %broadcast_in_dim3A_1000 : vector<1x128xf32> to vector<16x128xf32>
    %lt3A_1002 = arith.constant 0 : i32
    %lt3A_1003 = vector.broadcast %lt3A_1002 : i32 to vector<16x1024xi32>
    %lt3A_1004 = arith.cmpi slt, %and3A_55, %lt3A_1003 : vector<16x1024xi32>
    %add3A_1005 = arith.constant 128 : i32
    %add3A_1006 = vector.broadcast %add3A_1005 : i32 to vector<16x1024xi32>
    %add3A_1007 = arith.addi %and3A_55, %add3A_1006 : vector<16x1024xi32>
    %select_n3A_1008 = arith.select %lt3A_1004, %add3A_1007, %and3A_55 : vector<16x1024xi1>, vector<16x1024xi32>
    %reshape3A_1009 = vector.shape_cast %select_n3A_1008 : vector<16x1024xi32> to vector<16x1024x1xi32>
    %gather3A_1010 = vector.shape_cast %reshape3A_1009 : vector<16x1024x1xi32> to vector<16x1024xi32>
    %gather3A_1011 = tpu.dynamic_gather %broadcast_in_dim3A_1001[%gather3A_1010] in [1] : vector<16x128xf32>, vector<16x1024xi32> -> vector<16x1024xf32>
    %eq3A_1012 = arith.constant 6 : i32
    %eq3A_1013 = vector.broadcast %eq3A_1012 : i32 to vector<16x1024xi32>
    %eq3A_1014 = arith.cmpi eq, %shift_right_logical3A_53, %eq3A_1013 : vector<16x1024xi32>
    %select_n3A_1015 = arith.select %eq3A_1014, %gather3A_1011, %select_n3A_998 : vector<16x1024xi1>, vector<16x1024xf32>
    %slice3A_1016 = vector.extract_strided_slice %slice3A_896 {offsets = [0, 896], sizes = [1, 128], strides = [1, 1]} : vector<1x1024xf32> to vector<1x128xf32>
    %broadcast_in_dim3A_1017 = vector.shape_cast %slice3A_1016 : vector<1x128xf32> to vector<1x128xf32>
    %broadcast_in_dim3A_1018 = vector.broadcast %broadcast_in_dim3A_1017 : vector<1x128xf32> to vector<16x128xf32>
    %lt3A_1019 = arith.constant 0 : i32
    %lt3A_1020 = vector.broadcast %lt3A_1019 : i32 to vector<16x1024xi32>
    %lt3A_1021 = arith.cmpi slt, %and3A_55, %lt3A_1020 : vector<16x1024xi32>
    %add3A_1022 = arith.constant 128 : i32
    %add3A_1023 = vector.broadcast %add3A_1022 : i32 to vector<16x1024xi32>
    %add3A_1024 = arith.addi %and3A_55, %add3A_1023 : vector<16x1024xi32>
    %select_n3A_1025 = arith.select %lt3A_1021, %add3A_1024, %and3A_55 : vector<16x1024xi1>, vector<16x1024xi32>
    %reshape3A_1026 = vector.shape_cast %select_n3A_1025 : vector<16x1024xi32> to vector<16x1024x1xi32>
    %gather3A_1027 = vector.shape_cast %reshape3A_1026 : vector<16x1024x1xi32> to vector<16x1024xi32>
    %gather3A_1028 = tpu.dynamic_gather %broadcast_in_dim3A_1018[%gather3A_1027] in [1] : vector<16x128xf32>, vector<16x1024xi32> -> vector<16x1024xf32>
    %eq3A_1029 = arith.constant 7 : i32
    %eq3A_1030 = vector.broadcast %eq3A_1029 : i32 to vector<16x1024xi32>
    %eq3A_1031 = arith.cmpi eq, %shift_right_logical3A_53, %eq3A_1030 : vector<16x1024xi32>
    %select_n3A_1032 = arith.select %eq3A_1031, %gather3A_1028, %select_n3A_1015 : vector<16x1024xi1>, vector<16x1024xf32>
    %get3A_1033 = arith.constant 0 : index
    %get3A_1034 = arith.constant 0 : index
    %get3A_1035 = vector.load %arg4[%get3A_1033, %get3A_1034] : memref<3x10xf32, #tpu.memory_space<vmem>>, vector<3x10xf32>
    %get3A_1036 = arith.constant 0 : index
    %get3A_1037 = arith.constant 0 : index
    %get3A_1038 = vector.load %arg5[%get3A_1036, %get3A_1037] : memref<3x1xf32, #tpu.memory_space<vmem>>, vector<3x1xf32>
    %get3A_1039 = arith.constant 0 : index
    %get3A_1040 = arith.constant 0 : index
    %get3A_1041 = vector.load %arg6[%get3A_1039, %get3A_1040] : memref<3x10xf32, #tpu.memory_space<vmem>>, vector<3x10xf32>
    %get3A_1042 = arith.constant 0 : index
    %get3A_1043 = arith.constant 0 : index
    %get3A_1044 = vector.load %arg7[%get3A_1042, %get3A_1043] : memref<3x1xf32, #tpu.memory_space<vmem>>, vector<3x1xf32>
    %slice3A_1045 = vector.extract_strided_slice %get3A_1035 {offsets = [0, 0], sizes = [3, 3], strides = [1, 1]} : vector<3x10xf32> to vector<3x3xf32>
    %dot_general3A = arith.constant dense<0.000000e+00> : vector<3x1024xf32>
    %dot_general3A_1046 = tpu.matmul %slice3A_1045, %get3A_13, %dot_general3A {dimension_numbers = #tpu.dot_dimension_numbers<[1], [0], [0], [1], [0, 0, 1, 1], [], []>, transpose_lhs_hint = false} : vector<3x3xf32>, vector<3x1024xf32>, vector<3x1024xf32> -> vector<3x1024xf32>
    %add3A_1047 = vector.broadcast %get3A_1038 : vector<3x1xf32> to vector<3x1024xf32>
    %add3A_1048 = arith.addf %dot_general3A_1046, %add3A_1047 : vector<3x1024xf32>
    %slice3A_1049 = vector.extract_strided_slice %get3A_1041 {offsets = [0, 0], sizes = [3, 3], strides = [1, 1]} : vector<3x10xf32> to vector<3x3xf32>
    %dot_general3A_1050 = arith.constant dense<0.000000e+00> : vector<3x1024xf32>
    %dot_general3A_1051 = tpu.matmul %slice3A_1049, %get3A_13, %dot_general3A_1050 {dimension_numbers = #tpu.dot_dimension_numbers<[1], [0], [0], [1], [0, 0, 1, 1], [], []>, transpose_lhs_hint = false} : vector<3x3xf32>, vector<3x1024xf32>, vector<3x1024xf32> -> vector<3x1024xf32>
    %add3A_1052 = vector.broadcast %get3A_1044 : vector<3x1xf32> to vector<3x1024xf32>
    %add3A_1053 = arith.addf %dot_general3A_1051, %add3A_1052 : vector<3x1024xf32>
    %slice3A_1054 = vector.extract_strided_slice %add3A_1048 {offsets = [0, 0], sizes = [1, 1024], strides = [1, 1]} : vector<3x1024xf32> to vector<1x1024xf32>
    %slice3A_1055 = vector.extract_strided_slice %add3A_1053 {offsets = [0, 0], sizes = [1, 1024], strides = [1, 1]} : vector<3x1024xf32> to vector<1x1024xf32>
    %slice3A_1056 = vector.extract_strided_slice %get3A_1035 {offsets = [0, 3], sizes = [1, 1], strides = [1, 1]} : vector<3x10xf32> to vector<1x1xf32>
    %mul3A_1057 = vector.broadcast %slice3A_1056 : vector<1x1xf32> to vector<16x1024xf32>
    %mul3A_1058 = arith.mulf %select_n3A_758, %mul3A_1057 : vector<16x1024xf32>
    %add3A_1059 = vector.broadcast %slice3A_1054 : vector<1x1024xf32> to vector<16x1024xf32>
    %add3A_1060 = arith.addf %add3A_1059, %mul3A_1058 : vector<16x1024xf32>
    %slice3A_1061 = vector.extract_strided_slice %get3A_1041 {offsets = [0, 3], sizes = [1, 1], strides = [1, 1]} : vector<3x10xf32> to vector<1x1xf32>
    %mul3A_1062 = vector.broadcast %slice3A_1061 : vector<1x1xf32> to vector<16x1024xf32>
    %mul3A_1063 = arith.mulf %select_n3A_758, %mul3A_1062 : vector<16x1024xf32>
    %add3A_1064 = vector.broadcast %slice3A_1055 : vector<1x1024xf32> to vector<16x1024xf32>
    %add3A_1065 = arith.addf %add3A_1064, %mul3A_1063 : vector<16x1024xf32>
    %slice3A_1066 = vector.extract_strided_slice %get3A_1035 {offsets = [0, 4], sizes = [1, 1], strides = [1, 1]} : vector<3x10xf32> to vector<1x1xf32>
    %mul3A_1067 = vector.broadcast %slice3A_1066 : vector<1x1xf32> to vector<16x1024xf32>
    %mul3A_1068 = arith.mulf %select_n3A_895, %mul3A_1067 : vector<16x1024xf32>
    %add3A_1069 = arith.addf %add3A_1060, %mul3A_1068 : vector<16x1024xf32>
    %slice3A_1070 = vector.extract_strided_slice %get3A_1041 {offsets = [0, 4], sizes = [1, 1], strides = [1, 1]} : vector<3x10xf32> to vector<1x1xf32>
    %mul3A_1071 = vector.broadcast %slice3A_1070 : vector<1x1xf32> to vector<16x1024xf32>
    %mul3A_1072 = arith.mulf %select_n3A_895, %mul3A_1071 : vector<16x1024xf32>
    %add3A_1073 = arith.addf %add3A_1065, %mul3A_1072 : vector<16x1024xf32>
    %slice3A_1074 = vector.extract_strided_slice %get3A_1035 {offsets = [0, 5], sizes = [1, 1], strides = [1, 1]} : vector<3x10xf32> to vector<1x1xf32>
    %mul3A_1075 = vector.broadcast %slice3A_1074 : vector<1x1xf32> to vector<16x1024xf32>
    %mul3A_1076 = arith.mulf %select_n3A_1032, %mul3A_1075 : vector<16x1024xf32>
    %add3A_1077 = arith.addf %add3A_1069, %mul3A_1076 : vector<16x1024xf32>
    %slice3A_1078 = vector.extract_strided_slice %get3A_1041 {offsets = [0, 5], sizes = [1, 1], strides = [1, 1]} : vector<3x10xf32> to vector<1x1xf32>
    %mul3A_1079 = vector.broadcast %slice3A_1078 : vector<1x1xf32> to vector<16x1024xf32>
    %mul3A_1080 = arith.mulf %select_n3A_1032, %mul3A_1079 : vector<16x1024xf32>
    %add3A_1081 = arith.addf %add3A_1073, %mul3A_1080 : vector<16x1024xf32>
    %slice3A_1082 = vector.extract_strided_slice %get3A_1035 {offsets = [0, 6], sizes = [1, 1], strides = [1, 1]} : vector<3x10xf32> to vector<1x1xf32>
    %mul3A_1083 = vector.broadcast %slice3A_1082 : vector<1x1xf32> to vector<16x1024xf32>
    %mul3A_1084 = arith.mulf %select_n3A_523, %mul3A_1083 : vector<16x1024xf32>
    %add3A_1085 = arith.addf %add3A_1077, %mul3A_1084 : vector<16x1024xf32>
    %slice3A_1086 = vector.extract_strided_slice %get3A_1041 {offsets = [0, 6], sizes = [1, 1], strides = [1, 1]} : vector<3x10xf32> to vector<1x1xf32>
    %mul3A_1087 = vector.broadcast %slice3A_1086 : vector<1x1xf32> to vector<16x1024xf32>
    %mul3A_1088 = arith.mulf %select_n3A_523, %mul3A_1087 : vector<16x1024xf32>
    %add3A_1089 = arith.addf %add3A_1081, %mul3A_1088 : vector<16x1024xf32>
    %slice3A_1090 = vector.extract_strided_slice %get3A_1035 {offsets = [0, 7], sizes = [1, 1], strides = [1, 1]} : vector<3x10xf32> to vector<1x1xf32>
    %mul3A_1091 = vector.broadcast %slice3A_1090 : vector<1x1xf32> to vector<16x1024xf32>
    %mul3A_1092 = arith.mulf %select_n3A_572, %mul3A_1091 : vector<16x1024xf32>
    %add3A_1093 = arith.addf %add3A_1085, %mul3A_1092 : vector<16x1024xf32>
    %slice3A_1094 = vector.extract_strided_slice %get3A_1041 {offsets = [0, 7], sizes = [1, 1], strides = [1, 1]} : vector<3x10xf32> to vector<1x1xf32>
    %mul3A_1095 = vector.broadcast %slice3A_1094 : vector<1x1xf32> to vector<16x1024xf32>
    %mul3A_1096 = arith.mulf %select_n3A_572, %mul3A_1095 : vector<16x1024xf32>
    %add3A_1097 = arith.addf %add3A_1089, %mul3A_1096 : vector<16x1024xf32>
    %slice3A_1098 = vector.extract_strided_slice %get3A_1035 {offsets = [0, 8], sizes = [1, 1], strides = [1, 1]} : vector<3x10xf32> to vector<1x1xf32>
    %mul3A_1099 = vector.broadcast %slice3A_1098 : vector<1x1xf32> to vector<16x1024xf32>
    %mul3A_1100 = arith.mulf %select_n3A_621, %mul3A_1099 : vector<16x1024xf32>
    %add3A_1101 = arith.addf %add3A_1093, %mul3A_1100 : vector<16x1024xf32>
    %slice3A_1102 = vector.extract_strided_slice %get3A_1041 {offsets = [0, 8], sizes = [1, 1], strides = [1, 1]} : vector<3x10xf32> to vector<1x1xf32>
    %mul3A_1103 = vector.broadcast %slice3A_1102 : vector<1x1xf32> to vector<16x1024xf32>
    %mul3A_1104 = arith.mulf %select_n3A_621, %mul3A_1103 : vector<16x1024xf32>
    %add3A_1105 = arith.addf %add3A_1097, %mul3A_1104 : vector<16x1024xf32>
    %slice3A_1106 = vector.extract_strided_slice %get3A_1035 {offsets = [0, 9], sizes = [1, 1], strides = [1, 1]} : vector<3x10xf32> to vector<1x1xf32>
    %mul3A_1107 = vector.broadcast %slice3A_1106 : vector<1x1xf32> to vector<16x1024xf32>
    %mul3A_1108 = arith.mulf %sqrt3A, %mul3A_1107 : vector<16x1024xf32>
    %add3A_1109 = arith.addf %add3A_1101, %mul3A_1108 : vector<16x1024xf32>
    %slice3A_1110 = vector.extract_strided_slice %get3A_1041 {offsets = [0, 9], sizes = [1, 1], strides = [1, 1]} : vector<3x10xf32> to vector<1x1xf32>
    %mul3A_1111 = vector.broadcast %slice3A_1110 : vector<1x1xf32> to vector<16x1024xf32>
    %mul3A_1112 = arith.mulf %sqrt3A, %mul3A_1111 : vector<16x1024xf32>
    %add3A_1113 = arith.addf %add3A_1105, %mul3A_1112 : vector<16x1024xf32>
    %neg3A = arith.constant 0.000000e+00 : f32
    %neg3A_1114 = vector.broadcast %neg3A : f32 to vector<16x1024xf32>
    %neg3A_1115 = arith.subf %neg3A_1114, %add3A_1109 : vector<16x1024xf32>
    %exp3A = math.exp %neg3A_1115 : vector<16x1024xf32>
    %add3A_1116 = arith.constant 1.000000e+00 : f32
    %add3A_1117 = vector.broadcast %add3A_1116 : f32 to vector<16x1024xf32>
    %add3A_1118 = arith.addf %add3A_1117, %exp3A : vector<16x1024xf32>
    %div3A = arith.constant 1.000000e+00 : f32
    %div3A_1119 = vector.broadcast %div3A : f32 to vector<16x1024xf32>
    %div3A_1120 = arith.divf %div3A_1119, %add3A_1118 : vector<16x1024xf32>
    %max3A_1121 = arith.constant 0.000000e+00 : f32
    %max3A_1122 = vector.broadcast %max3A_1121 : f32 to vector<16x1024xf32>
    %max3A_1123 = arith.maximumf %add3A_1113, %max3A_1122 : vector<16x1024xf32>
    %abs3A_1124 = math.absf %add3A_1113 : vector<16x1024xf32>
    %neg3A_1125 = arith.constant 0.000000e+00 : f32
    %neg3A_1126 = vector.broadcast %neg3A_1125 : f32 to vector<16x1024xf32>
    %neg3A_1127 = arith.subf %neg3A_1126, %abs3A_1124 : vector<16x1024xf32>
    %exp3A_1128 = math.exp %neg3A_1127 : vector<16x1024xf32>
    %log1p3A = math.log1p %exp3A_1128 : vector<16x1024xf32>
    %add3A_1129 = arith.addf %max3A_1123, %log1p3A : vector<16x1024xf32>
    %mul3A_1130 = arith.mulf %div3A_1120, %add3A_1129 : vector<16x1024xf32>
    %reduce_sum3A = arith.constant dense<0.000000e+00> : vector<1024xf32>
    %reduce_sum3A_1131 = vector.multi_reduction <add>, %mul3A_1130, %reduce_sum3A [0] : vector<16x1024xf32> to vector<1024xf32>
    %broadcast_in_dim3A_1132 = vector.shape_cast %reduce_sum3A_1131 : vector<1024xf32> to vector<1x1024xf32>
    %slice3A_1133 = vector.extract_strided_slice %add3A_1048 {offsets = [1, 0], sizes = [1, 1024], strides = [1, 1]} : vector<3x1024xf32> to vector<1x1024xf32>
    %slice3A_1134 = vector.extract_strided_slice %add3A_1053 {offsets = [1, 0], sizes = [1, 1024], strides = [1, 1]} : vector<3x1024xf32> to vector<1x1024xf32>
    %slice3A_1135 = vector.extract_strided_slice %get3A_1035 {offsets = [1, 3], sizes = [1, 1], strides = [1, 1]} : vector<3x10xf32> to vector<1x1xf32>
    %mul3A_1136 = vector.broadcast %slice3A_1135 : vector<1x1xf32> to vector<16x1024xf32>
    %mul3A_1137 = arith.mulf %select_n3A_758, %mul3A_1136 : vector<16x1024xf32>
    %add3A_1138 = vector.broadcast %slice3A_1133 : vector<1x1024xf32> to vector<16x1024xf32>
    %add3A_1139 = arith.addf %add3A_1138, %mul3A_1137 : vector<16x1024xf32>
    %slice3A_1140 = vector.extract_strided_slice %get3A_1041 {offsets = [1, 3], sizes = [1, 1], strides = [1, 1]} : vector<3x10xf32> to vector<1x1xf32>
    %mul3A_1141 = vector.broadcast %slice3A_1140 : vector<1x1xf32> to vector<16x1024xf32>
    %mul3A_1142 = arith.mulf %select_n3A_758, %mul3A_1141 : vector<16x1024xf32>
    %add3A_1143 = vector.broadcast %slice3A_1134 : vector<1x1024xf32> to vector<16x1024xf32>
    %add3A_1144 = arith.addf %add3A_1143, %mul3A_1142 : vector<16x1024xf32>
    %slice3A_1145 = vector.extract_strided_slice %get3A_1035 {offsets = [1, 4], sizes = [1, 1], strides = [1, 1]} : vector<3x10xf32> to vector<1x1xf32>
    %mul3A_1146 = vector.broadcast %slice3A_1145 : vector<1x1xf32> to vector<16x1024xf32>
    %mul3A_1147 = arith.mulf %select_n3A_895, %mul3A_1146 : vector<16x1024xf32>
    %add3A_1148 = arith.addf %add3A_1139, %mul3A_1147 : vector<16x1024xf32>
    %slice3A_1149 = vector.extract_strided_slice %get3A_1041 {offsets = [1, 4], sizes = [1, 1], strides = [1, 1]} : vector<3x10xf32> to vector<1x1xf32>
    %mul3A_1150 = vector.broadcast %slice3A_1149 : vector<1x1xf32> to vector<16x1024xf32>
    %mul3A_1151 = arith.mulf %select_n3A_895, %mul3A_1150 : vector<16x1024xf32>
    %add3A_1152 = arith.addf %add3A_1144, %mul3A_1151 : vector<16x1024xf32>
    %slice3A_1153 = vector.extract_strided_slice %get3A_1035 {offsets = [1, 5], sizes = [1, 1], strides = [1, 1]} : vector<3x10xf32> to vector<1x1xf32>
    %mul3A_1154 = vector.broadcast %slice3A_1153 : vector<1x1xf32> to vector<16x1024xf32>
    %mul3A_1155 = arith.mulf %select_n3A_1032, %mul3A_1154 : vector<16x1024xf32>
    %add3A_1156 = arith.addf %add3A_1148, %mul3A_1155 : vector<16x1024xf32>
    %slice3A_1157 = vector.extract_strided_slice %get3A_1041 {offsets = [1, 5], sizes = [1, 1], strides = [1, 1]} : vector<3x10xf32> to vector<1x1xf32>
    %mul3A_1158 = vector.broadcast %slice3A_1157 : vector<1x1xf32> to vector<16x1024xf32>
    %mul3A_1159 = arith.mulf %select_n3A_1032, %mul3A_1158 : vector<16x1024xf32>
    %add3A_1160 = arith.addf %add3A_1152, %mul3A_1159 : vector<16x1024xf32>
    %slice3A_1161 = vector.extract_strided_slice %get3A_1035 {offsets = [1, 6], sizes = [1, 1], strides = [1, 1]} : vector<3x10xf32> to vector<1x1xf32>
    %mul3A_1162 = vector.broadcast %slice3A_1161 : vector<1x1xf32> to vector<16x1024xf32>
    %mul3A_1163 = arith.mulf %select_n3A_523, %mul3A_1162 : vector<16x1024xf32>
    %add3A_1164 = arith.addf %add3A_1156, %mul3A_1163 : vector<16x1024xf32>
    %slice3A_1165 = vector.extract_strided_slice %get3A_1041 {offsets = [1, 6], sizes = [1, 1], strides = [1, 1]} : vector<3x10xf32> to vector<1x1xf32>
    %mul3A_1166 = vector.broadcast %slice3A_1165 : vector<1x1xf32> to vector<16x1024xf32>
    %mul3A_1167 = arith.mulf %select_n3A_523, %mul3A_1166 : vector<16x1024xf32>
    %add3A_1168 = arith.addf %add3A_1160, %mul3A_1167 : vector<16x1024xf32>
    %slice3A_1169 = vector.extract_strided_slice %get3A_1035 {offsets = [1, 7], sizes = [1, 1], strides = [1, 1]} : vector<3x10xf32> to vector<1x1xf32>
    %mul3A_1170 = vector.broadcast %slice3A_1169 : vector<1x1xf32> to vector<16x1024xf32>
    %mul3A_1171 = arith.mulf %select_n3A_572, %mul3A_1170 : vector<16x1024xf32>
    %add3A_1172 = arith.addf %add3A_1164, %mul3A_1171 : vector<16x1024xf32>
    %slice3A_1173 = vector.extract_strided_slice %get3A_1041 {offsets = [1, 7], sizes = [1, 1], strides = [1, 1]} : vector<3x10xf32> to vector<1x1xf32>
    %mul3A_1174 = vector.broadcast %slice3A_1173 : vector<1x1xf32> to vector<16x1024xf32>
    %mul3A_1175 = arith.mulf %select_n3A_572, %mul3A_1174 : vector<16x1024xf32>
    %add3A_1176 = arith.addf %add3A_1168, %mul3A_1175 : vector<16x1024xf32>
    %slice3A_1177 = vector.extract_strided_slice %get3A_1035 {offsets = [1, 8], sizes = [1, 1], strides = [1, 1]} : vector<3x10xf32> to vector<1x1xf32>
    %mul3A_1178 = vector.broadcast %slice3A_1177 : vector<1x1xf32> to vector<16x1024xf32>
    %mul3A_1179 = arith.mulf %select_n3A_621, %mul3A_1178 : vector<16x1024xf32>
    %add3A_1180 = arith.addf %add3A_1172, %mul3A_1179 : vector<16x1024xf32>
    %slice3A_1181 = vector.extract_strided_slice %get3A_1041 {offsets = [1, 8], sizes = [1, 1], strides = [1, 1]} : vector<3x10xf32> to vector<1x1xf32>
    %mul3A_1182 = vector.broadcast %slice3A_1181 : vector<1x1xf32> to vector<16x1024xf32>
    %mul3A_1183 = arith.mulf %select_n3A_621, %mul3A_1182 : vector<16x1024xf32>
    %add3A_1184 = arith.addf %add3A_1176, %mul3A_1183 : vector<16x1024xf32>
    %slice3A_1185 = vector.extract_strided_slice %get3A_1035 {offsets = [1, 9], sizes = [1, 1], strides = [1, 1]} : vector<3x10xf32> to vector<1x1xf32>
    %mul3A_1186 = vector.broadcast %slice3A_1185 : vector<1x1xf32> to vector<16x1024xf32>
    %mul3A_1187 = arith.mulf %sqrt3A, %mul3A_1186 : vector<16x1024xf32>
    %add3A_1188 = arith.addf %add3A_1180, %mul3A_1187 : vector<16x1024xf32>
    %slice3A_1189 = vector.extract_strided_slice %get3A_1041 {offsets = [1, 9], sizes = [1, 1], strides = [1, 1]} : vector<3x10xf32> to vector<1x1xf32>
    %mul3A_1190 = vector.broadcast %slice3A_1189 : vector<1x1xf32> to vector<16x1024xf32>
    %mul3A_1191 = arith.mulf %sqrt3A, %mul3A_1190 : vector<16x1024xf32>
    %add3A_1192 = arith.addf %add3A_1184, %mul3A_1191 : vector<16x1024xf32>
    %neg3A_1193 = arith.constant 0.000000e+00 : f32
    %neg3A_1194 = vector.broadcast %neg3A_1193 : f32 to vector<16x1024xf32>
    %neg3A_1195 = arith.subf %neg3A_1194, %add3A_1188 : vector<16x1024xf32>
    %exp3A_1196 = math.exp %neg3A_1195 : vector<16x1024xf32>
    %add3A_1197 = arith.constant 1.000000e+00 : f32
    %add3A_1198 = vector.broadcast %add3A_1197 : f32 to vector<16x1024xf32>
    %add3A_1199 = arith.addf %add3A_1198, %exp3A_1196 : vector<16x1024xf32>
    %div3A_1200 = arith.constant 1.000000e+00 : f32
    %div3A_1201 = vector.broadcast %div3A_1200 : f32 to vector<16x1024xf32>
    %div3A_1202 = arith.divf %div3A_1201, %add3A_1199 : vector<16x1024xf32>
    %max3A_1203 = arith.constant 0.000000e+00 : f32
    %max3A_1204 = vector.broadcast %max3A_1203 : f32 to vector<16x1024xf32>
    %max3A_1205 = arith.maximumf %add3A_1192, %max3A_1204 : vector<16x1024xf32>
    %abs3A_1206 = math.absf %add3A_1192 : vector<16x1024xf32>
    %neg3A_1207 = arith.constant 0.000000e+00 : f32
    %neg3A_1208 = vector.broadcast %neg3A_1207 : f32 to vector<16x1024xf32>
    %neg3A_1209 = arith.subf %neg3A_1208, %abs3A_1206 : vector<16x1024xf32>
    %exp3A_1210 = math.exp %neg3A_1209 : vector<16x1024xf32>
    %log1p3A_1211 = math.log1p %exp3A_1210 : vector<16x1024xf32>
    %add3A_1212 = arith.addf %max3A_1205, %log1p3A_1211 : vector<16x1024xf32>
    %mul3A_1213 = arith.mulf %div3A_1202, %add3A_1212 : vector<16x1024xf32>
    %reduce_sum3A_1214 = arith.constant dense<0.000000e+00> : vector<1024xf32>
    %reduce_sum3A_1215 = vector.multi_reduction <add>, %mul3A_1213, %reduce_sum3A_1214 [0] : vector<16x1024xf32> to vector<1024xf32>
    %broadcast_in_dim3A_1216 = vector.shape_cast %reduce_sum3A_1215 : vector<1024xf32> to vector<1x1024xf32>
    %slice3A_1217 = vector.extract_strided_slice %add3A_1048 {offsets = [2, 0], sizes = [1, 1024], strides = [1, 1]} : vector<3x1024xf32> to vector<1x1024xf32>
    %slice3A_1218 = vector.extract_strided_slice %add3A_1053 {offsets = [2, 0], sizes = [1, 1024], strides = [1, 1]} : vector<3x1024xf32> to vector<1x1024xf32>
    %slice3A_1219 = vector.extract_strided_slice %get3A_1035 {offsets = [2, 3], sizes = [1, 1], strides = [1, 1]} : vector<3x10xf32> to vector<1x1xf32>
    %mul3A_1220 = vector.broadcast %slice3A_1219 : vector<1x1xf32> to vector<16x1024xf32>
    %mul3A_1221 = arith.mulf %select_n3A_758, %mul3A_1220 : vector<16x1024xf32>
    %add3A_1222 = vector.broadcast %slice3A_1217 : vector<1x1024xf32> to vector<16x1024xf32>
    %add3A_1223 = arith.addf %add3A_1222, %mul3A_1221 : vector<16x1024xf32>
    %slice3A_1224 = vector.extract_strided_slice %get3A_1041 {offsets = [2, 3], sizes = [1, 1], strides = [1, 1]} : vector<3x10xf32> to vector<1x1xf32>
    %mul3A_1225 = vector.broadcast %slice3A_1224 : vector<1x1xf32> to vector<16x1024xf32>
    %mul3A_1226 = arith.mulf %select_n3A_758, %mul3A_1225 : vector<16x1024xf32>
    %add3A_1227 = vector.broadcast %slice3A_1218 : vector<1x1024xf32> to vector<16x1024xf32>
    %add3A_1228 = arith.addf %add3A_1227, %mul3A_1226 : vector<16x1024xf32>
    %slice3A_1229 = vector.extract_strided_slice %get3A_1035 {offsets = [2, 4], sizes = [1, 1], strides = [1, 1]} : vector<3x10xf32> to vector<1x1xf32>
    %mul3A_1230 = vector.broadcast %slice3A_1229 : vector<1x1xf32> to vector<16x1024xf32>
    %mul3A_1231 = arith.mulf %select_n3A_895, %mul3A_1230 : vector<16x1024xf32>
    %add3A_1232 = arith.addf %add3A_1223, %mul3A_1231 : vector<16x1024xf32>
    %slice3A_1233 = vector.extract_strided_slice %get3A_1041 {offsets = [2, 4], sizes = [1, 1], strides = [1, 1]} : vector<3x10xf32> to vector<1x1xf32>
    %mul3A_1234 = vector.broadcast %slice3A_1233 : vector<1x1xf32> to vector<16x1024xf32>
    %mul3A_1235 = arith.mulf %select_n3A_895, %mul3A_1234 : vector<16x1024xf32>
    %add3A_1236 = arith.addf %add3A_1228, %mul3A_1235 : vector<16x1024xf32>
    %slice3A_1237 = vector.extract_strided_slice %get3A_1035 {offsets = [2, 5], sizes = [1, 1], strides = [1, 1]} : vector<3x10xf32> to vector<1x1xf32>
    %mul3A_1238 = vector.broadcast %slice3A_1237 : vector<1x1xf32> to vector<16x1024xf32>
    %mul3A_1239 = arith.mulf %select_n3A_1032, %mul3A_1238 : vector<16x1024xf32>
    %add3A_1240 = arith.addf %add3A_1232, %mul3A_1239 : vector<16x1024xf32>
    %slice3A_1241 = vector.extract_strided_slice %get3A_1041 {offsets = [2, 5], sizes = [1, 1], strides = [1, 1]} : vector<3x10xf32> to vector<1x1xf32>
    %mul3A_1242 = vector.broadcast %slice3A_1241 : vector<1x1xf32> to vector<16x1024xf32>
    %mul3A_1243 = arith.mulf %select_n3A_1032, %mul3A_1242 : vector<16x1024xf32>
    %add3A_1244 = arith.addf %add3A_1236, %mul3A_1243 : vector<16x1024xf32>
    %slice3A_1245 = vector.extract_strided_slice %get3A_1035 {offsets = [2, 6], sizes = [1, 1], strides = [1, 1]} : vector<3x10xf32> to vector<1x1xf32>
    %mul3A_1246 = vector.broadcast %slice3A_1245 : vector<1x1xf32> to vector<16x1024xf32>
    %mul3A_1247 = arith.mulf %select_n3A_523, %mul3A_1246 : vector<16x1024xf32>
    %add3A_1248 = arith.addf %add3A_1240, %mul3A_1247 : vector<16x1024xf32>
    %slice3A_1249 = vector.extract_strided_slice %get3A_1041 {offsets = [2, 6], sizes = [1, 1], strides = [1, 1]} : vector<3x10xf32> to vector<1x1xf32>
    %mul3A_1250 = vector.broadcast %slice3A_1249 : vector<1x1xf32> to vector<16x1024xf32>
    %mul3A_1251 = arith.mulf %select_n3A_523, %mul3A_1250 : vector<16x1024xf32>
    %add3A_1252 = arith.addf %add3A_1244, %mul3A_1251 : vector<16x1024xf32>
    %slice3A_1253 = vector.extract_strided_slice %get3A_1035 {offsets = [2, 7], sizes = [1, 1], strides = [1, 1]} : vector<3x10xf32> to vector<1x1xf32>
    %mul3A_1254 = vector.broadcast %slice3A_1253 : vector<1x1xf32> to vector<16x1024xf32>
    %mul3A_1255 = arith.mulf %select_n3A_572, %mul3A_1254 : vector<16x1024xf32>
    %add3A_1256 = arith.addf %add3A_1248, %mul3A_1255 : vector<16x1024xf32>
    %slice3A_1257 = vector.extract_strided_slice %get3A_1041 {offsets = [2, 7], sizes = [1, 1], strides = [1, 1]} : vector<3x10xf32> to vector<1x1xf32>
    %mul3A_1258 = vector.broadcast %slice3A_1257 : vector<1x1xf32> to vector<16x1024xf32>
    %mul3A_1259 = arith.mulf %select_n3A_572, %mul3A_1258 : vector<16x1024xf32>
    %add3A_1260 = arith.addf %add3A_1252, %mul3A_1259 : vector<16x1024xf32>
    %slice3A_1261 = vector.extract_strided_slice %get3A_1035 {offsets = [2, 8], sizes = [1, 1], strides = [1, 1]} : vector<3x10xf32> to vector<1x1xf32>
    %mul3A_1262 = vector.broadcast %slice3A_1261 : vector<1x1xf32> to vector<16x1024xf32>
    %mul3A_1263 = arith.mulf %select_n3A_621, %mul3A_1262 : vector<16x1024xf32>
    %add3A_1264 = arith.addf %add3A_1256, %mul3A_1263 : vector<16x1024xf32>
    %slice3A_1265 = vector.extract_strided_slice %get3A_1041 {offsets = [2, 8], sizes = [1, 1], strides = [1, 1]} : vector<3x10xf32> to vector<1x1xf32>
    %mul3A_1266 = vector.broadcast %slice3A_1265 : vector<1x1xf32> to vector<16x1024xf32>
    %mul3A_1267 = arith.mulf %select_n3A_621, %mul3A_1266 : vector<16x1024xf32>
    %add3A_1268 = arith.addf %add3A_1260, %mul3A_1267 : vector<16x1024xf32>
    %slice3A_1269 = vector.extract_strided_slice %get3A_1035 {offsets = [2, 9], sizes = [1, 1], strides = [1, 1]} : vector<3x10xf32> to vector<1x1xf32>
    %mul3A_1270 = vector.broadcast %slice3A_1269 : vector<1x1xf32> to vector<16x1024xf32>
    %mul3A_1271 = arith.mulf %sqrt3A, %mul3A_1270 : vector<16x1024xf32>
    %add3A_1272 = arith.addf %add3A_1264, %mul3A_1271 : vector<16x1024xf32>
    %slice3A_1273 = vector.extract_strided_slice %get3A_1041 {offsets = [2, 9], sizes = [1, 1], strides = [1, 1]} : vector<3x10xf32> to vector<1x1xf32>
    %mul3A_1274 = vector.broadcast %slice3A_1273 : vector<1x1xf32> to vector<16x1024xf32>
    %mul3A_1275 = arith.mulf %sqrt3A, %mul3A_1274 : vector<16x1024xf32>
    %add3A_1276 = arith.addf %add3A_1268, %mul3A_1275 : vector<16x1024xf32>
    %neg3A_1277 = arith.constant 0.000000e+00 : f32
    %neg3A_1278 = vector.broadcast %neg3A_1277 : f32 to vector<16x1024xf32>
    %neg3A_1279 = arith.subf %neg3A_1278, %add3A_1272 : vector<16x1024xf32>
    %exp3A_1280 = math.exp %neg3A_1279 : vector<16x1024xf32>
    %add3A_1281 = arith.constant 1.000000e+00 : f32
    %add3A_1282 = vector.broadcast %add3A_1281 : f32 to vector<16x1024xf32>
    %add3A_1283 = arith.addf %add3A_1282, %exp3A_1280 : vector<16x1024xf32>
    %div3A_1284 = arith.constant 1.000000e+00 : f32
    %div3A_1285 = vector.broadcast %div3A_1284 : f32 to vector<16x1024xf32>
    %div3A_1286 = arith.divf %div3A_1285, %add3A_1283 : vector<16x1024xf32>
    %max3A_1287 = arith.constant 0.000000e+00 : f32
    %max3A_1288 = vector.broadcast %max3A_1287 : f32 to vector<16x1024xf32>
    %max3A_1289 = arith.maximumf %add3A_1276, %max3A_1288 : vector<16x1024xf32>
    %abs3A_1290 = math.absf %add3A_1276 : vector<16x1024xf32>
    %neg3A_1291 = arith.constant 0.000000e+00 : f32
    %neg3A_1292 = vector.broadcast %neg3A_1291 : f32 to vector<16x1024xf32>
    %neg3A_1293 = arith.subf %neg3A_1292, %abs3A_1290 : vector<16x1024xf32>
    %exp3A_1294 = math.exp %neg3A_1293 : vector<16x1024xf32>
    %log1p3A_1295 = math.log1p %exp3A_1294 : vector<16x1024xf32>
    %add3A_1296 = arith.addf %max3A_1289, %log1p3A_1295 : vector<16x1024xf32>
    %mul3A_1297 = arith.mulf %div3A_1286, %add3A_1296 : vector<16x1024xf32>
    %reduce_sum3A_1298 = arith.constant dense<0.000000e+00> : vector<1024xf32>
    %reduce_sum3A_1299 = vector.multi_reduction <add>, %mul3A_1297, %reduce_sum3A_1298 [0] : vector<16x1024xf32> to vector<1024xf32>
    %broadcast_in_dim3A_1300 = vector.shape_cast %reduce_sum3A_1299 : vector<1024xf32> to vector<1x1024xf32>
    %concatenate3A = tpu.concatenate %broadcast_in_dim3A_1132, %broadcast_in_dim3A_1216, %broadcast_in_dim3A_1300 in 0 : vector<1x1024xf32>, vector<1x1024xf32>, vector<1x1024xf32> -> vector<3x1024xf32>
    %add3A_1301 = arith.addf %get3A_13, %concatenate3A : vector<3x1024xf32>
    %get3A_1302 = arith.constant 0 : index
    %get3A_1303 = arith.constant 0 : index
    %get3A_1304 = vector.load %arg8[%get3A_1302, %get3A_1303] : memref<128x3xf32, #tpu.memory_space<vmem>>, vector<128x3xf32>
    %dot_general3A_1305 = arith.constant dense<0.000000e+00> : vector<128x1024xf32>
    %dot_general3A_1306 = tpu.matmul %get3A_1304, %add3A_1301, %dot_general3A_1305 {dimension_numbers = #tpu.dot_dimension_numbers<[1], [0], [0], [1], [0, 0, 1, 1], [], []>, transpose_lhs_hint = false} : vector<128x3xf32>, vector<3x1024xf32>, vector<128x1024xf32> -> vector<128x1024xf32>
    %get3A_1307 = arith.constant 0 : index
    %get3A_1308 = arith.constant 0 : index
    %get3A_1309 = vector.load %arg9[%get3A_1307, %get3A_1308] : memref<128x1xf32, #tpu.memory_space<vmem>>, vector<128x1xf32>
    %add3A_1310 = vector.broadcast %get3A_1309 : vector<128x1xf32> to vector<128x1024xf32>
    %add3A_1311 = arith.addf %dot_general3A_1306, %add3A_1310 : vector<128x1024xf32>
    %broadcast_in_dim3A_1312 = vector.shape_cast %select_n3A_523 : vector<16x1024xf32> to vector<1x16x1024xf32>
    %broadcast_in_dim3A_1313 = vector.shape_cast %select_n3A_572 : vector<16x1024xf32> to vector<1x16x1024xf32>
    %broadcast_in_dim3A_1314 = vector.shape_cast %select_n3A_621 : vector<16x1024xf32> to vector<1x16x1024xf32>
    %broadcast_in_dim3A_1315 = vector.shape_cast %sqrt3A : vector<16x1024xf32> to vector<1x16x1024xf32>
    %concatenate3A_1316 = tpu.concatenate %broadcast_in_dim3A_1312, %broadcast_in_dim3A_1313, %broadcast_in_dim3A_1314, %broadcast_in_dim3A_1315 in 0 : vector<1x16x1024xf32>, vector<1x16x1024xf32>, vector<1x16x1024xf32>, vector<1x16x1024xf32> -> vector<4x16x1024xf32>
    %swap3A_1317 = arith.constant 0 : index
    %swap3A_1318 = arith.constant 0 : index
    %swap3A_1319 = arith.constant 0 : index
    %swap3A_1320 = arith.constant 0 : index
    %swap3A_1321 = vector.load %arg11[%swap3A_1317, %swap3A_1318, %swap3A_1319, %swap3A_1320] : memref<1x4x16x1024xf32, #tpu.memory_space<vmem>>, vector<1x4x16x1024xf32>
    %swap3A_1322 = vector.shape_cast %swap3A_1321 : vector<1x4x16x1024xf32> to vector<4x16x1024xf32>
    %swap3A_1323 = vector.shape_cast %concatenate3A_1316 : vector<4x16x1024xf32> to vector<1x4x16x1024xf32>
    tpu.vector_store %arg11[%swap3A_1317, %swap3A_1318, %swap3A_1319, %swap3A_1320], %swap3A_1323 {strides = array<i32>} : memref<1x4x16x1024xf32, #tpu.memory_space<vmem>>, vector<1x4x16x1024xf32>,
    %swap3A_1324 = arith.constant 0 : index
    %swap3A_1325 = arith.constant 0 : index
    %swap3A_1326 = arith.constant 0 : index
    %swap3A_1327 = vector.load %arg12[%swap3A_1324, %swap3A_1325, %swap3A_1326] : memref<1x3x1024xf32, #tpu.memory_space<vmem>>, vector<1x3x1024xf32>
    %swap3A_1328 = vector.shape_cast %swap3A_1327 : vector<1x3x1024xf32> to vector<3x1024xf32>
    %swap3A_1329 = vector.shape_cast %add3A_1301 : vector<3x1024xf32> to vector<1x3x1024xf32>
    tpu.vector_store %arg12[%swap3A_1324, %swap3A_1325, %swap3A_1326], %swap3A_1329 {strides = array<i32>} : memref<1x3x1024xf32, #tpu.memory_space<vmem>>, vector<1x3x1024xf32>,
    %reduce_max3A = arith.constant dense<0xFF800000> : vector<128xf32>
    %reduce_max3A_1330 = vector.multi_reduction <maximumf>, %add3A_1311, %reduce_max3A [1] : vector<128x1024xf32> to vector<128xf32>
    %broadcast_in_dim3A_1331 = vector.shape_cast %reduce_max3A_1330 : vector<128xf32> to vector<128x1xf32>
    %swap3A_1332 = arith.constant 0 : index
    %swap3A_1333 = arith.constant 0 : index
    %swap3A_1334 = arith.constant 0 : index
    %swap3A_1335 = vector.load %arg13[%swap3A_1332, %swap3A_1333, %swap3A_1334] : memref<1x128x1xf32, #tpu.memory_space<vmem>>, vector<1x128x1xf32>
    %swap3A_1336 = vector.shape_cast %swap3A_1335 : vector<1x128x1xf32> to vector<128x1xf32>
    %swap3A_1337 = vector.shape_cast %broadcast_in_dim3A_1331 : vector<128x1xf32> to vector<1x128x1xf32>
    tpu.vector_store %arg13[%swap3A_1332, %swap3A_1333, %swap3A_1334], %swap3A_1337 {strides = array<i32>} : memref<1x128x1xf32, #tpu.memory_space<vmem>>, vector<1x128x1xf32>,
    return
  }
  func.func @transform_0(%arg0: i32) -> (i32, i32, i32) {
    %c0_i32 = arith.constant 0 : i32
    %c0_i32_0 = arith.constant 0 : i32
    %c0_i32_1 = arith.constant 0 : i32
    return %arg0, %c0_i32, %c0_i32_0 : i32, i32, i32
  }
  func.func @transform_1(%arg0: i32) -> (i32, i32, i32) {
    %c0_i32 = arith.constant 0 : i32
    %c0_i32_0 = arith.constant 0 : i32
    %c0_i32_1 = arith.constant 0 : i32
    return %arg0, %c0_i32, %c0_i32_0 : i32, i32, i32
  }
  func.func @transform_2(%arg0: i32) -> (i32, i32, i32) {
    %c0_i32 = arith.constant 0 : i32
    %c0_i32_0 = arith.constant 0 : i32
    %c0_i32_1 = arith.constant 0 : i32
    return %arg0, %c0_i32, %c0_i32_0 : i32, i32, i32
  }
  func.func @transform_3(%arg0: i32) -> (i32, i32) {
    %c0_i32 = arith.constant 0 : i32
    %c0_i32_0 = arith.constant 0 : i32
    %c0_i32_1 = arith.constant 0 : i32
    return %c0_i32, %c0_i32_0 : i32, i32
  }
  func.func @transform_4(%arg0: i32) -> (i32, i32) {
    %c0_i32 = arith.constant 0 : i32
    %c0_i32_0 = arith.constant 0 : i32
    %c0_i32_1 = arith.constant 0 : i32
    return %c0_i32, %c0_i32_0 : i32, i32
  }
  func.func @transform_5(%arg0: i32) -> (i32, i32) {
    %c0_i32 = arith.constant 0 : i32
    %c0_i32_0 = arith.constant 0 : i32
    %c0_i32_1 = arith.constant 0 : i32
    return %c0_i32, %c0_i32_0 : i32, i32
  }
  func.func @transform_6(%arg0: i32) -> (i32, i32) {
    %c0_i32 = arith.constant 0 : i32
    %c0_i32_0 = arith.constant 0 : i32
    %c0_i32_1 = arith.constant 0 : i32
    return %c0_i32, %c0_i32_0 : i32, i32
  }
  func.func @transform_7(%arg0: i32) -> (i32, i32) {
    %c0_i32 = arith.constant 0 : i32
    %c0_i32_0 = arith.constant 0 : i32
    %c0_i32_1 = arith.constant 0 : i32
    return %c0_i32, %c0_i32_0 : i32, i32
  }
  func.func @transform_8(%arg0: i32) -> (i32, i32) {
    %c0_i32 = arith.constant 0 : i32
    %c0_i32_0 = arith.constant 0 : i32
    %c0_i32_1 = arith.constant 0 : i32
    return %c0_i32, %c0_i32_0 : i32, i32
  }
  func.func @transform_9(%arg0: i32) -> (i32, i32, i32) {
    %c0_i32 = arith.constant 0 : i32
    %c0_i32_0 = arith.constant 0 : i32
    %c0_i32_1 = arith.constant 0 : i32
    return %arg0, %c0_i32, %c0_i32_0 : i32, i32, i32
  }
  func.func @transform_10(%arg0: i32) -> (i32, i32, i32, i32) {
    %c0_i32 = arith.constant 0 : i32
    %c0_i32_0 = arith.constant 0 : i32
    %c0_i32_1 = arith.constant 0 : i32
    %c0_i32_2 = arith.constant 0 : i32
    return %arg0, %c0_i32, %c0_i32_0, %c0_i32_1 : i32, i32, i32, i32
  }
  func.func @transform_11(%arg0: i32) -> (i32, i32, i32) {
    %c0_i32 = arith.constant 0 : i32
    %c0_i32_0 = arith.constant 0 : i32
    %c0_i32_1 = arith.constant 0 : i32
    return %arg0, %c0_i32, %c0_i32_0 : i32, i32, i32
  }
  func.func @transform_12(%arg0: i32) -> (i32, i32, i32) {
    %c0_i32 = arith.constant 0 : i32
    %c0_i32_0 = arith.constant 0 : i32
    %c0_i32_1 = arith.constant 0 : i32
    return %arg0, %c0_i32, %c0_i32_0 : i32, i32, i32
  }
}

module attributes {stable_mosaic.version = 14 : i64} {
  func.func @body(%arg0: i32, %arg1: memref<3x1x16x1024xf32, #tpu.memory_space<vmem>>, %arg2: memref<1x4x16x1024xf32, #tpu.memory_space<vmem>>, %arg3: memref<1x3x1024xf32, #tpu.memory_space<vmem>>, %arg4: memref<3x10xf32, #tpu.memory_space<vmem>>, %arg5: memref<3x1xf32, #tpu.memory_space<vmem>>, %arg6: memref<3x10xf32, #tpu.memory_space<vmem>>, %arg7: memref<3x1xf32, #tpu.memory_space<vmem>>, %arg8: memref<128x3xf32, #tpu.memory_space<vmem>>, %arg9: memref<128x1xf32, #tpu.memory_space<vmem>>, %arg10: memref<1x3x1024xf32, #tpu.memory_space<vmem>>, %arg11: memref<1x128x1xf32, #tpu.memory_space<vmem>>) attributes {dimension_semantics = [#tpu.dimension_semantics<arbitrary>], iteration_bounds = array<i64: 16>, scalar_prefetch = 0 : i64, scratch_operands = 0 : i64, tpu.core_type = #tpu.core_type<tc>, window_params = [{transform_indices = @transform_0, window_bounds = array<i64: 3, 1, 16, 1024>}, {transform_indices = @transform_1, window_bounds = array<i64: 1, 4, 16, 1024>}, {transform_indices = @transform_2, window_bounds = array<i64: 1, 3, 1024>}, {pipeline_mode = #tpu.pipeline_mode<synchronous>, transform_indices = @transform_3, window_bounds = array<i64: 3, 10>}, {pipeline_mode = #tpu.pipeline_mode<synchronous>, transform_indices = @transform_4, window_bounds = array<i64: 3, 1>}, {pipeline_mode = #tpu.pipeline_mode<synchronous>, transform_indices = @transform_5, window_bounds = array<i64: 3, 10>}, {pipeline_mode = #tpu.pipeline_mode<synchronous>, transform_indices = @transform_6, window_bounds = array<i64: 3, 1>}, {pipeline_mode = #tpu.pipeline_mode<synchronous>, transform_indices = @transform_7, window_bounds = array<i64: 128, 3>}, {pipeline_mode = #tpu.pipeline_mode<synchronous>, transform_indices = @transform_8, window_bounds = array<i64: 128, 1>}, {transform_indices = @transform_9, window_bounds = array<i64: 1, 3, 1024>}, {transform_indices = @transform_10, window_bounds = array<i64: 1, 128, 1>}]} {
    %get3A = arith.constant 0 : index
    %get3A_0 = arith.constant 0 : index
    %get3A_1 = arith.constant 0 : index
    %get3A_2 = arith.constant 0 : index
    %get3A_3 = vector.load %arg1[%get3A, %get3A_0, %get3A_1, %get3A_2] : memref<3x1x16x1024xf32, #tpu.memory_space<vmem>>, vector<3x1x16x1024xf32>
    %squeeze3A = vector.shape_cast %get3A_3 : vector<3x1x16x1024xf32> to vector<3x16x1024xf32>
    %get3A_4 = arith.constant 0 : index
    %get3A_5 = arith.constant 0 : index
    %get3A_6 = arith.constant 0 : index
    %get3A_7 = arith.constant 0 : index
    %get3A_8 = vector.load %arg2[%get3A_4, %get3A_5, %get3A_6, %get3A_7] : memref<1x4x16x1024xf32, #tpu.memory_space<vmem>>, vector<1x4x16x1024xf32>
    %get3A_9 = vector.shape_cast %get3A_8 : vector<1x4x16x1024xf32> to vector<4x16x1024xf32>
    %get3A_10 = arith.constant 0 : index
    %get3A_11 = arith.constant 0 : index
    %get3A_12 = arith.constant 0 : index
    %get3A_13 = vector.load %arg3[%get3A_10, %get3A_11, %get3A_12] : memref<1x3x1024xf32, #tpu.memory_space<vmem>>, vector<1x3x1024xf32>
    %get3A_14 = vector.shape_cast %get3A_13 : vector<1x3x1024xf32> to vector<3x1024xf32>
    %get3A_15 = arith.constant 0 : index
    %get3A_16 = arith.constant 0 : index
    %get3A_17 = vector.load %arg4[%get3A_15, %get3A_16] : memref<3x10xf32, #tpu.memory_space<vmem>>, vector<3x10xf32>
    %get3A_18 = arith.constant 0 : index
    %get3A_19 = arith.constant 0 : index
    %get3A_20 = vector.load %arg5[%get3A_18, %get3A_19] : memref<3x1xf32, #tpu.memory_space<vmem>>, vector<3x1xf32>
    %get3A_21 = arith.constant 0 : index
    %get3A_22 = arith.constant 0 : index
    %get3A_23 = vector.load %arg6[%get3A_21, %get3A_22] : memref<3x10xf32, #tpu.memory_space<vmem>>, vector<3x10xf32>
    %get3A_24 = arith.constant 0 : index
    %get3A_25 = arith.constant 0 : index
    %get3A_26 = vector.load %arg7[%get3A_24, %get3A_25] : memref<3x1xf32, #tpu.memory_space<vmem>>, vector<3x1xf32>
    %get3A_27 = arith.constant 0 : index
    %get3A_28 = arith.constant 0 : index
    %get3A_29 = vector.load %arg8[%get3A_27, %get3A_28] : memref<128x3xf32, #tpu.memory_space<vmem>>, vector<128x3xf32>
    %get3A_30 = arith.constant 0 : index
    %get3A_31 = arith.constant 0 : index
    %get3A_32 = vector.load %arg9[%get3A_30, %get3A_31] : memref<128x1xf32, #tpu.memory_space<vmem>>, vector<128x1xf32>
    %slice3A = vector.extract_strided_slice %squeeze3A {offsets = [0, 0, 0], sizes = [1, 16, 1024], strides = [1, 1, 1]} : vector<3x16x1024xf32> to vector<1x16x1024xf32>
    %squeeze3A_33 = vector.shape_cast %slice3A : vector<1x16x1024xf32> to vector<16x1024xf32>
    %slice3A_34 = vector.extract_strided_slice %squeeze3A {offsets = [1, 0, 0], sizes = [1, 16, 1024], strides = [1, 1, 1]} : vector<3x16x1024xf32> to vector<1x16x1024xf32>
    %squeeze3A_35 = vector.shape_cast %slice3A_34 : vector<1x16x1024xf32> to vector<16x1024xf32>
    %slice3A_36 = vector.extract_strided_slice %squeeze3A {offsets = [2, 0, 0], sizes = [1, 16, 1024], strides = [1, 1, 1]} : vector<3x16x1024xf32> to vector<1x16x1024xf32>
    %squeeze3A_37 = vector.shape_cast %slice3A_36 : vector<1x16x1024xf32> to vector<16x1024xf32>
    %slice3A_38 = vector.extract_strided_slice %get3A_9 {offsets = [0, 0, 0], sizes = [1, 16, 1024], strides = [1, 1, 1]} : vector<4x16x1024xf32> to vector<1x16x1024xf32>
    %squeeze3A_39 = vector.shape_cast %slice3A_38 : vector<1x16x1024xf32> to vector<16x1024xf32>
    %slice3A_40 = vector.extract_strided_slice %get3A_9 {offsets = [1, 0, 0], sizes = [1, 16, 1024], strides = [1, 1, 1]} : vector<4x16x1024xf32> to vector<1x16x1024xf32>
    %squeeze3A_41 = vector.shape_cast %slice3A_40 : vector<1x16x1024xf32> to vector<16x1024xf32>
    %slice3A_42 = vector.extract_strided_slice %get3A_9 {offsets = [2, 0, 0], sizes = [1, 16, 1024], strides = [1, 1, 1]} : vector<4x16x1024xf32> to vector<1x16x1024xf32>
    %squeeze3A_43 = vector.shape_cast %slice3A_42 : vector<1x16x1024xf32> to vector<16x1024xf32>
    %slice3A_44 = vector.extract_strided_slice %get3A_9 {offsets = [3, 0, 0], sizes = [1, 16, 1024], strides = [1, 1, 1]} : vector<4x16x1024xf32> to vector<1x16x1024xf32>
    %squeeze3A_45 = vector.shape_cast %slice3A_44 : vector<1x16x1024xf32> to vector<16x1024xf32>
    %slice3A_46 = vector.extract_strided_slice %get3A_17 {offsets = [0, 0], sizes = [3, 3], strides = [1, 1]} : vector<3x10xf32> to vector<3x3xf32>
    %dot_general3A = arith.constant dense<0.000000e+00> : vector<3x1024xf32>
    %dot_general3A_47 = tpu.matmul %slice3A_46, %get3A_14, %dot_general3A {dimension_numbers = #tpu.dot_dimension_numbers<[1], [0], [0], [1], [0, 0, 1, 1], [], []>, transpose_lhs_hint = false} : vector<3x3xf32>, vector<3x1024xf32>, vector<3x1024xf32> -> vector<3x1024xf32>
    %add3A = vector.broadcast %get3A_20 : vector<3x1xf32> to vector<3x1024xf32>
    %add3A_48 = arith.addf %dot_general3A_47, %add3A : vector<3x1024xf32>
    %slice3A_49 = vector.extract_strided_slice %get3A_23 {offsets = [0, 0], sizes = [3, 3], strides = [1, 1]} : vector<3x10xf32> to vector<3x3xf32>
    %dot_general3A_50 = arith.constant dense<0.000000e+00> : vector<3x1024xf32>
    %dot_general3A_51 = tpu.matmul %slice3A_49, %get3A_14, %dot_general3A_50 {dimension_numbers = #tpu.dot_dimension_numbers<[1], [0], [0], [1], [0, 0, 1, 1], [], []>, transpose_lhs_hint = false} : vector<3x3xf32>, vector<3x1024xf32>, vector<3x1024xf32> -> vector<3x1024xf32>
    %add3A_52 = vector.broadcast %get3A_26 : vector<3x1xf32> to vector<3x1024xf32>
    %add3A_53 = arith.addf %dot_general3A_51, %add3A_52 : vector<3x1024xf32>
    %slice3A_54 = vector.extract_strided_slice %add3A_48 {offsets = [0, 0], sizes = [1, 1024], strides = [1, 1]} : vector<3x1024xf32> to vector<1x1024xf32>
    %slice3A_55 = vector.extract_strided_slice %add3A_53 {offsets = [0, 0], sizes = [1, 1024], strides = [1, 1]} : vector<3x1024xf32> to vector<1x1024xf32>
    %slice3A_56 = vector.extract_strided_slice %get3A_17 {offsets = [0, 3], sizes = [1, 1], strides = [1, 1]} : vector<3x10xf32> to vector<1x1xf32>
    %mul3A = vector.broadcast %slice3A_56 : vector<1x1xf32> to vector<16x1024xf32>
    %mul3A_57 = arith.mulf %squeeze3A_33, %mul3A : vector<16x1024xf32>
    %add3A_58 = vector.broadcast %slice3A_54 : vector<1x1024xf32> to vector<16x1024xf32>
    %add3A_59 = arith.addf %add3A_58, %mul3A_57 : vector<16x1024xf32>
    %slice3A_60 = vector.extract_strided_slice %get3A_23 {offsets = [0, 3], sizes = [1, 1], strides = [1, 1]} : vector<3x10xf32> to vector<1x1xf32>
    %mul3A_61 = vector.broadcast %slice3A_60 : vector<1x1xf32> to vector<16x1024xf32>
    %mul3A_62 = arith.mulf %squeeze3A_33, %mul3A_61 : vector<16x1024xf32>
    %add3A_63 = vector.broadcast %slice3A_55 : vector<1x1024xf32> to vector<16x1024xf32>
    %add3A_64 = arith.addf %add3A_63, %mul3A_62 : vector<16x1024xf32>
    %slice3A_65 = vector.extract_strided_slice %get3A_17 {offsets = [0, 4], sizes = [1, 1], strides = [1, 1]} : vector<3x10xf32> to vector<1x1xf32>
    %mul3A_66 = vector.broadcast %slice3A_65 : vector<1x1xf32> to vector<16x1024xf32>
    %mul3A_67 = arith.mulf %squeeze3A_35, %mul3A_66 : vector<16x1024xf32>
    %add3A_68 = arith.addf %add3A_59, %mul3A_67 : vector<16x1024xf32>
    %slice3A_69 = vector.extract_strided_slice %get3A_23 {offsets = [0, 4], sizes = [1, 1], strides = [1, 1]} : vector<3x10xf32> to vector<1x1xf32>
    %mul3A_70 = vector.broadcast %slice3A_69 : vector<1x1xf32> to vector<16x1024xf32>
    %mul3A_71 = arith.mulf %squeeze3A_35, %mul3A_70 : vector<16x1024xf32>
    %add3A_72 = arith.addf %add3A_64, %mul3A_71 : vector<16x1024xf32>
    %slice3A_73 = vector.extract_strided_slice %get3A_17 {offsets = [0, 5], sizes = [1, 1], strides = [1, 1]} : vector<3x10xf32> to vector<1x1xf32>
    %mul3A_74 = vector.broadcast %slice3A_73 : vector<1x1xf32> to vector<16x1024xf32>
    %mul3A_75 = arith.mulf %squeeze3A_37, %mul3A_74 : vector<16x1024xf32>
    %add3A_76 = arith.addf %add3A_68, %mul3A_75 : vector<16x1024xf32>
    %slice3A_77 = vector.extract_strided_slice %get3A_23 {offsets = [0, 5], sizes = [1, 1], strides = [1, 1]} : vector<3x10xf32> to vector<1x1xf32>
    %mul3A_78 = vector.broadcast %slice3A_77 : vector<1x1xf32> to vector<16x1024xf32>
    %mul3A_79 = arith.mulf %squeeze3A_37, %mul3A_78 : vector<16x1024xf32>
    %add3A_80 = arith.addf %add3A_72, %mul3A_79 : vector<16x1024xf32>
    %slice3A_81 = vector.extract_strided_slice %get3A_17 {offsets = [0, 6], sizes = [1, 1], strides = [1, 1]} : vector<3x10xf32> to vector<1x1xf32>
    %mul3A_82 = vector.broadcast %slice3A_81 : vector<1x1xf32> to vector<16x1024xf32>
    %mul3A_83 = arith.mulf %squeeze3A_39, %mul3A_82 : vector<16x1024xf32>
    %add3A_84 = arith.addf %add3A_76, %mul3A_83 : vector<16x1024xf32>
    %slice3A_85 = vector.extract_strided_slice %get3A_23 {offsets = [0, 6], sizes = [1, 1], strides = [1, 1]} : vector<3x10xf32> to vector<1x1xf32>
    %mul3A_86 = vector.broadcast %slice3A_85 : vector<1x1xf32> to vector<16x1024xf32>
    %mul3A_87 = arith.mulf %squeeze3A_39, %mul3A_86 : vector<16x1024xf32>
    %add3A_88 = arith.addf %add3A_80, %mul3A_87 : vector<16x1024xf32>
    %slice3A_89 = vector.extract_strided_slice %get3A_17 {offsets = [0, 7], sizes = [1, 1], strides = [1, 1]} : vector<3x10xf32> to vector<1x1xf32>
    %mul3A_90 = vector.broadcast %slice3A_89 : vector<1x1xf32> to vector<16x1024xf32>
    %mul3A_91 = arith.mulf %squeeze3A_41, %mul3A_90 : vector<16x1024xf32>
    %add3A_92 = arith.addf %add3A_84, %mul3A_91 : vector<16x1024xf32>
    %slice3A_93 = vector.extract_strided_slice %get3A_23 {offsets = [0, 7], sizes = [1, 1], strides = [1, 1]} : vector<3x10xf32> to vector<1x1xf32>
    %mul3A_94 = vector.broadcast %slice3A_93 : vector<1x1xf32> to vector<16x1024xf32>
    %mul3A_95 = arith.mulf %squeeze3A_41, %mul3A_94 : vector<16x1024xf32>
    %add3A_96 = arith.addf %add3A_88, %mul3A_95 : vector<16x1024xf32>
    %slice3A_97 = vector.extract_strided_slice %get3A_17 {offsets = [0, 8], sizes = [1, 1], strides = [1, 1]} : vector<3x10xf32> to vector<1x1xf32>
    %mul3A_98 = vector.broadcast %slice3A_97 : vector<1x1xf32> to vector<16x1024xf32>
    %mul3A_99 = arith.mulf %squeeze3A_43, %mul3A_98 : vector<16x1024xf32>
    %add3A_100 = arith.addf %add3A_92, %mul3A_99 : vector<16x1024xf32>
    %slice3A_101 = vector.extract_strided_slice %get3A_23 {offsets = [0, 8], sizes = [1, 1], strides = [1, 1]} : vector<3x10xf32> to vector<1x1xf32>
    %mul3A_102 = vector.broadcast %slice3A_101 : vector<1x1xf32> to vector<16x1024xf32>
    %mul3A_103 = arith.mulf %squeeze3A_43, %mul3A_102 : vector<16x1024xf32>
    %add3A_104 = arith.addf %add3A_96, %mul3A_103 : vector<16x1024xf32>
    %slice3A_105 = vector.extract_strided_slice %get3A_17 {offsets = [0, 9], sizes = [1, 1], strides = [1, 1]} : vector<3x10xf32> to vector<1x1xf32>
    %mul3A_106 = vector.broadcast %slice3A_105 : vector<1x1xf32> to vector<16x1024xf32>
    %mul3A_107 = arith.mulf %squeeze3A_45, %mul3A_106 : vector<16x1024xf32>
    %add3A_108 = arith.addf %add3A_100, %mul3A_107 : vector<16x1024xf32>
    %slice3A_109 = vector.extract_strided_slice %get3A_23 {offsets = [0, 9], sizes = [1, 1], strides = [1, 1]} : vector<3x10xf32> to vector<1x1xf32>
    %mul3A_110 = vector.broadcast %slice3A_109 : vector<1x1xf32> to vector<16x1024xf32>
    %mul3A_111 = arith.mulf %squeeze3A_45, %mul3A_110 : vector<16x1024xf32>
    %add3A_112 = arith.addf %add3A_104, %mul3A_111 : vector<16x1024xf32>
    %neg3A = arith.constant 0.000000e+00 : f32
    %neg3A_113 = vector.broadcast %neg3A : f32 to vector<16x1024xf32>
    %neg3A_114 = arith.subf %neg3A_113, %add3A_108 : vector<16x1024xf32>
    %exp3A = math.exp %neg3A_114 : vector<16x1024xf32>
    %add3A_115 = arith.constant 1.000000e+00 : f32
    %add3A_116 = vector.broadcast %add3A_115 : f32 to vector<16x1024xf32>
    %add3A_117 = arith.addf %add3A_116, %exp3A : vector<16x1024xf32>
    %div3A = arith.constant 1.000000e+00 : f32
    %div3A_118 = vector.broadcast %div3A : f32 to vector<16x1024xf32>
    %div3A_119 = arith.divf %div3A_118, %add3A_117 : vector<16x1024xf32>
    %max3A = arith.constant 0.000000e+00 : f32
    %max3A_120 = vector.broadcast %max3A : f32 to vector<16x1024xf32>
    %max3A_121 = arith.maximumf %add3A_112, %max3A_120 : vector<16x1024xf32>
    %abs3A = math.absf %add3A_112 : vector<16x1024xf32>
    %neg3A_122 = arith.constant 0.000000e+00 : f32
    %neg3A_123 = vector.broadcast %neg3A_122 : f32 to vector<16x1024xf32>
    %neg3A_124 = arith.subf %neg3A_123, %abs3A : vector<16x1024xf32>
    %exp3A_125 = math.exp %neg3A_124 : vector<16x1024xf32>
    %log1p3A = math.log1p %exp3A_125 : vector<16x1024xf32>
    %add3A_126 = arith.addf %max3A_121, %log1p3A : vector<16x1024xf32>
    %mul3A_127 = arith.mulf %div3A_119, %add3A_126 : vector<16x1024xf32>
    %reduce_sum3A = arith.constant dense<0.000000e+00> : vector<1024xf32>
    %reduce_sum3A_128 = vector.multi_reduction <add>, %mul3A_127, %reduce_sum3A [0] : vector<16x1024xf32> to vector<1024xf32>
    %broadcast_in_dim3A = vector.shape_cast %reduce_sum3A_128 : vector<1024xf32> to vector<1x1024xf32>
    %slice3A_129 = vector.extract_strided_slice %add3A_48 {offsets = [1, 0], sizes = [1, 1024], strides = [1, 1]} : vector<3x1024xf32> to vector<1x1024xf32>
    %slice3A_130 = vector.extract_strided_slice %add3A_53 {offsets = [1, 0], sizes = [1, 1024], strides = [1, 1]} : vector<3x1024xf32> to vector<1x1024xf32>
    %slice3A_131 = vector.extract_strided_slice %get3A_17 {offsets = [1, 3], sizes = [1, 1], strides = [1, 1]} : vector<3x10xf32> to vector<1x1xf32>
    %mul3A_132 = vector.broadcast %slice3A_131 : vector<1x1xf32> to vector<16x1024xf32>
    %mul3A_133 = arith.mulf %squeeze3A_33, %mul3A_132 : vector<16x1024xf32>
    %add3A_134 = vector.broadcast %slice3A_129 : vector<1x1024xf32> to vector<16x1024xf32>
    %add3A_135 = arith.addf %add3A_134, %mul3A_133 : vector<16x1024xf32>
    %slice3A_136 = vector.extract_strided_slice %get3A_23 {offsets = [1, 3], sizes = [1, 1], strides = [1, 1]} : vector<3x10xf32> to vector<1x1xf32>
    %mul3A_137 = vector.broadcast %slice3A_136 : vector<1x1xf32> to vector<16x1024xf32>
    %mul3A_138 = arith.mulf %squeeze3A_33, %mul3A_137 : vector<16x1024xf32>
    %add3A_139 = vector.broadcast %slice3A_130 : vector<1x1024xf32> to vector<16x1024xf32>
    %add3A_140 = arith.addf %add3A_139, %mul3A_138 : vector<16x1024xf32>
    %slice3A_141 = vector.extract_strided_slice %get3A_17 {offsets = [1, 4], sizes = [1, 1], strides = [1, 1]} : vector<3x10xf32> to vector<1x1xf32>
    %mul3A_142 = vector.broadcast %slice3A_141 : vector<1x1xf32> to vector<16x1024xf32>
    %mul3A_143 = arith.mulf %squeeze3A_35, %mul3A_142 : vector<16x1024xf32>
    %add3A_144 = arith.addf %add3A_135, %mul3A_143 : vector<16x1024xf32>
    %slice3A_145 = vector.extract_strided_slice %get3A_23 {offsets = [1, 4], sizes = [1, 1], strides = [1, 1]} : vector<3x10xf32> to vector<1x1xf32>
    %mul3A_146 = vector.broadcast %slice3A_145 : vector<1x1xf32> to vector<16x1024xf32>
    %mul3A_147 = arith.mulf %squeeze3A_35, %mul3A_146 : vector<16x1024xf32>
    %add3A_148 = arith.addf %add3A_140, %mul3A_147 : vector<16x1024xf32>
    %slice3A_149 = vector.extract_strided_slice %get3A_17 {offsets = [1, 5], sizes = [1, 1], strides = [1, 1]} : vector<3x10xf32> to vector<1x1xf32>
    %mul3A_150 = vector.broadcast %slice3A_149 : vector<1x1xf32> to vector<16x1024xf32>
    %mul3A_151 = arith.mulf %squeeze3A_37, %mul3A_150 : vector<16x1024xf32>
    %add3A_152 = arith.addf %add3A_144, %mul3A_151 : vector<16x1024xf32>
    %slice3A_153 = vector.extract_strided_slice %get3A_23 {offsets = [1, 5], sizes = [1, 1], strides = [1, 1]} : vector<3x10xf32> to vector<1x1xf32>
    %mul3A_154 = vector.broadcast %slice3A_153 : vector<1x1xf32> to vector<16x1024xf32>
    %mul3A_155 = arith.mulf %squeeze3A_37, %mul3A_154 : vector<16x1024xf32>
    %add3A_156 = arith.addf %add3A_148, %mul3A_155 : vector<16x1024xf32>
    %slice3A_157 = vector.extract_strided_slice %get3A_17 {offsets = [1, 6], sizes = [1, 1], strides = [1, 1]} : vector<3x10xf32> to vector<1x1xf32>
    %mul3A_158 = vector.broadcast %slice3A_157 : vector<1x1xf32> to vector<16x1024xf32>
    %mul3A_159 = arith.mulf %squeeze3A_39, %mul3A_158 : vector<16x1024xf32>
    %add3A_160 = arith.addf %add3A_152, %mul3A_159 : vector<16x1024xf32>
    %slice3A_161 = vector.extract_strided_slice %get3A_23 {offsets = [1, 6], sizes = [1, 1], strides = [1, 1]} : vector<3x10xf32> to vector<1x1xf32>
    %mul3A_162 = vector.broadcast %slice3A_161 : vector<1x1xf32> to vector<16x1024xf32>
    %mul3A_163 = arith.mulf %squeeze3A_39, %mul3A_162 : vector<16x1024xf32>
    %add3A_164 = arith.addf %add3A_156, %mul3A_163 : vector<16x1024xf32>
    %slice3A_165 = vector.extract_strided_slice %get3A_17 {offsets = [1, 7], sizes = [1, 1], strides = [1, 1]} : vector<3x10xf32> to vector<1x1xf32>
    %mul3A_166 = vector.broadcast %slice3A_165 : vector<1x1xf32> to vector<16x1024xf32>
    %mul3A_167 = arith.mulf %squeeze3A_41, %mul3A_166 : vector<16x1024xf32>
    %add3A_168 = arith.addf %add3A_160, %mul3A_167 : vector<16x1024xf32>
    %slice3A_169 = vector.extract_strided_slice %get3A_23 {offsets = [1, 7], sizes = [1, 1], strides = [1, 1]} : vector<3x10xf32> to vector<1x1xf32>
    %mul3A_170 = vector.broadcast %slice3A_169 : vector<1x1xf32> to vector<16x1024xf32>
    %mul3A_171 = arith.mulf %squeeze3A_41, %mul3A_170 : vector<16x1024xf32>
    %add3A_172 = arith.addf %add3A_164, %mul3A_171 : vector<16x1024xf32>
    %slice3A_173 = vector.extract_strided_slice %get3A_17 {offsets = [1, 8], sizes = [1, 1], strides = [1, 1]} : vector<3x10xf32> to vector<1x1xf32>
    %mul3A_174 = vector.broadcast %slice3A_173 : vector<1x1xf32> to vector<16x1024xf32>
    %mul3A_175 = arith.mulf %squeeze3A_43, %mul3A_174 : vector<16x1024xf32>
    %add3A_176 = arith.addf %add3A_168, %mul3A_175 : vector<16x1024xf32>
    %slice3A_177 = vector.extract_strided_slice %get3A_23 {offsets = [1, 8], sizes = [1, 1], strides = [1, 1]} : vector<3x10xf32> to vector<1x1xf32>
    %mul3A_178 = vector.broadcast %slice3A_177 : vector<1x1xf32> to vector<16x1024xf32>
    %mul3A_179 = arith.mulf %squeeze3A_43, %mul3A_178 : vector<16x1024xf32>
    %add3A_180 = arith.addf %add3A_172, %mul3A_179 : vector<16x1024xf32>
    %slice3A_181 = vector.extract_strided_slice %get3A_17 {offsets = [1, 9], sizes = [1, 1], strides = [1, 1]} : vector<3x10xf32> to vector<1x1xf32>
    %mul3A_182 = vector.broadcast %slice3A_181 : vector<1x1xf32> to vector<16x1024xf32>
    %mul3A_183 = arith.mulf %squeeze3A_45, %mul3A_182 : vector<16x1024xf32>
    %add3A_184 = arith.addf %add3A_176, %mul3A_183 : vector<16x1024xf32>
    %slice3A_185 = vector.extract_strided_slice %get3A_23 {offsets = [1, 9], sizes = [1, 1], strides = [1, 1]} : vector<3x10xf32> to vector<1x1xf32>
    %mul3A_186 = vector.broadcast %slice3A_185 : vector<1x1xf32> to vector<16x1024xf32>
    %mul3A_187 = arith.mulf %squeeze3A_45, %mul3A_186 : vector<16x1024xf32>
    %add3A_188 = arith.addf %add3A_180, %mul3A_187 : vector<16x1024xf32>
    %neg3A_189 = arith.constant 0.000000e+00 : f32
    %neg3A_190 = vector.broadcast %neg3A_189 : f32 to vector<16x1024xf32>
    %neg3A_191 = arith.subf %neg3A_190, %add3A_184 : vector<16x1024xf32>
    %exp3A_192 = math.exp %neg3A_191 : vector<16x1024xf32>
    %add3A_193 = arith.constant 1.000000e+00 : f32
    %add3A_194 = vector.broadcast %add3A_193 : f32 to vector<16x1024xf32>
    %add3A_195 = arith.addf %add3A_194, %exp3A_192 : vector<16x1024xf32>
    %div3A_196 = arith.constant 1.000000e+00 : f32
    %div3A_197 = vector.broadcast %div3A_196 : f32 to vector<16x1024xf32>
    %div3A_198 = arith.divf %div3A_197, %add3A_195 : vector<16x1024xf32>
    %max3A_199 = arith.constant 0.000000e+00 : f32
    %max3A_200 = vector.broadcast %max3A_199 : f32 to vector<16x1024xf32>
    %max3A_201 = arith.maximumf %add3A_188, %max3A_200 : vector<16x1024xf32>
    %abs3A_202 = math.absf %add3A_188 : vector<16x1024xf32>
    %neg3A_203 = arith.constant 0.000000e+00 : f32
    %neg3A_204 = vector.broadcast %neg3A_203 : f32 to vector<16x1024xf32>
    %neg3A_205 = arith.subf %neg3A_204, %abs3A_202 : vector<16x1024xf32>
    %exp3A_206 = math.exp %neg3A_205 : vector<16x1024xf32>
    %log1p3A_207 = math.log1p %exp3A_206 : vector<16x1024xf32>
    %add3A_208 = arith.addf %max3A_201, %log1p3A_207 : vector<16x1024xf32>
    %mul3A_209 = arith.mulf %div3A_198, %add3A_208 : vector<16x1024xf32>
    %reduce_sum3A_210 = arith.constant dense<0.000000e+00> : vector<1024xf32>
    %reduce_sum3A_211 = vector.multi_reduction <add>, %mul3A_209, %reduce_sum3A_210 [0] : vector<16x1024xf32> to vector<1024xf32>
    %broadcast_in_dim3A_212 = vector.shape_cast %reduce_sum3A_211 : vector<1024xf32> to vector<1x1024xf32>
    %slice3A_213 = vector.extract_strided_slice %add3A_48 {offsets = [2, 0], sizes = [1, 1024], strides = [1, 1]} : vector<3x1024xf32> to vector<1x1024xf32>
    %slice3A_214 = vector.extract_strided_slice %add3A_53 {offsets = [2, 0], sizes = [1, 1024], strides = [1, 1]} : vector<3x1024xf32> to vector<1x1024xf32>
    %slice3A_215 = vector.extract_strided_slice %get3A_17 {offsets = [2, 3], sizes = [1, 1], strides = [1, 1]} : vector<3x10xf32> to vector<1x1xf32>
    %mul3A_216 = vector.broadcast %slice3A_215 : vector<1x1xf32> to vector<16x1024xf32>
    %mul3A_217 = arith.mulf %squeeze3A_33, %mul3A_216 : vector<16x1024xf32>
    %add3A_218 = vector.broadcast %slice3A_213 : vector<1x1024xf32> to vector<16x1024xf32>
    %add3A_219 = arith.addf %add3A_218, %mul3A_217 : vector<16x1024xf32>
    %slice3A_220 = vector.extract_strided_slice %get3A_23 {offsets = [2, 3], sizes = [1, 1], strides = [1, 1]} : vector<3x10xf32> to vector<1x1xf32>
    %mul3A_221 = vector.broadcast %slice3A_220 : vector<1x1xf32> to vector<16x1024xf32>
    %mul3A_222 = arith.mulf %squeeze3A_33, %mul3A_221 : vector<16x1024xf32>
    %add3A_223 = vector.broadcast %slice3A_214 : vector<1x1024xf32> to vector<16x1024xf32>
    %add3A_224 = arith.addf %add3A_223, %mul3A_222 : vector<16x1024xf32>
    %slice3A_225 = vector.extract_strided_slice %get3A_17 {offsets = [2, 4], sizes = [1, 1], strides = [1, 1]} : vector<3x10xf32> to vector<1x1xf32>
    %mul3A_226 = vector.broadcast %slice3A_225 : vector<1x1xf32> to vector<16x1024xf32>
    %mul3A_227 = arith.mulf %squeeze3A_35, %mul3A_226 : vector<16x1024xf32>
    %add3A_228 = arith.addf %add3A_219, %mul3A_227 : vector<16x1024xf32>
    %slice3A_229 = vector.extract_strided_slice %get3A_23 {offsets = [2, 4], sizes = [1, 1], strides = [1, 1]} : vector<3x10xf32> to vector<1x1xf32>
    %mul3A_230 = vector.broadcast %slice3A_229 : vector<1x1xf32> to vector<16x1024xf32>
    %mul3A_231 = arith.mulf %squeeze3A_35, %mul3A_230 : vector<16x1024xf32>
    %add3A_232 = arith.addf %add3A_224, %mul3A_231 : vector<16x1024xf32>
    %slice3A_233 = vector.extract_strided_slice %get3A_17 {offsets = [2, 5], sizes = [1, 1], strides = [1, 1]} : vector<3x10xf32> to vector<1x1xf32>
    %mul3A_234 = vector.broadcast %slice3A_233 : vector<1x1xf32> to vector<16x1024xf32>
    %mul3A_235 = arith.mulf %squeeze3A_37, %mul3A_234 : vector<16x1024xf32>
    %add3A_236 = arith.addf %add3A_228, %mul3A_235 : vector<16x1024xf32>
    %slice3A_237 = vector.extract_strided_slice %get3A_23 {offsets = [2, 5], sizes = [1, 1], strides = [1, 1]} : vector<3x10xf32> to vector<1x1xf32>
    %mul3A_238 = vector.broadcast %slice3A_237 : vector<1x1xf32> to vector<16x1024xf32>
    %mul3A_239 = arith.mulf %squeeze3A_37, %mul3A_238 : vector<16x1024xf32>
    %add3A_240 = arith.addf %add3A_232, %mul3A_239 : vector<16x1024xf32>
    %slice3A_241 = vector.extract_strided_slice %get3A_17 {offsets = [2, 6], sizes = [1, 1], strides = [1, 1]} : vector<3x10xf32> to vector<1x1xf32>
    %mul3A_242 = vector.broadcast %slice3A_241 : vector<1x1xf32> to vector<16x1024xf32>
    %mul3A_243 = arith.mulf %squeeze3A_39, %mul3A_242 : vector<16x1024xf32>
    %add3A_244 = arith.addf %add3A_236, %mul3A_243 : vector<16x1024xf32>
    %slice3A_245 = vector.extract_strided_slice %get3A_23 {offsets = [2, 6], sizes = [1, 1], strides = [1, 1]} : vector<3x10xf32> to vector<1x1xf32>
    %mul3A_246 = vector.broadcast %slice3A_245 : vector<1x1xf32> to vector<16x1024xf32>
    %mul3A_247 = arith.mulf %squeeze3A_39, %mul3A_246 : vector<16x1024xf32>
    %add3A_248 = arith.addf %add3A_240, %mul3A_247 : vector<16x1024xf32>
    %slice3A_249 = vector.extract_strided_slice %get3A_17 {offsets = [2, 7], sizes = [1, 1], strides = [1, 1]} : vector<3x10xf32> to vector<1x1xf32>
    %mul3A_250 = vector.broadcast %slice3A_249 : vector<1x1xf32> to vector<16x1024xf32>
    %mul3A_251 = arith.mulf %squeeze3A_41, %mul3A_250 : vector<16x1024xf32>
    %add3A_252 = arith.addf %add3A_244, %mul3A_251 : vector<16x1024xf32>
    %slice3A_253 = vector.extract_strided_slice %get3A_23 {offsets = [2, 7], sizes = [1, 1], strides = [1, 1]} : vector<3x10xf32> to vector<1x1xf32>
    %mul3A_254 = vector.broadcast %slice3A_253 : vector<1x1xf32> to vector<16x1024xf32>
    %mul3A_255 = arith.mulf %squeeze3A_41, %mul3A_254 : vector<16x1024xf32>
    %add3A_256 = arith.addf %add3A_248, %mul3A_255 : vector<16x1024xf32>
    %slice3A_257 = vector.extract_strided_slice %get3A_17 {offsets = [2, 8], sizes = [1, 1], strides = [1, 1]} : vector<3x10xf32> to vector<1x1xf32>
    %mul3A_258 = vector.broadcast %slice3A_257 : vector<1x1xf32> to vector<16x1024xf32>
    %mul3A_259 = arith.mulf %squeeze3A_43, %mul3A_258 : vector<16x1024xf32>
    %add3A_260 = arith.addf %add3A_252, %mul3A_259 : vector<16x1024xf32>
    %slice3A_261 = vector.extract_strided_slice %get3A_23 {offsets = [2, 8], sizes = [1, 1], strides = [1, 1]} : vector<3x10xf32> to vector<1x1xf32>
    %mul3A_262 = vector.broadcast %slice3A_261 : vector<1x1xf32> to vector<16x1024xf32>
    %mul3A_263 = arith.mulf %squeeze3A_43, %mul3A_262 : vector<16x1024xf32>
    %add3A_264 = arith.addf %add3A_256, %mul3A_263 : vector<16x1024xf32>
    %slice3A_265 = vector.extract_strided_slice %get3A_17 {offsets = [2, 9], sizes = [1, 1], strides = [1, 1]} : vector<3x10xf32> to vector<1x1xf32>
    %mul3A_266 = vector.broadcast %slice3A_265 : vector<1x1xf32> to vector<16x1024xf32>
    %mul3A_267 = arith.mulf %squeeze3A_45, %mul3A_266 : vector<16x1024xf32>
    %add3A_268 = arith.addf %add3A_260, %mul3A_267 : vector<16x1024xf32>
    %slice3A_269 = vector.extract_strided_slice %get3A_23 {offsets = [2, 9], sizes = [1, 1], strides = [1, 1]} : vector<3x10xf32> to vector<1x1xf32>
    %mul3A_270 = vector.broadcast %slice3A_269 : vector<1x1xf32> to vector<16x1024xf32>
    %mul3A_271 = arith.mulf %squeeze3A_45, %mul3A_270 : vector<16x1024xf32>
    %add3A_272 = arith.addf %add3A_264, %mul3A_271 : vector<16x1024xf32>
    %neg3A_273 = arith.constant 0.000000e+00 : f32
    %neg3A_274 = vector.broadcast %neg3A_273 : f32 to vector<16x1024xf32>
    %neg3A_275 = arith.subf %neg3A_274, %add3A_268 : vector<16x1024xf32>
    %exp3A_276 = math.exp %neg3A_275 : vector<16x1024xf32>
    %add3A_277 = arith.constant 1.000000e+00 : f32
    %add3A_278 = vector.broadcast %add3A_277 : f32 to vector<16x1024xf32>
    %add3A_279 = arith.addf %add3A_278, %exp3A_276 : vector<16x1024xf32>
    %div3A_280 = arith.constant 1.000000e+00 : f32
    %div3A_281 = vector.broadcast %div3A_280 : f32 to vector<16x1024xf32>
    %div3A_282 = arith.divf %div3A_281, %add3A_279 : vector<16x1024xf32>
    %max3A_283 = arith.constant 0.000000e+00 : f32
    %max3A_284 = vector.broadcast %max3A_283 : f32 to vector<16x1024xf32>
    %max3A_285 = arith.maximumf %add3A_272, %max3A_284 : vector<16x1024xf32>
    %abs3A_286 = math.absf %add3A_272 : vector<16x1024xf32>
    %neg3A_287 = arith.constant 0.000000e+00 : f32
    %neg3A_288 = vector.broadcast %neg3A_287 : f32 to vector<16x1024xf32>
    %neg3A_289 = arith.subf %neg3A_288, %abs3A_286 : vector<16x1024xf32>
    %exp3A_290 = math.exp %neg3A_289 : vector<16x1024xf32>
    %log1p3A_291 = math.log1p %exp3A_290 : vector<16x1024xf32>
    %add3A_292 = arith.addf %max3A_285, %log1p3A_291 : vector<16x1024xf32>
    %mul3A_293 = arith.mulf %div3A_282, %add3A_292 : vector<16x1024xf32>
    %reduce_sum3A_294 = arith.constant dense<0.000000e+00> : vector<1024xf32>
    %reduce_sum3A_295 = vector.multi_reduction <add>, %mul3A_293, %reduce_sum3A_294 [0] : vector<16x1024xf32> to vector<1024xf32>
    %broadcast_in_dim3A_296 = vector.shape_cast %reduce_sum3A_295 : vector<1024xf32> to vector<1x1024xf32>
    %concatenate3A = tpu.concatenate %broadcast_in_dim3A, %broadcast_in_dim3A_212, %broadcast_in_dim3A_296 in 0 : vector<1x1024xf32>, vector<1x1024xf32>, vector<1x1024xf32> -> vector<3x1024xf32>
    %add3A_297 = arith.addf %get3A_14, %concatenate3A : vector<3x1024xf32>
    %dot_general3A_298 = arith.constant dense<0.000000e+00> : vector<128x1024xf32>
    %dot_general3A_299 = tpu.matmul %get3A_29, %add3A_297, %dot_general3A_298 {dimension_numbers = #tpu.dot_dimension_numbers<[1], [0], [0], [1], [0, 0, 1, 1], [], []>, transpose_lhs_hint = false} : vector<128x3xf32>, vector<3x1024xf32>, vector<128x1024xf32> -> vector<128x1024xf32>
    %add3A_300 = vector.broadcast %get3A_32 : vector<128x1xf32> to vector<128x1024xf32>
    %add3A_301 = arith.addf %dot_general3A_299, %add3A_300 : vector<128x1024xf32>
    %reduce_max3A = arith.constant dense<0xFF800000> : vector<128xf32>
    %reduce_max3A_302 = vector.multi_reduction <maximumf>, %add3A_301, %reduce_max3A [1] : vector<128x1024xf32> to vector<128xf32>
    %broadcast_in_dim3A_303 = vector.shape_cast %reduce_max3A_302 : vector<128xf32> to vector<128x1xf32>
    %swap3A = arith.constant 0 : index
    %swap3A_304 = arith.constant 0 : index
    %swap3A_305 = arith.constant 0 : index
    %swap3A_306 = vector.load %arg10[%swap3A, %swap3A_304, %swap3A_305] : memref<1x3x1024xf32, #tpu.memory_space<vmem>>, vector<1x3x1024xf32>
    %swap3A_307 = vector.shape_cast %swap3A_306 : vector<1x3x1024xf32> to vector<3x1024xf32>
    %swap3A_308 = vector.shape_cast %add3A_297 : vector<3x1024xf32> to vector<1x3x1024xf32>
    tpu.vector_store %arg10[%swap3A, %swap3A_304, %swap3A_305], %swap3A_308 {strides = array<i32>} : memref<1x3x1024xf32, #tpu.memory_space<vmem>>, vector<1x3x1024xf32>,
    %swap3A_309 = arith.constant 0 : index
    %swap3A_310 = arith.constant 0 : index
    %swap3A_311 = arith.constant 0 : index
    %swap3A_312 = vector.load %arg11[%swap3A_309, %swap3A_310, %swap3A_311] : memref<1x128x1xf32, #tpu.memory_space<vmem>>, vector<1x128x1xf32>
    %swap3A_313 = vector.shape_cast %swap3A_312 : vector<1x128x1xf32> to vector<128x1xf32>
    %swap3A_314 = vector.shape_cast %broadcast_in_dim3A_303 : vector<128x1xf32> to vector<1x128x1xf32>
    tpu.vector_store %arg11[%swap3A_309, %swap3A_310, %swap3A_311], %swap3A_314 {strides = array<i32>} : memref<1x128x1xf32, #tpu.memory_space<vmem>>, vector<1x128x1xf32>,
    return
  }
  func.func @transform_0(%arg0: i32) -> (i32, i32, i32, i32) {
    %c0_i32 = arith.constant 0 : i32
    %c0_i32_0 = arith.constant 0 : i32
    %c0_i32_1 = arith.constant 0 : i32
    %c0_i32_2 = arith.constant 0 : i32
    return %c0_i32, %arg0, %c0_i32_0, %c0_i32_1 : i32, i32, i32, i32
  }
  func.func @transform_1(%arg0: i32) -> (i32, i32, i32, i32) {
    %c0_i32 = arith.constant 0 : i32
    %c0_i32_0 = arith.constant 0 : i32
    %c0_i32_1 = arith.constant 0 : i32
    %c0_i32_2 = arith.constant 0 : i32
    return %arg0, %c0_i32, %c0_i32_0, %c0_i32_1 : i32, i32, i32, i32
  }
  func.func @transform_2(%arg0: i32) -> (i32, i32, i32) {
    %c0_i32 = arith.constant 0 : i32
    %c0_i32_0 = arith.constant 0 : i32
    %c0_i32_1 = arith.constant 0 : i32
    return %arg0, %c0_i32, %c0_i32_0 : i32, i32, i32
  }
  func.func @transform_3(%arg0: i32) -> (i32, i32) {
    %c0_i32 = arith.constant 0 : i32
    %c0_i32_0 = arith.constant 0 : i32
    %c0_i32_1 = arith.constant 0 : i32
    return %c0_i32, %c0_i32_0 : i32, i32
  }
  func.func @transform_4(%arg0: i32) -> (i32, i32) {
    %c0_i32 = arith.constant 0 : i32
    %c0_i32_0 = arith.constant 0 : i32
    %c0_i32_1 = arith.constant 0 : i32
    return %c0_i32, %c0_i32_0 : i32, i32
  }
  func.func @transform_5(%arg0: i32) -> (i32, i32) {
    %c0_i32 = arith.constant 0 : i32
    %c0_i32_0 = arith.constant 0 : i32
    %c0_i32_1 = arith.constant 0 : i32
    return %c0_i32, %c0_i32_0 : i32, i32
  }
  func.func @transform_6(%arg0: i32) -> (i32, i32) {
    %c0_i32 = arith.constant 0 : i32
    %c0_i32_0 = arith.constant 0 : i32
    %c0_i32_1 = arith.constant 0 : i32
    return %c0_i32, %c0_i32_0 : i32, i32
  }
  func.func @transform_7(%arg0: i32) -> (i32, i32) {
    %c0_i32 = arith.constant 0 : i32
    %c0_i32_0 = arith.constant 0 : i32
    %c0_i32_1 = arith.constant 0 : i32
    return %c0_i32, %c0_i32_0 : i32, i32
  }
  func.func @transform_8(%arg0: i32) -> (i32, i32) {
    %c0_i32 = arith.constant 0 : i32
    %c0_i32_0 = arith.constant 0 : i32
    %c0_i32_1 = arith.constant 0 : i32
    return %c0_i32, %c0_i32_0 : i32, i32
  }
  func.func @transform_9(%arg0: i32) -> (i32, i32, i32) {
    %c0_i32 = arith.constant 0 : i32
    %c0_i32_0 = arith.constant 0 : i32
    %c0_i32_1 = arith.constant 0 : i32
    return %arg0, %c0_i32, %c0_i32_0 : i32, i32, i32
  }
  func.func @transform_10(%arg0: i32) -> (i32, i32, i32) {
    %c0_i32 = arith.constant 0 : i32
    %c0_i32_0 = arith.constant 0 : i32
    %c0_i32_1 = arith.constant 0 : i32
    return %arg0, %c0_i32, %c0_i32_0 : i32, i32, i32
  }
}

module attributes {stable_mosaic.version = 14 : i64} {
  func.func @body(%arg0: i32, %arg1: memref<3x1x16x1024xf32, #tpu.memory_space<vmem>>, %arg2: memref<1x4x16x1024xf32, #tpu.memory_space<vmem>>, %arg3: memref<1x3x1024xf32, #tpu.memory_space<vmem>>, %arg4: memref<3x10xf32, #tpu.memory_space<vmem>>, %arg5: memref<3x1xf32, #tpu.memory_space<vmem>>, %arg6: memref<3x10xf32, #tpu.memory_space<vmem>>, %arg7: memref<3x1xf32, #tpu.memory_space<vmem>>, %arg8: memref<128x3xf32, #tpu.memory_space<vmem>>, %arg9: memref<128x1xf32, #tpu.memory_space<vmem>>, %arg10: memref<40x128xf32, #tpu.memory_space<vmem>>, %arg11: memref<40x1xf32, #tpu.memory_space<vmem>>, %arg12: memref<1x128x1xf32, #tpu.memory_space<vmem>>, %arg13: memref<1x128x1xf32, #tpu.memory_space<vmem>>, %arg14: memref<1x40x1xf32, #tpu.memory_space<vmem>>) attributes {dimension_semantics = [#tpu.dimension_semantics<arbitrary>], iteration_bounds = array<i64: 16>, scalar_prefetch = 0 : i64, scratch_operands = 0 : i64, tpu.core_type = #tpu.core_type<tc>, window_params = [{transform_indices = @transform_0, window_bounds = array<i64: 3, 1, 16, 1024>}, {transform_indices = @transform_1, window_bounds = array<i64: 1, 4, 16, 1024>}, {transform_indices = @transform_2, window_bounds = array<i64: 1, 3, 1024>}, {pipeline_mode = #tpu.pipeline_mode<synchronous>, transform_indices = @transform_3, window_bounds = array<i64: 3, 10>}, {pipeline_mode = #tpu.pipeline_mode<synchronous>, transform_indices = @transform_4, window_bounds = array<i64: 3, 1>}, {pipeline_mode = #tpu.pipeline_mode<synchronous>, transform_indices = @transform_5, window_bounds = array<i64: 3, 10>}, {pipeline_mode = #tpu.pipeline_mode<synchronous>, transform_indices = @transform_6, window_bounds = array<i64: 3, 1>}, {pipeline_mode = #tpu.pipeline_mode<synchronous>, transform_indices = @transform_7, window_bounds = array<i64: 128, 3>}, {pipeline_mode = #tpu.pipeline_mode<synchronous>, transform_indices = @transform_8, window_bounds = array<i64: 128, 1>}, {pipeline_mode = #tpu.pipeline_mode<synchronous>, transform_indices = @transform_9, window_bounds = array<i64: 40, 128>}, {pipeline_mode = #tpu.pipeline_mode<synchronous>, transform_indices = @transform_10, window_bounds = array<i64: 40, 1>}, {transform_indices = @transform_11, window_bounds = array<i64: 1, 128, 1>}, {transform_indices = @transform_12, window_bounds = array<i64: 1, 128, 1>}, {transform_indices = @transform_13, window_bounds = array<i64: 1, 40, 1>}]} {
    %get3A = arith.constant 0 : index
    %get3A_0 = arith.constant 0 : index
    %get3A_1 = arith.constant 0 : index
    %get3A_2 = arith.constant 0 : index
    %get3A_3 = vector.load %arg1[%get3A, %get3A_0, %get3A_1, %get3A_2] : memref<3x1x16x1024xf32, #tpu.memory_space<vmem>>, vector<3x1x16x1024xf32>
    %squeeze3A = vector.shape_cast %get3A_3 : vector<3x1x16x1024xf32> to vector<3x16x1024xf32>
    %get3A_4 = arith.constant 0 : index
    %get3A_5 = arith.constant 0 : index
    %get3A_6 = arith.constant 0 : index
    %get3A_7 = arith.constant 0 : index
    %get3A_8 = vector.load %arg2[%get3A_4, %get3A_5, %get3A_6, %get3A_7] : memref<1x4x16x1024xf32, #tpu.memory_space<vmem>>, vector<1x4x16x1024xf32>
    %get3A_9 = vector.shape_cast %get3A_8 : vector<1x4x16x1024xf32> to vector<4x16x1024xf32>
    %get3A_10 = arith.constant 0 : index
    %get3A_11 = arith.constant 0 : index
    %get3A_12 = arith.constant 0 : index
    %get3A_13 = vector.load %arg3[%get3A_10, %get3A_11, %get3A_12] : memref<1x3x1024xf32, #tpu.memory_space<vmem>>, vector<1x3x1024xf32>
    %get3A_14 = vector.shape_cast %get3A_13 : vector<1x3x1024xf32> to vector<3x1024xf32>
    %get3A_15 = arith.constant 0 : index
    %get3A_16 = arith.constant 0 : index
    %get3A_17 = vector.load %arg4[%get3A_15, %get3A_16] : memref<3x10xf32, #tpu.memory_space<vmem>>, vector<3x10xf32>
    %get3A_18 = arith.constant 0 : index
    %get3A_19 = arith.constant 0 : index
    %get3A_20 = vector.load %arg5[%get3A_18, %get3A_19] : memref<3x1xf32, #tpu.memory_space<vmem>>, vector<3x1xf32>
    %get3A_21 = arith.constant 0 : index
    %get3A_22 = arith.constant 0 : index
    %get3A_23 = vector.load %arg6[%get3A_21, %get3A_22] : memref<3x10xf32, #tpu.memory_space<vmem>>, vector<3x10xf32>
    %get3A_24 = arith.constant 0 : index
    %get3A_25 = arith.constant 0 : index
    %get3A_26 = vector.load %arg7[%get3A_24, %get3A_25] : memref<3x1xf32, #tpu.memory_space<vmem>>, vector<3x1xf32>
    %get3A_27 = arith.constant 0 : index
    %get3A_28 = arith.constant 0 : index
    %get3A_29 = vector.load %arg8[%get3A_27, %get3A_28] : memref<128x3xf32, #tpu.memory_space<vmem>>, vector<128x3xf32>
    %get3A_30 = arith.constant 0 : index
    %get3A_31 = arith.constant 0 : index
    %get3A_32 = vector.load %arg9[%get3A_30, %get3A_31] : memref<128x1xf32, #tpu.memory_space<vmem>>, vector<128x1xf32>
    %get3A_33 = arith.constant 0 : index
    %get3A_34 = arith.constant 0 : index
    %get3A_35 = vector.load %arg10[%get3A_33, %get3A_34] : memref<40x128xf32, #tpu.memory_space<vmem>>, vector<40x128xf32>
    %get3A_36 = arith.constant 0 : index
    %get3A_37 = arith.constant 0 : index
    %get3A_38 = vector.load %arg11[%get3A_36, %get3A_37] : memref<40x1xf32, #tpu.memory_space<vmem>>, vector<40x1xf32>
    %get3A_39 = arith.constant 0 : index
    %get3A_40 = arith.constant 0 : index
    %get3A_41 = arith.constant 0 : index
    %get3A_42 = vector.load %arg12[%get3A_39, %get3A_40, %get3A_41] : memref<1x128x1xf32, #tpu.memory_space<vmem>>, vector<1x128x1xf32>
    %get3A_43 = vector.shape_cast %get3A_42 : vector<1x128x1xf32> to vector<128x1xf32>
    %get3A_44 = arith.constant 0 : index
    %get3A_45 = arith.constant 0 : index
    %get3A_46 = arith.constant 0 : index
    %get3A_47 = vector.load %arg13[%get3A_44, %get3A_45, %get3A_46] : memref<1x128x1xf32, #tpu.memory_space<vmem>>, vector<1x128x1xf32>
    %get3A_48 = vector.shape_cast %get3A_47 : vector<1x128x1xf32> to vector<128x1xf32>
    %slice3A = vector.extract_strided_slice %squeeze3A {offsets = [0, 0, 0], sizes = [1, 16, 1024], strides = [1, 1, 1]} : vector<3x16x1024xf32> to vector<1x16x1024xf32>
    %squeeze3A_49 = vector.shape_cast %slice3A : vector<1x16x1024xf32> to vector<16x1024xf32>
    %slice3A_50 = vector.extract_strided_slice %squeeze3A {offsets = [1, 0, 0], sizes = [1, 16, 1024], strides = [1, 1, 1]} : vector<3x16x1024xf32> to vector<1x16x1024xf32>
    %squeeze3A_51 = vector.shape_cast %slice3A_50 : vector<1x16x1024xf32> to vector<16x1024xf32>
    %slice3A_52 = vector.extract_strided_slice %squeeze3A {offsets = [2, 0, 0], sizes = [1, 16, 1024], strides = [1, 1, 1]} : vector<3x16x1024xf32> to vector<1x16x1024xf32>
    %squeeze3A_53 = vector.shape_cast %slice3A_52 : vector<1x16x1024xf32> to vector<16x1024xf32>
    %slice3A_54 = vector.extract_strided_slice %get3A_9 {offsets = [0, 0, 0], sizes = [1, 16, 1024], strides = [1, 1, 1]} : vector<4x16x1024xf32> to vector<1x16x1024xf32>
    %squeeze3A_55 = vector.shape_cast %slice3A_54 : vector<1x16x1024xf32> to vector<16x1024xf32>
    %slice3A_56 = vector.extract_strided_slice %get3A_9 {offsets = [1, 0, 0], sizes = [1, 16, 1024], strides = [1, 1, 1]} : vector<4x16x1024xf32> to vector<1x16x1024xf32>
    %squeeze3A_57 = vector.shape_cast %slice3A_56 : vector<1x16x1024xf32> to vector<16x1024xf32>
    %slice3A_58 = vector.extract_strided_slice %get3A_9 {offsets = [2, 0, 0], sizes = [1, 16, 1024], strides = [1, 1, 1]} : vector<4x16x1024xf32> to vector<1x16x1024xf32>
    %squeeze3A_59 = vector.shape_cast %slice3A_58 : vector<1x16x1024xf32> to vector<16x1024xf32>
    %slice3A_60 = vector.extract_strided_slice %get3A_9 {offsets = [3, 0, 0], sizes = [1, 16, 1024], strides = [1, 1, 1]} : vector<4x16x1024xf32> to vector<1x16x1024xf32>
    %squeeze3A_61 = vector.shape_cast %slice3A_60 : vector<1x16x1024xf32> to vector<16x1024xf32>
    %slice3A_62 = vector.extract_strided_slice %get3A_17 {offsets = [0, 0], sizes = [3, 3], strides = [1, 1]} : vector<3x10xf32> to vector<3x3xf32>
    %dot_general3A = arith.constant dense<0.000000e+00> : vector<3x1024xf32>
    %dot_general3A_63 = tpu.matmul %slice3A_62, %get3A_14, %dot_general3A {dimension_numbers = #tpu.dot_dimension_numbers<[1], [0], [0], [1], [0, 0, 1, 1], [], []>, transpose_lhs_hint = false} : vector<3x3xf32>, vector<3x1024xf32>, vector<3x1024xf32> -> vector<3x1024xf32>
    %add3A = vector.broadcast %get3A_20 : vector<3x1xf32> to vector<3x1024xf32>
    %add3A_64 = arith.addf %dot_general3A_63, %add3A : vector<3x1024xf32>
    %slice3A_65 = vector.extract_strided_slice %get3A_23 {offsets = [0, 0], sizes = [3, 3], strides = [1, 1]} : vector<3x10xf32> to vector<3x3xf32>
    %dot_general3A_66 = arith.constant dense<0.000000e+00> : vector<3x1024xf32>
    %dot_general3A_67 = tpu.matmul %slice3A_65, %get3A_14, %dot_general3A_66 {dimension_numbers = #tpu.dot_dimension_numbers<[1], [0], [0], [1], [0, 0, 1, 1], [], []>, transpose_lhs_hint = false} : vector<3x3xf32>, vector<3x1024xf32>, vector<3x1024xf32> -> vector<3x1024xf32>
    %add3A_68 = vector.broadcast %get3A_26 : vector<3x1xf32> to vector<3x1024xf32>
    %add3A_69 = arith.addf %dot_general3A_67, %add3A_68 : vector<3x1024xf32>
    %slice3A_70 = vector.extract_strided_slice %add3A_64 {offsets = [0, 0], sizes = [1, 1024], strides = [1, 1]} : vector<3x1024xf32> to vector<1x1024xf32>
    %slice3A_71 = vector.extract_strided_slice %add3A_69 {offsets = [0, 0], sizes = [1, 1024], strides = [1, 1]} : vector<3x1024xf32> to vector<1x1024xf32>
    %slice3A_72 = vector.extract_strided_slice %get3A_17 {offsets = [0, 3], sizes = [1, 1], strides = [1, 1]} : vector<3x10xf32> to vector<1x1xf32>
    %mul3A = vector.broadcast %slice3A_72 : vector<1x1xf32> to vector<16x1024xf32>
    %mul3A_73 = arith.mulf %squeeze3A_49, %mul3A : vector<16x1024xf32>
    %add3A_74 = vector.broadcast %slice3A_70 : vector<1x1024xf32> to vector<16x1024xf32>
    %add3A_75 = arith.addf %add3A_74, %mul3A_73 : vector<16x1024xf32>
    %slice3A_76 = vector.extract_strided_slice %get3A_23 {offsets = [0, 3], sizes = [1, 1], strides = [1, 1]} : vector<3x10xf32> to vector<1x1xf32>
    %mul3A_77 = vector.broadcast %slice3A_76 : vector<1x1xf32> to vector<16x1024xf32>
    %mul3A_78 = arith.mulf %squeeze3A_49, %mul3A_77 : vector<16x1024xf32>
    %add3A_79 = vector.broadcast %slice3A_71 : vector<1x1024xf32> to vector<16x1024xf32>
    %add3A_80 = arith.addf %add3A_79, %mul3A_78 : vector<16x1024xf32>
    %slice3A_81 = vector.extract_strided_slice %get3A_17 {offsets = [0, 4], sizes = [1, 1], strides = [1, 1]} : vector<3x10xf32> to vector<1x1xf32>
    %mul3A_82 = vector.broadcast %slice3A_81 : vector<1x1xf32> to vector<16x1024xf32>
    %mul3A_83 = arith.mulf %squeeze3A_51, %mul3A_82 : vector<16x1024xf32>
    %add3A_84 = arith.addf %add3A_75, %mul3A_83 : vector<16x1024xf32>
    %slice3A_85 = vector.extract_strided_slice %get3A_23 {offsets = [0, 4], sizes = [1, 1], strides = [1, 1]} : vector<3x10xf32> to vector<1x1xf32>
    %mul3A_86 = vector.broadcast %slice3A_85 : vector<1x1xf32> to vector<16x1024xf32>
    %mul3A_87 = arith.mulf %squeeze3A_51, %mul3A_86 : vector<16x1024xf32>
    %add3A_88 = arith.addf %add3A_80, %mul3A_87 : vector<16x1024xf32>
    %slice3A_89 = vector.extract_strided_slice %get3A_17 {offsets = [0, 5], sizes = [1, 1], strides = [1, 1]} : vector<3x10xf32> to vector<1x1xf32>
    %mul3A_90 = vector.broadcast %slice3A_89 : vector<1x1xf32> to vector<16x1024xf32>
    %mul3A_91 = arith.mulf %squeeze3A_53, %mul3A_90 : vector<16x1024xf32>
    %add3A_92 = arith.addf %add3A_84, %mul3A_91 : vector<16x1024xf32>
    %slice3A_93 = vector.extract_strided_slice %get3A_23 {offsets = [0, 5], sizes = [1, 1], strides = [1, 1]} : vector<3x10xf32> to vector<1x1xf32>
    %mul3A_94 = vector.broadcast %slice3A_93 : vector<1x1xf32> to vector<16x1024xf32>
    %mul3A_95 = arith.mulf %squeeze3A_53, %mul3A_94 : vector<16x1024xf32>
    %add3A_96 = arith.addf %add3A_88, %mul3A_95 : vector<16x1024xf32>
    %slice3A_97 = vector.extract_strided_slice %get3A_17 {offsets = [0, 6], sizes = [1, 1], strides = [1, 1]} : vector<3x10xf32> to vector<1x1xf32>
    %mul3A_98 = vector.broadcast %slice3A_97 : vector<1x1xf32> to vector<16x1024xf32>
    %mul3A_99 = arith.mulf %squeeze3A_55, %mul3A_98 : vector<16x1024xf32>
    %add3A_100 = arith.addf %add3A_92, %mul3A_99 : vector<16x1024xf32>
    %slice3A_101 = vector.extract_strided_slice %get3A_23 {offsets = [0, 6], sizes = [1, 1], strides = [1, 1]} : vector<3x10xf32> to vector<1x1xf32>
    %mul3A_102 = vector.broadcast %slice3A_101 : vector<1x1xf32> to vector<16x1024xf32>
    %mul3A_103 = arith.mulf %squeeze3A_55, %mul3A_102 : vector<16x1024xf32>
    %add3A_104 = arith.addf %add3A_96, %mul3A_103 : vector<16x1024xf32>
    %slice3A_105 = vector.extract_strided_slice %get3A_17 {offsets = [0, 7], sizes = [1, 1], strides = [1, 1]} : vector<3x10xf32> to vector<1x1xf32>
    %mul3A_106 = vector.broadcast %slice3A_105 : vector<1x1xf32> to vector<16x1024xf32>
    %mul3A_107 = arith.mulf %squeeze3A_57, %mul3A_106 : vector<16x1024xf32>
    %add3A_108 = arith.addf %add3A_100, %mul3A_107 : vector<16x1024xf32>
    %slice3A_109 = vector.extract_strided_slice %get3A_23 {offsets = [0, 7], sizes = [1, 1], strides = [1, 1]} : vector<3x10xf32> to vector<1x1xf32>
    %mul3A_110 = vector.broadcast %slice3A_109 : vector<1x1xf32> to vector<16x1024xf32>
    %mul3A_111 = arith.mulf %squeeze3A_57, %mul3A_110 : vector<16x1024xf32>
    %add3A_112 = arith.addf %add3A_104, %mul3A_111 : vector<16x1024xf32>
    %slice3A_113 = vector.extract_strided_slice %get3A_17 {offsets = [0, 8], sizes = [1, 1], strides = [1, 1]} : vector<3x10xf32> to vector<1x1xf32>
    %mul3A_114 = vector.broadcast %slice3A_113 : vector<1x1xf32> to vector<16x1024xf32>
    %mul3A_115 = arith.mulf %squeeze3A_59, %mul3A_114 : vector<16x1024xf32>
    %add3A_116 = arith.addf %add3A_108, %mul3A_115 : vector<16x1024xf32>
    %slice3A_117 = vector.extract_strided_slice %get3A_23 {offsets = [0, 8], sizes = [1, 1], strides = [1, 1]} : vector<3x10xf32> to vector<1x1xf32>
    %mul3A_118 = vector.broadcast %slice3A_117 : vector<1x1xf32> to vector<16x1024xf32>
    %mul3A_119 = arith.mulf %squeeze3A_59, %mul3A_118 : vector<16x1024xf32>
    %add3A_120 = arith.addf %add3A_112, %mul3A_119 : vector<16x1024xf32>
    %slice3A_121 = vector.extract_strided_slice %get3A_17 {offsets = [0, 9], sizes = [1, 1], strides = [1, 1]} : vector<3x10xf32> to vector<1x1xf32>
    %mul3A_122 = vector.broadcast %slice3A_121 : vector<1x1xf32> to vector<16x1024xf32>
    %mul3A_123 = arith.mulf %squeeze3A_61, %mul3A_122 : vector<16x1024xf32>
    %add3A_124 = arith.addf %add3A_116, %mul3A_123 : vector<16x1024xf32>
    %slice3A_125 = vector.extract_strided_slice %get3A_23 {offsets = [0, 9], sizes = [1, 1], strides = [1, 1]} : vector<3x10xf32> to vector<1x1xf32>
    %mul3A_126 = vector.broadcast %slice3A_125 : vector<1x1xf32> to vector<16x1024xf32>
    %mul3A_127 = arith.mulf %squeeze3A_61, %mul3A_126 : vector<16x1024xf32>
    %add3A_128 = arith.addf %add3A_120, %mul3A_127 : vector<16x1024xf32>
    %neg3A = arith.constant 0.000000e+00 : f32
    %neg3A_129 = vector.broadcast %neg3A : f32 to vector<16x1024xf32>
    %neg3A_130 = arith.subf %neg3A_129, %add3A_124 : vector<16x1024xf32>
    %exp3A = math.exp %neg3A_130 : vector<16x1024xf32>
    %add3A_131 = arith.constant 1.000000e+00 : f32
    %add3A_132 = vector.broadcast %add3A_131 : f32 to vector<16x1024xf32>
    %add3A_133 = arith.addf %add3A_132, %exp3A : vector<16x1024xf32>
    %div3A = arith.constant 1.000000e+00 : f32
    %div3A_134 = vector.broadcast %div3A : f32 to vector<16x1024xf32>
    %div3A_135 = arith.divf %div3A_134, %add3A_133 : vector<16x1024xf32>
    %max3A = arith.constant 0.000000e+00 : f32
    %max3A_136 = vector.broadcast %max3A : f32 to vector<16x1024xf32>
    %max3A_137 = arith.maximumf %add3A_128, %max3A_136 : vector<16x1024xf32>
    %abs3A = math.absf %add3A_128 : vector<16x1024xf32>
    %neg3A_138 = arith.constant 0.000000e+00 : f32
    %neg3A_139 = vector.broadcast %neg3A_138 : f32 to vector<16x1024xf32>
    %neg3A_140 = arith.subf %neg3A_139, %abs3A : vector<16x1024xf32>
    %exp3A_141 = math.exp %neg3A_140 : vector<16x1024xf32>
    %log1p3A = math.log1p %exp3A_141 : vector<16x1024xf32>
    %add3A_142 = arith.addf %max3A_137, %log1p3A : vector<16x1024xf32>
    %mul3A_143 = arith.mulf %div3A_135, %add3A_142 : vector<16x1024xf32>
    %reduce_sum3A = arith.constant dense<0.000000e+00> : vector<1024xf32>
    %reduce_sum3A_144 = vector.multi_reduction <add>, %mul3A_143, %reduce_sum3A [0] : vector<16x1024xf32> to vector<1024xf32>
    %broadcast_in_dim3A = vector.shape_cast %reduce_sum3A_144 : vector<1024xf32> to vector<1x1024xf32>
    %slice3A_145 = vector.extract_strided_slice %add3A_64 {offsets = [1, 0], sizes = [1, 1024], strides = [1, 1]} : vector<3x1024xf32> to vector<1x1024xf32>
    %slice3A_146 = vector.extract_strided_slice %add3A_69 {offsets = [1, 0], sizes = [1, 1024], strides = [1, 1]} : vector<3x1024xf32> to vector<1x1024xf32>
    %slice3A_147 = vector.extract_strided_slice %get3A_17 {offsets = [1, 3], sizes = [1, 1], strides = [1, 1]} : vector<3x10xf32> to vector<1x1xf32>
    %mul3A_148 = vector.broadcast %slice3A_147 : vector<1x1xf32> to vector<16x1024xf32>
    %mul3A_149 = arith.mulf %squeeze3A_49, %mul3A_148 : vector<16x1024xf32>
    %add3A_150 = vector.broadcast %slice3A_145 : vector<1x1024xf32> to vector<16x1024xf32>
    %add3A_151 = arith.addf %add3A_150, %mul3A_149 : vector<16x1024xf32>
    %slice3A_152 = vector.extract_strided_slice %get3A_23 {offsets = [1, 3], sizes = [1, 1], strides = [1, 1]} : vector<3x10xf32> to vector<1x1xf32>
    %mul3A_153 = vector.broadcast %slice3A_152 : vector<1x1xf32> to vector<16x1024xf32>
    %mul3A_154 = arith.mulf %squeeze3A_49, %mul3A_153 : vector<16x1024xf32>
    %add3A_155 = vector.broadcast %slice3A_146 : vector<1x1024xf32> to vector<16x1024xf32>
    %add3A_156 = arith.addf %add3A_155, %mul3A_154 : vector<16x1024xf32>
    %slice3A_157 = vector.extract_strided_slice %get3A_17 {offsets = [1, 4], sizes = [1, 1], strides = [1, 1]} : vector<3x10xf32> to vector<1x1xf32>
    %mul3A_158 = vector.broadcast %slice3A_157 : vector<1x1xf32> to vector<16x1024xf32>
    %mul3A_159 = arith.mulf %squeeze3A_51, %mul3A_158 : vector<16x1024xf32>
    %add3A_160 = arith.addf %add3A_151, %mul3A_159 : vector<16x1024xf32>
    %slice3A_161 = vector.extract_strided_slice %get3A_23 {offsets = [1, 4], sizes = [1, 1], strides = [1, 1]} : vector<3x10xf32> to vector<1x1xf32>
    %mul3A_162 = vector.broadcast %slice3A_161 : vector<1x1xf32> to vector<16x1024xf32>
    %mul3A_163 = arith.mulf %squeeze3A_51, %mul3A_162 : vector<16x1024xf32>
    %add3A_164 = arith.addf %add3A_156, %mul3A_163 : vector<16x1024xf32>
    %slice3A_165 = vector.extract_strided_slice %get3A_17 {offsets = [1, 5], sizes = [1, 1], strides = [1, 1]} : vector<3x10xf32> to vector<1x1xf32>
    %mul3A_166 = vector.broadcast %slice3A_165 : vector<1x1xf32> to vector<16x1024xf32>
    %mul3A_167 = arith.mulf %squeeze3A_53, %mul3A_166 : vector<16x1024xf32>
    %add3A_168 = arith.addf %add3A_160, %mul3A_167 : vector<16x1024xf32>
    %slice3A_169 = vector.extract_strided_slice %get3A_23 {offsets = [1, 5], sizes = [1, 1], strides = [1, 1]} : vector<3x10xf32> to vector<1x1xf32>
    %mul3A_170 = vector.broadcast %slice3A_169 : vector<1x1xf32> to vector<16x1024xf32>
    %mul3A_171 = arith.mulf %squeeze3A_53, %mul3A_170 : vector<16x1024xf32>
    %add3A_172 = arith.addf %add3A_164, %mul3A_171 : vector<16x1024xf32>
    %slice3A_173 = vector.extract_strided_slice %get3A_17 {offsets = [1, 6], sizes = [1, 1], strides = [1, 1]} : vector<3x10xf32> to vector<1x1xf32>
    %mul3A_174 = vector.broadcast %slice3A_173 : vector<1x1xf32> to vector<16x1024xf32>
    %mul3A_175 = arith.mulf %squeeze3A_55, %mul3A_174 : vector<16x1024xf32>
    %add3A_176 = arith.addf %add3A_168, %mul3A_175 : vector<16x1024xf32>
    %slice3A_177 = vector.extract_strided_slice %get3A_23 {offsets = [1, 6], sizes = [1, 1], strides = [1, 1]} : vector<3x10xf32> to vector<1x1xf32>
    %mul3A_178 = vector.broadcast %slice3A_177 : vector<1x1xf32> to vector<16x1024xf32>
    %mul3A_179 = arith.mulf %squeeze3A_55, %mul3A_178 : vector<16x1024xf32>
    %add3A_180 = arith.addf %add3A_172, %mul3A_179 : vector<16x1024xf32>
    %slice3A_181 = vector.extract_strided_slice %get3A_17 {offsets = [1, 7], sizes = [1, 1], strides = [1, 1]} : vector<3x10xf32> to vector<1x1xf32>
    %mul3A_182 = vector.broadcast %slice3A_181 : vector<1x1xf32> to vector<16x1024xf32>
    %mul3A_183 = arith.mulf %squeeze3A_57, %mul3A_182 : vector<16x1024xf32>
    %add3A_184 = arith.addf %add3A_176, %mul3A_183 : vector<16x1024xf32>
    %slice3A_185 = vector.extract_strided_slice %get3A_23 {offsets = [1, 7], sizes = [1, 1], strides = [1, 1]} : vector<3x10xf32> to vector<1x1xf32>
    %mul3A_186 = vector.broadcast %slice3A_185 : vector<1x1xf32> to vector<16x1024xf32>
    %mul3A_187 = arith.mulf %squeeze3A_57, %mul3A_186 : vector<16x1024xf32>
    %add3A_188 = arith.addf %add3A_180, %mul3A_187 : vector<16x1024xf32>
    %slice3A_189 = vector.extract_strided_slice %get3A_17 {offsets = [1, 8], sizes = [1, 1], strides = [1, 1]} : vector<3x10xf32> to vector<1x1xf32>
    %mul3A_190 = vector.broadcast %slice3A_189 : vector<1x1xf32> to vector<16x1024xf32>
    %mul3A_191 = arith.mulf %squeeze3A_59, %mul3A_190 : vector<16x1024xf32>
    %add3A_192 = arith.addf %add3A_184, %mul3A_191 : vector<16x1024xf32>
    %slice3A_193 = vector.extract_strided_slice %get3A_23 {offsets = [1, 8], sizes = [1, 1], strides = [1, 1]} : vector<3x10xf32> to vector<1x1xf32>
    %mul3A_194 = vector.broadcast %slice3A_193 : vector<1x1xf32> to vector<16x1024xf32>
    %mul3A_195 = arith.mulf %squeeze3A_59, %mul3A_194 : vector<16x1024xf32>
    %add3A_196 = arith.addf %add3A_188, %mul3A_195 : vector<16x1024xf32>
    %slice3A_197 = vector.extract_strided_slice %get3A_17 {offsets = [1, 9], sizes = [1, 1], strides = [1, 1]} : vector<3x10xf32> to vector<1x1xf32>
    %mul3A_198 = vector.broadcast %slice3A_197 : vector<1x1xf32> to vector<16x1024xf32>
    %mul3A_199 = arith.mulf %squeeze3A_61, %mul3A_198 : vector<16x1024xf32>
    %add3A_200 = arith.addf %add3A_192, %mul3A_199 : vector<16x1024xf32>
    %slice3A_201 = vector.extract_strided_slice %get3A_23 {offsets = [1, 9], sizes = [1, 1], strides = [1, 1]} : vector<3x10xf32> to vector<1x1xf32>
    %mul3A_202 = vector.broadcast %slice3A_201 : vector<1x1xf32> to vector<16x1024xf32>
    %mul3A_203 = arith.mulf %squeeze3A_61, %mul3A_202 : vector<16x1024xf32>
    %add3A_204 = arith.addf %add3A_196, %mul3A_203 : vector<16x1024xf32>
    %neg3A_205 = arith.constant 0.000000e+00 : f32
    %neg3A_206 = vector.broadcast %neg3A_205 : f32 to vector<16x1024xf32>
    %neg3A_207 = arith.subf %neg3A_206, %add3A_200 : vector<16x1024xf32>
    %exp3A_208 = math.exp %neg3A_207 : vector<16x1024xf32>
    %add3A_209 = arith.constant 1.000000e+00 : f32
    %add3A_210 = vector.broadcast %add3A_209 : f32 to vector<16x1024xf32>
    %add3A_211 = arith.addf %add3A_210, %exp3A_208 : vector<16x1024xf32>
    %div3A_212 = arith.constant 1.000000e+00 : f32
    %div3A_213 = vector.broadcast %div3A_212 : f32 to vector<16x1024xf32>
    %div3A_214 = arith.divf %div3A_213, %add3A_211 : vector<16x1024xf32>
    %max3A_215 = arith.constant 0.000000e+00 : f32
    %max3A_216 = vector.broadcast %max3A_215 : f32 to vector<16x1024xf32>
    %max3A_217 = arith.maximumf %add3A_204, %max3A_216 : vector<16x1024xf32>
    %abs3A_218 = math.absf %add3A_204 : vector<16x1024xf32>
    %neg3A_219 = arith.constant 0.000000e+00 : f32
    %neg3A_220 = vector.broadcast %neg3A_219 : f32 to vector<16x1024xf32>
    %neg3A_221 = arith.subf %neg3A_220, %abs3A_218 : vector<16x1024xf32>
    %exp3A_222 = math.exp %neg3A_221 : vector<16x1024xf32>
    %log1p3A_223 = math.log1p %exp3A_222 : vector<16x1024xf32>
    %add3A_224 = arith.addf %max3A_217, %log1p3A_223 : vector<16x1024xf32>
    %mul3A_225 = arith.mulf %div3A_214, %add3A_224 : vector<16x1024xf32>
    %reduce_sum3A_226 = arith.constant dense<0.000000e+00> : vector<1024xf32>
    %reduce_sum3A_227 = vector.multi_reduction <add>, %mul3A_225, %reduce_sum3A_226 [0] : vector<16x1024xf32> to vector<1024xf32>
    %broadcast_in_dim3A_228 = vector.shape_cast %reduce_sum3A_227 : vector<1024xf32> to vector<1x1024xf32>
    %slice3A_229 = vector.extract_strided_slice %add3A_64 {offsets = [2, 0], sizes = [1, 1024], strides = [1, 1]} : vector<3x1024xf32> to vector<1x1024xf32>
    %slice3A_230 = vector.extract_strided_slice %add3A_69 {offsets = [2, 0], sizes = [1, 1024], strides = [1, 1]} : vector<3x1024xf32> to vector<1x1024xf32>
    %slice3A_231 = vector.extract_strided_slice %get3A_17 {offsets = [2, 3], sizes = [1, 1], strides = [1, 1]} : vector<3x10xf32> to vector<1x1xf32>
    %mul3A_232 = vector.broadcast %slice3A_231 : vector<1x1xf32> to vector<16x1024xf32>
    %mul3A_233 = arith.mulf %squeeze3A_49, %mul3A_232 : vector<16x1024xf32>
    %add3A_234 = vector.broadcast %slice3A_229 : vector<1x1024xf32> to vector<16x1024xf32>
    %add3A_235 = arith.addf %add3A_234, %mul3A_233 : vector<16x1024xf32>
    %slice3A_236 = vector.extract_strided_slice %get3A_23 {offsets = [2, 3], sizes = [1, 1], strides = [1, 1]} : vector<3x10xf32> to vector<1x1xf32>
    %mul3A_237 = vector.broadcast %slice3A_236 : vector<1x1xf32> to vector<16x1024xf32>
    %mul3A_238 = arith.mulf %squeeze3A_49, %mul3A_237 : vector<16x1024xf32>
    %add3A_239 = vector.broadcast %slice3A_230 : vector<1x1024xf32> to vector<16x1024xf32>
    %add3A_240 = arith.addf %add3A_239, %mul3A_238 : vector<16x1024xf32>
    %slice3A_241 = vector.extract_strided_slice %get3A_17 {offsets = [2, 4], sizes = [1, 1], strides = [1, 1]} : vector<3x10xf32> to vector<1x1xf32>
    %mul3A_242 = vector.broadcast %slice3A_241 : vector<1x1xf32> to vector<16x1024xf32>
    %mul3A_243 = arith.mulf %squeeze3A_51, %mul3A_242 : vector<16x1024xf32>
    %add3A_244 = arith.addf %add3A_235, %mul3A_243 : vector<16x1024xf32>
    %slice3A_245 = vector.extract_strided_slice %get3A_23 {offsets = [2, 4], sizes = [1, 1], strides = [1, 1]} : vector<3x10xf32> to vector<1x1xf32>
    %mul3A_246 = vector.broadcast %slice3A_245 : vector<1x1xf32> to vector<16x1024xf32>
    %mul3A_247 = arith.mulf %squeeze3A_51, %mul3A_246 : vector<16x1024xf32>
    %add3A_248 = arith.addf %add3A_240, %mul3A_247 : vector<16x1024xf32>
    %slice3A_249 = vector.extract_strided_slice %get3A_17 {offsets = [2, 5], sizes = [1, 1], strides = [1, 1]} : vector<3x10xf32> to vector<1x1xf32>
    %mul3A_250 = vector.broadcast %slice3A_249 : vector<1x1xf32> to vector<16x1024xf32>
    %mul3A_251 = arith.mulf %squeeze3A_53, %mul3A_250 : vector<16x1024xf32>
    %add3A_252 = arith.addf %add3A_244, %mul3A_251 : vector<16x1024xf32>
    %slice3A_253 = vector.extract_strided_slice %get3A_23 {offsets = [2, 5], sizes = [1, 1], strides = [1, 1]} : vector<3x10xf32> to vector<1x1xf32>
    %mul3A_254 = vector.broadcast %slice3A_253 : vector<1x1xf32> to vector<16x1024xf32>
    %mul3A_255 = arith.mulf %squeeze3A_53, %mul3A_254 : vector<16x1024xf32>
    %add3A_256 = arith.addf %add3A_248, %mul3A_255 : vector<16x1024xf32>
    %slice3A_257 = vector.extract_strided_slice %get3A_17 {offsets = [2, 6], sizes = [1, 1], strides = [1, 1]} : vector<3x10xf32> to vector<1x1xf32>
    %mul3A_258 = vector.broadcast %slice3A_257 : vector<1x1xf32> to vector<16x1024xf32>
    %mul3A_259 = arith.mulf %squeeze3A_55, %mul3A_258 : vector<16x1024xf32>
    %add3A_260 = arith.addf %add3A_252, %mul3A_259 : vector<16x1024xf32>
    %slice3A_261 = vector.extract_strided_slice %get3A_23 {offsets = [2, 6], sizes = [1, 1], strides = [1, 1]} : vector<3x10xf32> to vector<1x1xf32>
    %mul3A_262 = vector.broadcast %slice3A_261 : vector<1x1xf32> to vector<16x1024xf32>
    %mul3A_263 = arith.mulf %squeeze3A_55, %mul3A_262 : vector<16x1024xf32>
    %add3A_264 = arith.addf %add3A_256, %mul3A_263 : vector<16x1024xf32>
    %slice3A_265 = vector.extract_strided_slice %get3A_17 {offsets = [2, 7], sizes = [1, 1], strides = [1, 1]} : vector<3x10xf32> to vector<1x1xf32>
    %mul3A_266 = vector.broadcast %slice3A_265 : vector<1x1xf32> to vector<16x1024xf32>
    %mul3A_267 = arith.mulf %squeeze3A_57, %mul3A_266 : vector<16x1024xf32>
    %add3A_268 = arith.addf %add3A_260, %mul3A_267 : vector<16x1024xf32>
    %slice3A_269 = vector.extract_strided_slice %get3A_23 {offsets = [2, 7], sizes = [1, 1], strides = [1, 1]} : vector<3x10xf32> to vector<1x1xf32>
    %mul3A_270 = vector.broadcast %slice3A_269 : vector<1x1xf32> to vector<16x1024xf32>
    %mul3A_271 = arith.mulf %squeeze3A_57, %mul3A_270 : vector<16x1024xf32>
    %add3A_272 = arith.addf %add3A_264, %mul3A_271 : vector<16x1024xf32>
    %slice3A_273 = vector.extract_strided_slice %get3A_17 {offsets = [2, 8], sizes = [1, 1], strides = [1, 1]} : vector<3x10xf32> to vector<1x1xf32>
    %mul3A_274 = vector.broadcast %slice3A_273 : vector<1x1xf32> to vector<16x1024xf32>
    %mul3A_275 = arith.mulf %squeeze3A_59, %mul3A_274 : vector<16x1024xf32>
    %add3A_276 = arith.addf %add3A_268, %mul3A_275 : vector<16x1024xf32>
    %slice3A_277 = vector.extract_strided_slice %get3A_23 {offsets = [2, 8], sizes = [1, 1], strides = [1, 1]} : vector<3x10xf32> to vector<1x1xf32>
    %mul3A_278 = vector.broadcast %slice3A_277 : vector<1x1xf32> to vector<16x1024xf32>
    %mul3A_279 = arith.mulf %squeeze3A_59, %mul3A_278 : vector<16x1024xf32>
    %add3A_280 = arith.addf %add3A_272, %mul3A_279 : vector<16x1024xf32>
    %slice3A_281 = vector.extract_strided_slice %get3A_17 {offsets = [2, 9], sizes = [1, 1], strides = [1, 1]} : vector<3x10xf32> to vector<1x1xf32>
    %mul3A_282 = vector.broadcast %slice3A_281 : vector<1x1xf32> to vector<16x1024xf32>
    %mul3A_283 = arith.mulf %squeeze3A_61, %mul3A_282 : vector<16x1024xf32>
    %add3A_284 = arith.addf %add3A_276, %mul3A_283 : vector<16x1024xf32>
    %slice3A_285 = vector.extract_strided_slice %get3A_23 {offsets = [2, 9], sizes = [1, 1], strides = [1, 1]} : vector<3x10xf32> to vector<1x1xf32>
    %mul3A_286 = vector.broadcast %slice3A_285 : vector<1x1xf32> to vector<16x1024xf32>
    %mul3A_287 = arith.mulf %squeeze3A_61, %mul3A_286 : vector<16x1024xf32>
    %add3A_288 = arith.addf %add3A_280, %mul3A_287 : vector<16x1024xf32>
    %neg3A_289 = arith.constant 0.000000e+00 : f32
    %neg3A_290 = vector.broadcast %neg3A_289 : f32 to vector<16x1024xf32>
    %neg3A_291 = arith.subf %neg3A_290, %add3A_284 : vector<16x1024xf32>
    %exp3A_292 = math.exp %neg3A_291 : vector<16x1024xf32>
    %add3A_293 = arith.constant 1.000000e+00 : f32
    %add3A_294 = vector.broadcast %add3A_293 : f32 to vector<16x1024xf32>
    %add3A_295 = arith.addf %add3A_294, %exp3A_292 : vector<16x1024xf32>
    %div3A_296 = arith.constant 1.000000e+00 : f32
    %div3A_297 = vector.broadcast %div3A_296 : f32 to vector<16x1024xf32>
    %div3A_298 = arith.divf %div3A_297, %add3A_295 : vector<16x1024xf32>
    %max3A_299 = arith.constant 0.000000e+00 : f32
    %max3A_300 = vector.broadcast %max3A_299 : f32 to vector<16x1024xf32>
    %max3A_301 = arith.maximumf %add3A_288, %max3A_300 : vector<16x1024xf32>
    %abs3A_302 = math.absf %add3A_288 : vector<16x1024xf32>
    %neg3A_303 = arith.constant 0.000000e+00 : f32
    %neg3A_304 = vector.broadcast %neg3A_303 : f32 to vector<16x1024xf32>
    %neg3A_305 = arith.subf %neg3A_304, %abs3A_302 : vector<16x1024xf32>
    %exp3A_306 = math.exp %neg3A_305 : vector<16x1024xf32>
    %log1p3A_307 = math.log1p %exp3A_306 : vector<16x1024xf32>
    %add3A_308 = arith.addf %max3A_301, %log1p3A_307 : vector<16x1024xf32>
    %mul3A_309 = arith.mulf %div3A_298, %add3A_308 : vector<16x1024xf32>
    %reduce_sum3A_310 = arith.constant dense<0.000000e+00> : vector<1024xf32>
    %reduce_sum3A_311 = vector.multi_reduction <add>, %mul3A_309, %reduce_sum3A_310 [0] : vector<16x1024xf32> to vector<1024xf32>
    %broadcast_in_dim3A_312 = vector.shape_cast %reduce_sum3A_311 : vector<1024xf32> to vector<1x1024xf32>
    %concatenate3A = tpu.concatenate %broadcast_in_dim3A, %broadcast_in_dim3A_228, %broadcast_in_dim3A_312 in 0 : vector<1x1024xf32>, vector<1x1024xf32>, vector<1x1024xf32> -> vector<3x1024xf32>
    %add3A_313 = arith.addf %get3A_14, %concatenate3A : vector<3x1024xf32>
    %dot_general3A_314 = arith.constant dense<0.000000e+00> : vector<128x1024xf32>
    %dot_general3A_315 = tpu.matmul %get3A_29, %add3A_313, %dot_general3A_314 {dimension_numbers = #tpu.dot_dimension_numbers<[1], [0], [0], [1], [0, 0, 1, 1], [], []>, transpose_lhs_hint = false} : vector<128x3xf32>, vector<3x1024xf32>, vector<128x1024xf32> -> vector<128x1024xf32>
    %add3A_316 = vector.broadcast %get3A_32 : vector<128x1xf32> to vector<128x1024xf32>
    %add3A_317 = arith.addf %dot_general3A_315, %add3A_316 : vector<128x1024xf32>
    %reduce_max3A = arith.constant dense<0xFF800000> : vector<128xf32>
    %reduce_max3A_318 = vector.multi_reduction <maximumf>, %add3A_317, %reduce_max3A [1] : vector<128x1024xf32> to vector<128xf32>
    %broadcast_in_dim3A_319 = vector.shape_cast %reduce_max3A_318 : vector<128xf32> to vector<128x1xf32>
    %add3A_320 = arith.addf %get3A_43, %get3A_48 : vector<128x1xf32>
    %add3A_321 = arith.addf %add3A_320, %broadcast_in_dim3A_319 : vector<128x1xf32>
    %dot_general3A_322 = arith.constant dense<0.000000e+00> : vector<40x1xf32>
    %dot_general3A_323 = tpu.matmul %get3A_35, %add3A_321, %dot_general3A_322 {dimension_numbers = #tpu.dot_dimension_numbers<[1], [0], [0], [1], [0, 0, 1, 1], [], []>, transpose_lhs_hint = false} : vector<40x128xf32>, vector<128x1xf32>, vector<40x1xf32> -> vector<40x1xf32>
    %add3A_324 = arith.addf %dot_general3A_323, %get3A_38 : vector<40x1xf32>
    %swap3A = arith.constant 0 : index
    %swap3A_325 = arith.constant 0 : index
    %swap3A_326 = arith.constant 0 : index
    %swap3A_327 = vector.load %arg14[%swap3A, %swap3A_325, %swap3A_326] : memref<1x40x1xf32, #tpu.memory_space<vmem>>, vector<1x40x1xf32>
    %swap3A_328 = vector.shape_cast %swap3A_327 : vector<1x40x1xf32> to vector<40x1xf32>
    %swap3A_329 = vector.shape_cast %add3A_324 : vector<40x1xf32> to vector<1x40x1xf32>
    tpu.vector_store %arg14[%swap3A, %swap3A_325, %swap3A_326], %swap3A_329 {strides = array<i32>} : memref<1x40x1xf32, #tpu.memory_space<vmem>>, vector<1x40x1xf32>,
    return
  }
  func.func @transform_0(%arg0: i32) -> (i32, i32, i32, i32) {
    %c0_i32 = arith.constant 0 : i32
    %c0_i32_0 = arith.constant 0 : i32
    %c0_i32_1 = arith.constant 0 : i32
    %c0_i32_2 = arith.constant 0 : i32
    return %c0_i32, %arg0, %c0_i32_0, %c0_i32_1 : i32, i32, i32, i32
  }
  func.func @transform_1(%arg0: i32) -> (i32, i32, i32, i32) {
    %c0_i32 = arith.constant 0 : i32
    %c0_i32_0 = arith.constant 0 : i32
    %c0_i32_1 = arith.constant 0 : i32
    %c0_i32_2 = arith.constant 0 : i32
    return %arg0, %c0_i32, %c0_i32_0, %c0_i32_1 : i32, i32, i32, i32
  }
  func.func @transform_2(%arg0: i32) -> (i32, i32, i32) {
    %c0_i32 = arith.constant 0 : i32
    %c0_i32_0 = arith.constant 0 : i32
    %c0_i32_1 = arith.constant 0 : i32
    return %arg0, %c0_i32, %c0_i32_0 : i32, i32, i32
  }
  func.func @transform_3(%arg0: i32) -> (i32, i32) {
    %c0_i32 = arith.constant 0 : i32
    %c0_i32_0 = arith.constant 0 : i32
    %c0_i32_1 = arith.constant 0 : i32
    return %c0_i32, %c0_i32_0 : i32, i32
  }
  func.func @transform_4(%arg0: i32) -> (i32, i32) {
    %c0_i32 = arith.constant 0 : i32
    %c0_i32_0 = arith.constant 0 : i32
    %c0_i32_1 = arith.constant 0 : i32
    return %c0_i32, %c0_i32_0 : i32, i32
  }
  func.func @transform_5(%arg0: i32) -> (i32, i32) {
    %c0_i32 = arith.constant 0 : i32
    %c0_i32_0 = arith.constant 0 : i32
    %c0_i32_1 = arith.constant 0 : i32
    return %c0_i32, %c0_i32_0 : i32, i32
  }
  func.func @transform_6(%arg0: i32) -> (i32, i32) {
    %c0_i32 = arith.constant 0 : i32
    %c0_i32_0 = arith.constant 0 : i32
    %c0_i32_1 = arith.constant 0 : i32
    return %c0_i32, %c0_i32_0 : i32, i32
  }
  func.func @transform_7(%arg0: i32) -> (i32, i32) {
    %c0_i32 = arith.constant 0 : i32
    %c0_i32_0 = arith.constant 0 : i32
    %c0_i32_1 = arith.constant 0 : i32
    return %c0_i32, %c0_i32_0 : i32, i32
  }
  func.func @transform_8(%arg0: i32) -> (i32, i32) {
    %c0_i32 = arith.constant 0 : i32
    %c0_i32_0 = arith.constant 0 : i32
    %c0_i32_1 = arith.constant 0 : i32
    return %c0_i32, %c0_i32_0 : i32, i32
  }
  func.func @transform_9(%arg0: i32) -> (i32, i32) {
    %c0_i32 = arith.constant 0 : i32
    %c0_i32_0 = arith.constant 0 : i32
    %c0_i32_1 = arith.constant 0 : i32
    return %c0_i32, %c0_i32_0 : i32, i32
  }
  func.func @transform_10(%arg0: i32) -> (i32, i32) {
    %c0_i32 = arith.constant 0 : i32
    %c0_i32_0 = arith.constant 0 : i32
    %c0_i32_1 = arith.constant 0 : i32
    return %c0_i32, %c0_i32_0 : i32, i32
  }
  func.func @transform_11(%arg0: i32) -> (i32, i32, i32) {
    %c0_i32 = arith.constant 0 : i32
    %c0_i32_0 = arith.constant 0 : i32
    %c0_i32_1 = arith.constant 0 : i32
    return %arg0, %c0_i32, %c0_i32_0 : i32, i32, i32
  }
  func.func @transform_12(%arg0: i32) -> (i32, i32, i32) {
    %c0_i32 = arith.constant 0 : i32
    %c0_i32_0 = arith.constant 0 : i32
    %c0_i32_1 = arith.constant 0 : i32
    return %arg0, %c0_i32, %c0_i32_0 : i32, i32, i32
  }
  func.func @transform_13(%arg0: i32) -> (i32, i32, i32) {
    %c0_i32 = arith.constant 0 : i32
    %c0_i32_0 = arith.constant 0 : i32
    %c0_i32_1 = arith.constant 0 : i32
    return %arg0, %c0_i32, %c0_i32_0 : i32, i32, i32
  }
}

</mosaic_0001>

<sc_bundles>
// kernel: kernel.10.cloned.1.call-start
scs
__scs_entry_jumppad:
0x0: {  	(pc) =	sbr.rel $0x88, $3  }
0x1: {  	(tag) =	ssettag $0x0;
	lr =	simm.s32 $0x1  }
0x2: {  	[smem:$0x3F8F] =	sst lr;
	_ =	strace $0xD0000000  }
0x3: {  	_ = 	snop  }
0x4: {  	_ = 	snop  }
0x5: {  	_ = 	snop  }
0x6: {  	_ = 	snop  }
0x7: {  	_ = 	snop  }
__scs_overlays_trampoline_lowered:
0x8: {  	[smem:$0x3F9E] =	sst s0  }
0x9: {  	[smem:$0x3F9F] =	sst s1  }
0xa: {  	[smem:$0x3FA0] =	sst s2  }
0xb: {  	[smem:$0x3FA1] =	sst s3  }
0xc: {  	[smem:$0x3FA2] =	sst s4  }
0xd: {  	[smem:$0x3FA3] =	sst s5  }
0xe: {  	[smem:$0x3FA4] =	sst s6  }
0xf: {  	[smem:$0x3FA5] =	sst s7  }
0x10: {  	[smem:$0x3FA6] =	sst s8  }
0x11: {  	[smem:$0x3FA7] =	sst s9;
	s0 =	simm.s32 @!p0 $0x0  }
0x12: {  	s1 =	sld [smem:$0x3F8D];
	s0 =	simm.s32 @p0 $0x1  }
0x13: {  	[smem:$0x3FA8] =	sst s0;
	s0 =	simm.s32 @!p1 $0x0  }
0x14: {  	s2 =	sld [smem:$0x3F8C];
	s0 =	simm.s32 @p1 $0x1  }
0x15: {  	[smem:$0x3FA9] =	sst s0;
	s0 =	simm.s32 @!p2 $0x0  }
0x16: {  	s3 =	sld [smem:$0x3FDB];
	s0 =	simm.s32 @p2 $0x1  }
0x17: {  	s4 =	simm.s32 $0x1BF5;
	[smem:$0x3FAB] =	sst s0  }
0x18: {  	s0 =	sld [smem:$0x3F8E];
	_ =	swait.ge [sflag:s4], $0x0  }
0x19: {  	s7 =	sld [smem:$0x3F8F]  }
0x1a: {  	s8 =	sadd.s32 $0xFFFFE003, lr  }
0x1b: {  	s9 =	sadd.s32 $0xFFFFFEF7, lr;
	s5 =	simm.s32 $0xFFFFFFFF;
	p2 =	slt.u32 s8, $0xFFFFF086  }
0x1c: {  	p1 =	slt.u32 s9, $0xF7A;
	s5 =	simm.s32 @!p2 $0x0  }
0x1d: {  	s5 =	simm.s32 @p1 $0x1;
	p0 =	seq.s32 s7, s2  }
0x1e: {  	s7 =	smul.u32 @!p0 $0xF7A, s2;
	p2 =	seq.s32 @!p0 s5, $0x0  }
0x1f: {  	s9 =	smul.u32 $0xF7A, s1;
	s8 =	simm.s32 @!p0 $0x1BF5;
	p2 =	por !p2, p0  }
0x20: {  	[sflag:s8] =	ssyncset.s32 @!p0 $0xFFFFF086;
	s6 =	sadd.s32 @!p0 s3, s7;
	s7 =	simm.s32 @!p0 $0x108  }
0x21: {  	s3 =	sadd.s32 s3, s9;
	s6 =	sadd.s32 @!p0 $0x88, s6;
	s7 =	simm.s32 @p2 $0x1082  }
0x22: {  	[simem:s7], [sflag:s8] =	dma.local @!p0 [hbm:s6], $0xF7A  }
0x23: {  	s9 =	sor.u32 $0xD0000000, s2;
	s6 =	simm.s32 $0x108;
	_ =	swait.ge @!p0 [sflag:s8], $0x0  }
0x24: {  	s3 =	sadd.s32 $0x88, s3;
	s6 =	simm.s32 @!p1 $0x1082;
	[sflag:s4] =	ssyncset.s32 $0xFFFFF086  }
0x25: {  	[simem:s6], [sflag:s4] =	dma.local [hbm:s3], $0xF7A  }
0x26: {  	[smem:$0x3F8F] =	sst s1;
	(tag) =	ssettag s2;
	_ =	strace s9  }
0x27: {  	s1 =	sld [smem:$0x3F9F]  }
0x28: {  	s2 =	sld [smem:$0x3FA0]  }
0x29: {  	s4 =	sld [smem:$0x3FA2]  }
0x2a: {  	p0 =	seq.s32 s5, $0x0;
	s5 =	sld [smem:$0x3FA3]  }
0x2b: {  	s6 =	sld [smem:$0x3FA4]  }
0x2c: {  	s7 =	sld [smem:$0x3FA5]  }
0x2d: {  	s3 =	simm.s32 $0x108;
	s8 =	sld [smem:$0x3FA6]  }
0x2e: {  	s3 =	simm.s32 @!p0 $0x1082;
	s9 =	sld [smem:$0x3FA7]  }
0x2f: {  	lr =	sadd.s32 s0, s3;
	s0 =	sld [smem:$0x3F9E]  }
0x30: {  	s3 =	sld [smem:$0x3FA1]  }
0x31: {  	[smem:$0x3FAA] =	sst s10  }
0x32: {  	s10 =	sld [smem:$0x3FA8];
	_ =	sdelay $0x3  }
0x33: {  	p0 =	seq.s32 s10, $0x1;
	s10 =	sld [smem:$0x3FAA];
	_ =	sdelay $0x3  }
0x34: {  	[smem:$0x3FAA] =	sst s10  }
0x35: {  	s10 =	sld [smem:$0x3FA9];
	_ =	sdelay $0x3  }
0x36: {  	p1 =	seq.s32 s10, $0x1;
	s10 =	sld [smem:$0x3FAA];
	_ =	sdelay $0x3  }
0x37: {  	[smem:$0x3FAA] =	sst s10  }
0x38: {  	s10 =	sld [smem:$0x3FAB]  }
0x39: {  	_ = 	snop;
	(pc) =	sbr.ind lr, $3  }
0x3a: {  	_ = 	snop  }
0x3b: {  	_ = 	snop  }
0x3c: {  	p2 =	seq.s32 s10, $0x1;
	s10 =	sld [smem:$0x3FAA]  }
0x3d: {  	_ =	shalt  }
0x3e: {  	_ =	shalt  }
0x3f: {  	_ =	shalt  }
0x40: {  	_ =	shalt  }
0x41: {  	_ =	shalt  }
0x42: {  	_ =	shalt  }
0x43: {  	_ =	shalt  }
0x44: {  	_ =	shalt  }
0x45: {  	_ =	shalt  }
0x46: {  	_ =	shalt  }
0x47: {  	_ =	shalt  }
0x48: {  	_ =	shalt  }
0x49: {  	_ =	shalt  }
0x4a: {  	_ =	shalt  }
0x4b: {  	_ =	shalt  }
0x4c: {  	_ =	shalt  }
0x4d: {  	_ =	shalt  }
0x4e: {  	_ =	shalt  }
0x4f: {  	_ =	shalt  }
0x50: {  	_ =	shalt  }
0x51: {  	_ =	shalt  }
0x52: {  	_ =	shalt  }
0x53: {  	_ =	shalt  }
0x54: {  	_ =	shalt  }
0x55: {  	_ =	shalt  }
0x56: {  	_ =	shalt  }
0x57: {  	_ =	shalt  }
0x58: {  	_ =	shalt  }
0x59: {  	_ =	shalt  }
0x5a: {  	_ =	shalt  }
0x5b: {  	_ =	shalt  }
0x5c: {  	_ =	shalt  }
0x5d: {  	_ =	shalt  }
0x5e: {  	_ =	shalt  }
0x5f: {  	_ =	shalt  }
0x60: {  	_ =	shalt  }
0x61: {  	_ =	shalt  }
0x62: {  	_ =	shalt  }
0x63: {  	_ =	shalt  }
0x64: {  	_ =	shalt  }
0x65: {  	_ =	shalt  }
0x66: {  	_ =	shalt  }
0x67: {  	_ =	shalt  }
0x68: {  	_ =	shalt  }
0x69: {  	_ =	shalt  }
0x6a: {  	_ =	shalt  }
0x6b: {  	_ =	shalt  }
0x6c: {  	_ =	shalt  }
0x6d: {  	_ =	shalt  }
0x6e: {  	_ =	shalt  }
0x6f: {  	_ =	shalt  }
0x70: {  	_ =	shalt  }
0x71: {  	_ =	shalt  }
0x72: {  	_ =	shalt  }
0x73: {  	_ =	shalt  }
0x74: {  	_ =	shalt  }
0x75: {  	_ =	shalt  }
0x76: {  	_ =	shalt  }
0x77: {  	_ =	shalt  }
0x78: {  	_ =	shalt  }
0x79: {  	_ =	shalt  }
0x7a: {  	_ =	shalt  }
0x7b: {  	_ =	shalt  }
0x7c: {  	_ =	shalt  }
0x7d: {  	_ =	shalt  }
0x7e: {  	_ =	shalt  }
0x7f: {  	_ =	shalt  }
0x80: {  	_ =	shalt  }
0x81: {  	_ =	shalt  }
0x82: {  	_ =	shalt  }
0x83: {  	_ =	shalt  }
0x84: {  	_ =	shalt  }
0x85: {  	_ =	shalt  }
0x86: {  	_ =	shalt  }
0x87: {  	_ =	shalt  }
.Lfunc_end0:
.L_simem_size_0:
called_computation.1_lowered:
.L_overlay_start_0:
0x88: {  	s2 =	sld [smem:$0x3FD9]  }
0x89: {  	s3 =	sld [smem:$0x3FFE];
	_ =	sdelay $0x1  }
0x8a: {  	s1 =	srdreg.scid  }
0x8b: {  	s0 =	sand.u32 $0x1, s1  }
0x8c: {  	s16 =	sshll.u32 s0, $0xA;
	s2 =	sadd.s32 s3, s2  }
0x8d: {  	s2 =	sadd.s32 s2, s16  }
0x8e: {  	[smem:$0x3FB6] =	sst s2  }
0x8f: {  	_ = 	snop  }
0x90: {  	(tm) =	ssettm $0x1  }
0x91: {  	s17 =	sld [smem:$0x3FFB];
	_ =	sdelay $0x3  }
0x92: {  	_ =	strace s17  }
0x93: {  	s2 =	sld [smem:$0x3FFC];
	_ =	sdelay $0x3  }
0x94: {  	_ =	strace s2  }
0x95: {  	s2 =	sld [smem:$0x3FFD];
	_ =	sdelay $0x3  }
0x96: {  	_ =	strace s2  }
0x97: {  	_ =	strace $0x8FFFFFFF  }
0x98: {  	s18 =	sld [smem:$0x3FDB];
	_ =	sdelay $0x1  }
0x99: {  	s19 =	simm.s32 $_scs_section_size  }
0x9a: {  	s4 =	simm.s32 $_size__tile_overlayer_lowered;
	s5 =	simm.s32 $_tile_overlayer_lowered  }
0x9b: {  	s22 =	simm.s32 $0x1BFF;
	s21 =	sshll.u32 s5, $0x1;
	s2 =	sadd.s32 s19, s18  }
0x9c: {  	s6 =	simm.s32 $0x0;
	s20 =	sshll.u32 s4, $0x1;
	s4 =	sadd.s32 s21, s2  }
0x9d: {  	[timem:s6], [sflag:s22] =	dma.local [hbm:s4], s20  }
0x9e: {  	_ =	swait.ge [sflag:s22], s20  }
0x9f: {  	s3 =	ssub.s32 $0x0, s20;
	[sflag:s22] =	ssyncset.done $0x0  }
0xa0: {  	[sflag:s22] =	ssyncadd.s32 s3;
	_ =	sdelay $0x1  }
0xa1: {  	s23 =	simm.s32 $0x1B8B  }
0xa2: {  	_ =	swait.ge [sflag:s23], $0x1  }
0xa3: {  	[sflag:s23] =	ssyncset.done $0x0  }
0xa4: {  	s25 =	simm.s32 $0x1B8E;
	s24 =	sld [smem:$0x3FFE];
	[sflag:s23] =	ssyncadd.s32 $0xFFFFFFFF  }
0xa5: {  	s26 =	simm.s32 $execute0_lowered;
	[smem:$0x3FD2] =	sst s25  }
0xa6: {  	s4 =	sshll.u32 s26, $0x1;
	_ =	strace $0x80000049;
	[dreg:$0x1] =	wrdreg $0xFFFFFFFF  }
0xa7: {  	s28 =	simm.s32 $_size_execute0_lowered;
	s2 =	sadd.s32 s2, s4;
	[dreg:$0x0] =	wrdreg $0x0  }
0xa8: {  	s4 =	sshll.u32 s28, $0x1;
	[dreg:$0x2] =	wrdreg s2  }
0xa9: {  	[dreg:$0x3] =	wrdreg s4  }
0xaa: {  	[dreg:$0x4] =	wrdreg $0xC0  }
0xab: {  	_ =	task [dreg:s6], $0x5FFFF  }
0xac: {  	[dreg:$0x1] =	wrdreg $0xFFFFFFFF  }
0xad: {  	[dreg:$0x0] =	wrdreg $0x60  }
0xae: {  	[dreg:$0x2] =	wrdreg s24  }
0xaf: {  	[dreg:$0x3] =	wrdreg $0x9  }
0xb0: {  	_ =	task.clear_ibuf [dreg:s6], $0x4FFFF;
	_ =	strace $0x90000049  }
0xb1: {  	s29 =	simm.s32 $0x9;
	_ =	strace $0x8000004B  }
0xb2: {  	_ =	swait.ge [sflag:s29], $0x1  }
0xb3: {  	[sflag:s29] =	ssyncadd.s32 $0xFFFFFFFF  }
0xb4: {  	_ =	strace $0x9000004B  }
0xb5: {  	_ =	sfence  }
0xb6: {  	s30 =	sld [smem:$0x0];
	_ =	sdelay $0x2  }
0xb7: {  	s31 =	sshll.u32 s1, $0xD;
	s1 =	sshrl.u32 s1, $0x2  }
0xb8: {  	s3 =	sand.u32 $0x4000, s31;
	s1 =	sadd.s32 s1, s30  }
0xb9: {  	s0 =	sor.u32 s3, s0;
	s1 =	sshll.u32 s1, $0x11  }
0xba: {  	s0 =	sor.u32 s1, s0  }
0xbb: {  	s0 =	sadd.s32 $0x8F2B, s0  }
0xbc: {  	[sflag:s0] =	ssyncadd.remote.s32 $0x1  }
0xbd: {  	_ =	sfence.sel $0xFFFF  }
0xbe: {  	[dreg:$0x0] =	wrdreg $0xFFFFFFFF;
	(pc) =	sbr.abs _section_cstart, $3  }
0xbf: {  	[dreg:$0x1] =	wrdreg $0xFFFFFFFF  }
0xc0: {  	_ =	task.clear_ibuf [dreg:s6], $0x2FFFF;
	_ =	strace $0x9FFFFFFF  }
0xc1: {  	(tm) =	ssettm $0x7FFFFFFF  }
tec
execute0_lowered:
.L_overlay_start_1:
0x0: {  	(tag) =	ssettag $0x1  }
0x1: {  	s3 =	rddreg [dreg:$0x0];
	s2 =	srdreg.scid  }
0x2: {  	s0 =	rddreg [dreg:$0x1];
	s1 =	stileid.u32;
	s9 =	simm.s32 $0x2  }
0x3: {  	s10 =	simm.s32 $0x6000;
	s11 =	simm.s32 $0x2000;
	s12 =	simm.s32 $0x8000  }
0x4: {  	s13 =	simm.s32 $0x1;
	s14 =	simm.s32 $0xA000;
	s15 =	simm.s32 $0xC000  }
0x5: {  	s16 =	simm.s32 $0x0;
	s4 =	sand.u32 $0x1, s2;
	s2 =	simm.s32 $0x0  }
0x6: {  	s5 =	sshll.u32 s1, $0xB;
	s6 =	sshll.u32 s4, $0xA;
	[smem:$0x7FF] =	sst s2  }
0x7: {  	s4 =	ssub.s32 $0x2, s4;
	s5 =	sor.u32 s6, s5;
	_ =	strace $0x8000004A  }
0x8: {  	s31 =	sshrl.u32 s4, $0x1;
	s7 =	sadd.s32 s5, s3;
	s3 =	sadd.s32 $0x2800, s3  }
0x9: {  	s8 =	ssub.s32 s4, s31;
	s4 =	sadd.s32 $0x4000, s7;
	s5 =	sadd.s32 $0xC000, s7  }
0xa: {  	s6 =	sadd.s32 $0x14000, s7;
	s7 =	sadd.s32 $0x1C000, s7;
	s8 =	smax.u32 s8, $0x1  }
.LBB2_1:
0xb: {  	[tilespmem:s2], [sflag:$0x2] =	stream.linear.gather [hbm4b:s4+s2], $0x2000, $0x38;
	[tilespmem:$0xE000] =	vst v63  }
0xc: {  	_ =	swait.ge [sflag:s9], $0x2000  }
0xd: {  	[sflag:s9] =	ssyncset.done $0x0  }
0xe: {  	[sflag:s9] =	ssyncadd.s32 $0xFFFFE000  }
0xf: {  	v0 =	vld [tilespmem:s2+$0x0];
	_ =	sdelay $0x4  }
0x10: {  	v0 =	vmul.u32 $0x3, v0;
	_ =	sdelay $0x1  }
0x11: {  	s18 =	sand.u32 $0x1FF0, s2;
	[tilespmem:s11+$0x0] =	vst v0;
	v1 =	vadd.s32 $0x2, v0  }
0x12: {  	v0 =	vadd.s32 $0x1, v0;
	[tilespmem:s18+$0x6000] =	vst v1  }
0x13: {  	s17 =	simm.s32 $0x10;
	[tilespmem:s18+$0x4000] =	vst v0  }
0x14: {  	s19 =	simm.s32 $0x20;
	s20 =	simm.s32 $0x10;
	s18 =	simm.s32 $0x2000;
	v0 =	vld [tilespmem:s17+$0x0]  }
.LBB2_2:
0x15: {  	p0 =	sne.s32 s19, $0x1FF0;
	_ =	sdelay $0x3  }
0x16: {  	v0 =	vmul.u32 $0x3, v0  }
.Ltmp0:
0x17: {  	s18 =	sadd.s32 $0x10, s18;
	(pc) =	sbr.rel @p0 .LBB2_2-.Ltmp0, $4  }
0x18: {  	s21 =	sand.u32 $0x1FF0, s17;
	s17 =	smov.u32 s19;
	[tilespmem:s18+$0x0] =	vst v0;
	v1 =	vadd.s32 $0x1, v0;
	v0 =	vadd.s32 $0x2, v0  }
0x19: {  	[tilespmem:s21+$0x6000] =	vst v0  }
0x1a: {  	s20 =	sadd.s32 $0x10, s20;
	[tilespmem:s21+$0x4000] =	vst v1  }
0x1b: {  	s19 =	sadd.s32 $0x10, s19;
	v0 =	vld [tilespmem:s20+$0x0]  }
0x1c: {  	_ =	sdelay $0x3  }
0x1d: {  	v0 =	vmul.u32 $0x3, v0  }
0x1e: {  	s18 =	sadd.s32 $0x10, s18  }
0x1f: {  	s17 =	sand.u32 $0x1FF0, s17;
	[tilespmem:s18+$0x0] =	vst v0;
	v1 =	vadd.s32 $0x2, v0  }
0x20: {  	v0 =	vadd.s32 $0x1, v0;
	[tilespmem:s17+$0x6000] =	vst v1  }
0x21: {  	[tilespmem:s17+$0x4000] =	vst v0  }
0x22: {  	[tilespmem:s12], [sflag:$0x1] =	stream.indirect.gather [hbm4b:s3+s10], $0x1, s11, s10, $0xb8;
	[tilespmem:$0xE000] =	vst v63  }
0x23: {  	_ =	swait.ge [sflag:s13], $0x6000  }
0x24: {  	[sflag:s13] =	ssyncset.done $0x0  }
0x25: {  	[sflag:s13] =	ssyncadd.s32 $0xFFFFA000  }
0x26: {  	[hbm4b:s5+s2] =	stream.linear.scatter [tilespmem:s12], [sflag:$0x2], $0x2000, $0x38;
	[tilespmem:$0xE000] =	vst v63  }
0x27: {  	_ =	swait.ge [sflag:s9], $0x2000  }
0x28: {  	[sflag:s9] =	ssyncset.done $0x0  }
0x29: {  	[sflag:s9] =	ssyncadd.s32 $0xFFFFE000  }
0x2a: {  	[hbm4b:s6+s2] =	stream.linear.scatter [tilespmem:s14], [sflag:$0x2], $0x2000, $0x38;
	[tilespmem:$0xE000] =	vst v63  }
0x2b: {  	s16 =	sadd.s32 $0x1, s16;
	_ =	swait.ge [sflag:s9], $0x2000  }
0x2c: {  	p0 =	sne.s32 s16, s8;
	[sflag:s9] =	ssyncset.done $0x0  }
.Ltmp1:
0x2d: {  	[sflag:s9] =	ssyncadd.s32 $0xFFFFE000;
	(pc) =	sbr.rel @p0 .LBB2_1-.Ltmp1, $4  }
0x2e: {  	[hbm4b:s7+s2] =	stream.linear.scatter [tilespmem:s15], [sflag:$0x2], $0x2000, $0x38;
	[tilespmem:$0xE000] =	vst v63  }
0x2f: {  	_ =	swait.ge [sflag:s9], $0x2000  }
0x30: {  	[sflag:s9] =	ssyncset.done $0x0  }
0x31: {  	[sflag:s9] =	ssyncadd.s32 $0xFFFFE000  }
0x32: {  	_ =	sfence.sel $0x180000  }
0x33: {  	[bflag:$0x0] =	sbarrier.arrive $0xFFFF  }
0x34: {  	p0 =	sne.s32 s1, $0x0;
	_ =	strace $0x9000004A  }
0x35: {  	s0 =	sadd.s32 @!p0 $0x100000, s0;
	[bflag:$0x2] =	sbarrier.arrive $0xFFFF  }
0x36: {  	[sflag:s0] =	ssyncadd.tile.s32 @!p0 $0x1;
	_ =	shalt  }
.Lfunc_end2:
_tile_overlayer_lowered:
.L_overlay_start_2:
0x37: {  	(tag) =	ssettag $0x2  }
0x38: {  	s0 =	rddreg [dreg:$0x0];
	s2 =	stileid.u32  }
0x39: {  	s1 =	rddreg [dreg:$0x1];
	p0 =	sne.s32 s2, $0x0  }
0x3a: {  	s3 =	rddreg [dreg:$0x2];
	[bflag:$0x3] =	sbarrier.arrive $0xFFFF;
	s2 =	simm.s32 @!p0 $0x1C02  }
0x3b: {  	[timem:s3], [sflag:s2] =	dma.local @!p0 [hbm:s0], s1  }
0x3c: {  	s0 =	simm.s32 @!p0 $0x2  }
0x3d: {  	_ =	swait.ge @!p0 [sflag:s0], s1  }
0x3e: {  	s1 =	ssub.s32 @!p0 $0x0, s1;
	[sflag:s0] =	ssyncset.done @!p0 $0x0  }
0x3f: {  	[sflag:s0] =	ssyncadd.s32 @!p0 s1  }
0x40: {  	[bflag:$0x3] =	sbarrier.arrive $0xFFFF  }
0x41: {  	_ =	shalt  }

// kernel: kernel.7.cloned.1.call-start
scs
__scs_entry_jumppad:
0x0: {  	(pc) =	sbr.rel $0x88, $3  }
0x1: {  	(tag) =	ssettag $0x0;
	lr =	simm.s32 $0x1  }
0x2: {  	[smem:$0x3F8F] =	sst lr;
	_ =	strace $0xD0000000  }
0x3: {  	_ = 	snop  }
0x4: {  	_ = 	snop  }
0x5: {  	_ = 	snop  }
0x6: {  	_ = 	snop  }
0x7: {  	_ = 	snop  }
__scs_overlays_trampoline_lowered:
0x8: {  	[smem:$0x3F9E] =	sst s0  }
0x9: {  	[smem:$0x3F9F] =	sst s1  }
0xa: {  	[smem:$0x3FA0] =	sst s2  }
0xb: {  	[smem:$0x3FA1] =	sst s3  }
0xc: {  	[smem:$0x3FA2] =	sst s4  }
0xd: {  	[smem:$0x3FA3] =	sst s5  }
0xe: {  	[smem:$0x3FA4] =	sst s6  }
0xf: {  	[smem:$0x3FA5] =	sst s7  }
0x10: {  	[smem:$0x3FA6] =	sst s8  }
0x11: {  	[smem:$0x3FA7] =	sst s9;
	s0 =	simm.s32 @!p0 $0x0  }
0x12: {  	s1 =	sld [smem:$0x3F8D];
	s0 =	simm.s32 @p0 $0x1  }
0x13: {  	[smem:$0x3FA8] =	sst s0;
	s0 =	simm.s32 @!p1 $0x0  }
0x14: {  	s2 =	sld [smem:$0x3F8C];
	s0 =	simm.s32 @p1 $0x1  }
0x15: {  	[smem:$0x3FA9] =	sst s0;
	s0 =	simm.s32 @!p2 $0x0  }
0x16: {  	s3 =	sld [smem:$0x3FDB];
	s0 =	simm.s32 @p2 $0x1  }
0x17: {  	s4 =	simm.s32 $0x1BF5;
	[smem:$0x3FAB] =	sst s0  }
0x18: {  	s0 =	sld [smem:$0x3F8E];
	_ =	swait.ge [sflag:s4], $0x0  }
0x19: {  	s7 =	sld [smem:$0x3F8F]  }
0x1a: {  	s8 =	sadd.s32 $0xFFFFE003, lr  }
0x1b: {  	s9 =	sadd.s32 $0xFFFFFEF7, lr;
	s5 =	simm.s32 $0xFFFFFFFF;
	p2 =	slt.u32 s8, $0xFFFFF086  }
0x1c: {  	p1 =	slt.u32 s9, $0xF7A;
	s5 =	simm.s32 @!p2 $0x0  }
0x1d: {  	s5 =	simm.s32 @p1 $0x1;
	p0 =	seq.s32 s7, s2  }
0x1e: {  	s7 =	smul.u32 @!p0 $0xF7A, s2;
	p2 =	seq.s32 @!p0 s5, $0x0  }
0x1f: {  	s9 =	smul.u32 $0xF7A, s1;
	s8 =	simm.s32 @!p0 $0x1BF5;
	p2 =	por !p2, p0  }
0x20: {  	[sflag:s8] =	ssyncset.s32 @!p0 $0xFFFFF086;
	s6 =	sadd.s32 @!p0 s3, s7;
	s7 =	simm.s32 @!p0 $0x108  }
0x21: {  	s3 =	sadd.s32 s3, s9;
	s6 =	sadd.s32 @!p0 $0x88, s6;
	s7 =	simm.s32 @p2 $0x1082  }
0x22: {  	[simem:s7], [sflag:s8] =	dma.local @!p0 [hbm:s6], $0xF7A  }
0x23: {  	s9 =	sor.u32 $0xD0000000, s2;
	s6 =	simm.s32 $0x108;
	_ =	swait.ge @!p0 [sflag:s8], $0x0  }
0x24: {  	s3 =	sadd.s32 $0x88, s3;
	s6 =	simm.s32 @!p1 $0x1082;
	[sflag:s4] =	ssyncset.s32 $0xFFFFF086  }
0x25: {  	[simem:s6], [sflag:s4] =	dma.local [hbm:s3], $0xF7A  }
0x26: {  	[smem:$0x3F8F] =	sst s1;
	(tag) =	ssettag s2;
	_ =	strace s9  }
0x27: {  	s1 =	sld [smem:$0x3F9F]  }
0x28: {  	s2 =	sld [smem:$0x3FA0]  }
0x29: {  	s4 =	sld [smem:$0x3FA2]  }
0x2a: {  	p0 =	seq.s32 s5, $0x0;
	s5 =	sld [smem:$0x3FA3]  }
0x2b: {  	s6 =	sld [smem:$0x3FA4]  }
0x2c: {  	s7 =	sld [smem:$0x3FA5]  }
0x2d: {  	s3 =	simm.s32 $0x108;
	s8 =	sld [smem:$0x3FA6]  }
0x2e: {  	s3 =	simm.s32 @!p0 $0x1082;
	s9 =	sld [smem:$0x3FA7]  }
0x2f: {  	lr =	sadd.s32 s0, s3;
	s0 =	sld [smem:$0x3F9E]  }
0x30: {  	s3 =	sld [smem:$0x3FA1]  }
0x31: {  	[smem:$0x3FAA] =	sst s10  }
0x32: {  	s10 =	sld [smem:$0x3FA8];
	_ =	sdelay $0x3  }
0x33: {  	p0 =	seq.s32 s10, $0x1;
	s10 =	sld [smem:$0x3FAA];
	_ =	sdelay $0x3  }
0x34: {  	[smem:$0x3FAA] =	sst s10  }
0x35: {  	s10 =	sld [smem:$0x3FA9];
	_ =	sdelay $0x3  }
0x36: {  	p1 =	seq.s32 s10, $0x1;
	s10 =	sld [smem:$0x3FAA];
	_ =	sdelay $0x3  }
0x37: {  	[smem:$0x3FAA] =	sst s10  }
0x38: {  	s10 =	sld [smem:$0x3FAB]  }
0x39: {  	_ = 	snop;
	(pc) =	sbr.ind lr, $3  }
0x3a: {  	_ = 	snop  }
0x3b: {  	_ = 	snop  }
0x3c: {  	p2 =	seq.s32 s10, $0x1;
	s10 =	sld [smem:$0x3FAA]  }
0x3d: {  	_ =	shalt  }
0x3e: {  	_ =	shalt  }
0x3f: {  	_ =	shalt  }
0x40: {  	_ =	shalt  }
0x41: {  	_ =	shalt  }
0x42: {  	_ =	shalt  }
0x43: {  	_ =	shalt  }
0x44: {  	_ =	shalt  }
0x45: {  	_ =	shalt  }
0x46: {  	_ =	shalt  }
0x47: {  	_ =	shalt  }
0x48: {  	_ =	shalt  }
0x49: {  	_ =	shalt  }
0x4a: {  	_ =	shalt  }
0x4b: {  	_ =	shalt  }
0x4c: {  	_ =	shalt  }
0x4d: {  	_ =	shalt  }
0x4e: {  	_ =	shalt  }
0x4f: {  	_ =	shalt  }
0x50: {  	_ =	shalt  }
0x51: {  	_ =	shalt  }
0x52: {  	_ =	shalt  }
0x53: {  	_ =	shalt  }
0x54: {  	_ =	shalt  }
0x55: {  	_ =	shalt  }
0x56: {  	_ =	shalt  }
0x57: {  	_ =	shalt  }
0x58: {  	_ =	shalt  }
0x59: {  	_ =	shalt  }
0x5a: {  	_ =	shalt  }
0x5b: {  	_ =	shalt  }
0x5c: {  	_ =	shalt  }
0x5d: {  	_ =	shalt  }
0x5e: {  	_ =	shalt  }
0x5f: {  	_ =	shalt  }
0x60: {  	_ =	shalt  }
0x61: {  	_ =	shalt  }
0x62: {  	_ =	shalt  }
0x63: {  	_ =	shalt  }
0x64: {  	_ =	shalt  }
0x65: {  	_ =	shalt  }
0x66: {  	_ =	shalt  }
0x67: {  	_ =	shalt  }
0x68: {  	_ =	shalt  }
0x69: {  	_ =	shalt  }
0x6a: {  	_ =	shalt  }
0x6b: {  	_ =	shalt  }
0x6c: {  	_ =	shalt  }
0x6d: {  	_ =	shalt  }
0x6e: {  	_ =	shalt  }
0x6f: {  	_ =	shalt  }
0x70: {  	_ =	shalt  }
0x71: {  	_ =	shalt  }
0x72: {  	_ =	shalt  }
0x73: {  	_ =	shalt  }
0x74: {  	_ =	shalt  }
0x75: {  	_ =	shalt  }
0x76: {  	_ =	shalt  }
0x77: {  	_ =	shalt  }
0x78: {  	_ =	shalt  }
0x79: {  	_ =	shalt  }
0x7a: {  	_ =	shalt  }
0x7b: {  	_ =	shalt  }
0x7c: {  	_ =	shalt  }
0x7d: {  	_ =	shalt  }
0x7e: {  	_ =	shalt  }
0x7f: {  	_ =	shalt  }
0x80: {  	_ =	shalt  }
0x81: {  	_ =	shalt  }
0x82: {  	_ =	shalt  }
0x83: {  	_ =	shalt  }
0x84: {  	_ =	shalt  }
0x85: {  	_ =	shalt  }
0x86: {  	_ =	shalt  }
0x87: {  	_ =	shalt  }
.Lfunc_end0:
.L_simem_size_0:
called_computation_lowered:
.L_overlay_start_0:
0x88: {  	s2 =	sld [smem:$0x3FD9]  }
0x89: {  	s3 =	sld [smem:$0x3FFE];
	_ =	sdelay $0x1  }
0x8a: {  	s1 =	srdreg.scid  }
0x8b: {  	s0 =	sand.u32 $0x1, s1  }
0x8c: {  	s16 =	sshll.u32 s0, $0xA;
	s2 =	sadd.s32 s3, s2  }
0x8d: {  	s2 =	sadd.s32 s2, s16  }
0x8e: {  	[smem:$0x3FB6] =	sst s2  }
0x8f: {  	_ = 	snop  }
0x90: {  	(tm) =	ssettm $0x1  }
0x91: {  	s17 =	sld [smem:$0x3FFB];
	_ =	sdelay $0x3  }
0x92: {  	_ =	strace s17  }
0x93: {  	s2 =	sld [smem:$0x3FFC];
	_ =	sdelay $0x3  }
0x94: {  	_ =	strace s2  }
0x95: {  	s2 =	sld [smem:$0x3FFD];
	_ =	sdelay $0x3  }
0x96: {  	_ =	strace s2  }
0x97: {  	_ =	strace $0x8FFFFFFF  }
0x98: {  	s18 =	sld [smem:$0x3FDB];
	_ =	sdelay $0x1  }
0x99: {  	s19 =	simm.s32 $_scs_section_size  }
0x9a: {  	s4 =	simm.s32 $_size__tile_overlayer_lowered;
	s5 =	simm.s32 $_tile_overlayer_lowered  }
0x9b: {  	s22 =	simm.s32 $0x1BFF;
	s21 =	sshll.u32 s5, $0x1;
	s2 =	sadd.s32 s19, s18  }
0x9c: {  	s6 =	simm.s32 $0x0;
	s20 =	sshll.u32 s4, $0x1;
	s4 =	sadd.s32 s21, s2  }
0x9d: {  	[timem:s6], [sflag:s22] =	dma.local [hbm:s4], s20  }
0x9e: {  	_ =	swait.ge [sflag:s22], s20  }
0x9f: {  	s3 =	ssub.s32 $0x0, s20;
	[sflag:s22] =	ssyncset.done $0x0  }
0xa0: {  	[sflag:s22] =	ssyncadd.s32 s3;
	_ =	sdelay $0x1  }
0xa1: {  	s23 =	simm.s32 $0x1B8B  }
0xa2: {  	_ =	swait.ge [sflag:s23], $0x1  }
0xa3: {  	[sflag:s23] =	ssyncset.done $0x0  }
0xa4: {  	s25 =	simm.s32 $0x1B8E;
	s24 =	sld [smem:$0x3FFE];
	[sflag:s23] =	ssyncadd.s32 $0xFFFFFFFF  }
0xa5: {  	s26 =	simm.s32 $execute0_lowered;
	[smem:$0x3FD2] =	sst s25  }
0xa6: {  	s4 =	sshll.u32 s26, $0x1;
	_ =	strace $0x80000046;
	[dreg:$0x1] =	wrdreg $0xFFFFFFFF  }
0xa7: {  	s28 =	simm.s32 $_size_execute0_lowered;
	s2 =	sadd.s32 s2, s4;
	[dreg:$0x0] =	wrdreg $0x0  }
0xa8: {  	s4 =	sshll.u32 s28, $0x1;
	[dreg:$0x2] =	wrdreg s2  }
0xa9: {  	[dreg:$0x3] =	wrdreg s4  }
0xaa: {  	[dreg:$0x4] =	wrdreg $0xC0  }
0xab: {  	_ =	task [dreg:s6], $0x5FFFF  }
0xac: {  	[dreg:$0x1] =	wrdreg $0xFFFFFFFF  }
0xad: {  	[dreg:$0x0] =	wrdreg $0x60  }
0xae: {  	[dreg:$0x2] =	wrdreg s24  }
0xaf: {  	[dreg:$0x3] =	wrdreg $0x9  }
0xb0: {  	_ =	task.clear_ibuf [dreg:s6], $0x4FFFF;
	_ =	strace $0x90000046  }
0xb1: {  	s29 =	simm.s32 $0x9;
	_ =	strace $0x80000048  }
0xb2: {  	_ =	swait.ge [sflag:s29], $0x1  }
0xb3: {  	[sflag:s29] =	ssyncadd.s32 $0xFFFFFFFF  }
0xb4: {  	_ =	strace $0x90000048  }
0xb5: {  	_ =	sfence  }
0xb6: {  	s30 =	sld [smem:$0x0];
	_ =	sdelay $0x2  }
0xb7: {  	s31 =	sshll.u32 s1, $0xD;
	s1 =	sshrl.u32 s1, $0x2  }
0xb8: {  	s3 =	sand.u32 $0x4000, s31;
	s1 =	sadd.s32 s1, s30  }
0xb9: {  	s0 =	sor.u32 s3, s0;
	s1 =	sshll.u32 s1, $0x11  }
0xba: {  	s0 =	sor.u32 s1, s0  }
0xbb: {  	s0 =	sadd.s32 $0x8F2B, s0  }
0xbc: {  	[sflag:s0] =	ssyncadd.remote.s32 $0x1  }
0xbd: {  	_ =	sfence.sel $0xFFFF  }
0xbe: {  	[dreg:$0x0] =	wrdreg $0xFFFFFFFF;
	(pc) =	sbr.abs _section_cstart, $3  }
0xbf: {  	[dreg:$0x1] =	wrdreg $0xFFFFFFFF  }
0xc0: {  	_ =	task.clear_ibuf [dreg:s6], $0x2FFFF;
	_ =	strace $0x9FFFFFFF  }
0xc1: {  	(tm) =	ssettm $0x7FFFFFFF  }
tec
execute0_lowered:
.L_overlay_start_1:
0x0: {  	(tag) =	ssettag $0x1  }
0x1: {  	s3 =	rddreg [dreg:$0x0];
	s2 =	srdreg.scid  }
0x2: {  	s0 =	rddreg [dreg:$0x1];
	s1 =	stileid.u32;
	s9 =	simm.s32 $0x2  }
0x3: {  	s10 =	simm.s32 $0x6000;
	s11 =	simm.s32 $0x2000;
	s12 =	simm.s32 $0x8000  }
0x4: {  	s13 =	simm.s32 $0x1;
	s14 =	simm.s32 $0xA000;
	s15 =	simm.s32 $0xC000  }
0x5: {  	s16 =	simm.s32 $0x0;
	s4 =	sand.u32 $0x1, s2;
	s2 =	simm.s32 $0x0  }
0x6: {  	s5 =	sshll.u32 s1, $0xB;
	s6 =	sshll.u32 s4, $0xA;
	[smem:$0x7FF] =	sst s2  }
0x7: {  	s4 =	ssub.s32 $0x2, s4;
	s5 =	sor.u32 s6, s5;
	_ =	strace $0x80000047  }
0x8: {  	s31 =	sshrl.u32 s4, $0x1;
	s7 =	sadd.s32 s5, s3;
	s3 =	sadd.s32 $0x2800, s3  }
0x9: {  	s8 =	ssub.s32 s4, s31;
	s4 =	sadd.s32 $0x4000, s7;
	s5 =	sadd.s32 $0xC000, s7  }
0xa: {  	s6 =	sadd.s32 $0x14000, s7;
	s7 =	sadd.s32 $0x1C000, s7;
	s8 =	smax.u32 s8, $0x1  }
.LBB2_1:
0xb: {  	[tilespmem:s2], [sflag:$0x2] =	stream.linear.gather [hbm4b:s4+s2], $0x2000, $0x38;
	[tilespmem:$0xE000] =	vst v63  }
0xc: {  	_ =	swait.ge [sflag:s9], $0x2000  }
0xd: {  	[sflag:s9] =	ssyncset.done $0x0  }
0xe: {  	[sflag:s9] =	ssyncadd.s32 $0xFFFFE000  }
0xf: {  	v0 =	vld [tilespmem:s2+$0x0];
	_ =	sdelay $0x4  }
0x10: {  	v0 =	vmul.u32 $0x3, v0;
	_ =	sdelay $0x1  }
0x11: {  	s18 =	sand.u32 $0x1FF0, s2;
	[tilespmem:s11+$0x0] =	vst v0;
	v1 =	vadd.s32 $0x2, v0  }
0x12: {  	v0 =	vadd.s32 $0x1, v0;
	[tilespmem:s18+$0x6000] =	vst v1  }
0x13: {  	s17 =	simm.s32 $0x10;
	[tilespmem:s18+$0x4000] =	vst v0  }
0x14: {  	s19 =	simm.s32 $0x20;
	s20 =	simm.s32 $0x10;
	s18 =	simm.s32 $0x2000;
	v0 =	vld [tilespmem:s17+$0x0]  }
.LBB2_2:
0x15: {  	p0 =	sne.s32 s19, $0x1FF0;
	_ =	sdelay $0x3  }
0x16: {  	v0 =	vmul.u32 $0x3, v0  }
.Ltmp0:
0x17: {  	s18 =	sadd.s32 $0x10, s18;
	(pc) =	sbr.rel @p0 .LBB2_2-.Ltmp0, $4  }
0x18: {  	s21 =	sand.u32 $0x1FF0, s17;
	s17 =	smov.u32 s19;
	[tilespmem:s18+$0x0] =	vst v0;
	v1 =	vadd.s32 $0x1, v0;
	v0 =	vadd.s32 $0x2, v0  }
0x19: {  	[tilespmem:s21+$0x6000] =	vst v0  }
0x1a: {  	s20 =	sadd.s32 $0x10, s20;
	[tilespmem:s21+$0x4000] =	vst v1  }
0x1b: {  	s19 =	sadd.s32 $0x10, s19;
	v0 =	vld [tilespmem:s20+$0x0]  }
0x1c: {  	_ =	sdelay $0x3  }
0x1d: {  	v0 =	vmul.u32 $0x3, v0  }
0x1e: {  	s18 =	sadd.s32 $0x10, s18  }
0x1f: {  	s17 =	sand.u32 $0x1FF0, s17;
	[tilespmem:s18+$0x0] =	vst v0;
	v1 =	vadd.s32 $0x2, v0  }
0x20: {  	v0 =	vadd.s32 $0x1, v0;
	[tilespmem:s17+$0x6000] =	vst v1  }
0x21: {  	[tilespmem:s17+$0x4000] =	vst v0  }
0x22: {  	[tilespmem:s12], [sflag:$0x1] =	stream.indirect.gather [hbm4b:s3+s10], $0x1, s11, s10, $0xb8;
	[tilespmem:$0xE000] =	vst v63  }
0x23: {  	_ =	swait.ge [sflag:s13], $0x6000  }
0x24: {  	[sflag:s13] =	ssyncset.done $0x0  }
0x25: {  	[sflag:s13] =	ssyncadd.s32 $0xFFFFA000  }
0x26: {  	[hbm4b:s5+s2] =	stream.linear.scatter [tilespmem:s12], [sflag:$0x2], $0x2000, $0x38;
	[tilespmem:$0xE000] =	vst v63  }
0x27: {  	_ =	swait.ge [sflag:s9], $0x2000  }
0x28: {  	[sflag:s9] =	ssyncset.done $0x0  }
0x29: {  	[sflag:s9] =	ssyncadd.s32 $0xFFFFE000  }
0x2a: {  	[hbm4b:s6+s2] =	stream.linear.scatter [tilespmem:s14], [sflag:$0x2], $0x2000, $0x38;
	[tilespmem:$0xE000] =	vst v63  }
0x2b: {  	s16 =	sadd.s32 $0x1, s16;
	_ =	swait.ge [sflag:s9], $0x2000  }
0x2c: {  	p0 =	sne.s32 s16, s8;
	[sflag:s9] =	ssyncset.done $0x0  }
.Ltmp1:
0x2d: {  	[sflag:s9] =	ssyncadd.s32 $0xFFFFE000;
	(pc) =	sbr.rel @p0 .LBB2_1-.Ltmp1, $4  }
0x2e: {  	[hbm4b:s7+s2] =	stream.linear.scatter [tilespmem:s15], [sflag:$0x2], $0x2000, $0x38;
	[tilespmem:$0xE000] =	vst v63  }
0x2f: {  	_ =	swait.ge [sflag:s9], $0x2000  }
0x30: {  	[sflag:s9] =	ssyncset.done $0x0  }
0x31: {  	[sflag:s9] =	ssyncadd.s32 $0xFFFFE000  }
0x32: {  	_ =	sfence.sel $0x180000  }
0x33: {  	[bflag:$0x0] =	sbarrier.arrive $0xFFFF  }
0x34: {  	p0 =	sne.s32 s1, $0x0;
	_ =	strace $0x90000047  }
0x35: {  	s0 =	sadd.s32 @!p0 $0x100000, s0;
	[bflag:$0x2] =	sbarrier.arrive $0xFFFF  }
0x36: {  	[sflag:s0] =	ssyncadd.tile.s32 @!p0 $0x1;
	_ =	shalt  }
.Lfunc_end2:
_tile_overlayer_lowered:
.L_overlay_start_2:
0x37: {  	(tag) =	ssettag $0x2  }
0x38: {  	s0 =	rddreg [dreg:$0x0];
	s2 =	stileid.u32  }
0x39: {  	s1 =	rddreg [dreg:$0x1];
	p0 =	sne.s32 s2, $0x0  }
0x3a: {  	s3 =	rddreg [dreg:$0x2];
	[bflag:$0x3] =	sbarrier.arrive $0xFFFF;
	s2 =	simm.s32 @!p0 $0x1C02  }
0x3b: {  	[timem:s3], [sflag:s2] =	dma.local @!p0 [hbm:s0], s1  }
0x3c: {  	s0 =	simm.s32 @!p0 $0x2  }
0x3d: {  	_ =	swait.ge @!p0 [sflag:s0], s1  }
0x3e: {  	s1 =	ssub.s32 @!p0 $0x0, s1;
	[sflag:s0] =	ssyncset.done @!p0 $0x0  }
0x3f: {  	[sflag:s0] =	ssyncadd.s32 @!p0 s1  }
0x40: {  	[bflag:$0x3] =	sbarrier.arrive $0xFFFF  }
0x41: {  	_ =	shalt  }

</sc_bundles>
